<compile_context>
chip_gen: v7x
topology: tpu7x:2x2x1
jax: 0.10.2.dev20260603
libtpu: 0.0.44.dev20260713+nightly
codegen_flags: <defaults>
</compile_context>

<pallas_src>
import functools
import math

import jax
import jax.numpy as jnp
from jax import lax
from jax.experimental import pallas as pl
from jax.experimental.pallas import tpu as pltpu
from jax.experimental.pallas import tpu_sc as plsc

D_MODEL = 64
NUM_CORES = 2
NUM_SUBCORES = 16
NUM_WORKERS = NUM_CORES * NUM_SUBCORES
SEQ = 200
SPLIT = 128
LANES = 16
NBUF = 4
LEAD = 2


def _emb_body(tok_hbm, table_hbm, out_hbm, idx_v, rows_v, *sems):
    scale = math.sqrt(D_MODEL)
    gsems, osems = sems[:NBUF], sems[NBUF:]
    rows_per_w = tok_hbm.shape[0] // NUM_WORKERS
    wid = lax.axis_index("s") * NUM_CORES + lax.axis_index("c")
    row0 = wid * rows_per_w
    pltpu.sync_copy(tok_hbm.at[pl.ds(row0, rows_per_w)], idx_v)

    def gather_pair(r, t, start):
        a = pltpu.make_async_copy(
            table_hbm.at[idx_v.at[r, pl.ds(0, SPLIT)]],
            rows_v.at[t, pl.ds(0, SPLIT)], gsems[t])
        b = pltpu.make_async_copy(
            table_hbm.at[idx_v.at[r, pl.ds(SPLIT, SEQ - SPLIT)]],
            rows_v.at[t, pl.ds(SPLIT, SEQ - SPLIT)], gsems[t])
        if start:
            a.start()
            b.start()
        else:
            a.wait()
            b.wait()

    for t in range(LEAD):
        gather_pair(t, t, True)

    @pl.loop(0, rows_per_w, step=NBUF)
    def group(r0):
        for t in range(NBUF):
            r = r0 + t
            gather_pair(r, t, False)

            @pl.loop(0, SEQ, unroll=8)
            def row(q):
                for c in range(D_MODEL // LANES):
                    sl = pl.ds(c * LANES, LANES)
                    rows_v[t, q, sl] = rows_v[t, q, sl] * scale

            pltpu.async_copy(rows_v.at[t], out_hbm.at[row0 + r], osems[t])

            rn = r + LEAD
            tn = (t + LEAD) % NBUF

            @pl.when(rn < rows_per_w)
            def _():
                @pl.when(rn >= NBUF)
                def _():
                    pltpu.make_async_copy(
                        rows_v.at[tn], out_hbm.at[row0 + rn - NBUF],
                        osems[tn]).wait()
                gather_pair(rn, tn, True)

    for t in range(NBUF):
        pltpu.make_async_copy(
            rows_v.at[t], out_hbm.at[row0 + rows_per_w - NBUF + t],
            osems[t]).wait()


def kernel(tokens, embedding_weight):
    b, s = tokens.shape
    tok = tokens.astype(jnp.int32)

    mesh = plsc.VectorSubcoreMesh(
        core_axis_name="c", subcore_axis_name="s",
        num_cores=NUM_CORES, num_subcores=NUM_SUBCORES)

    emb = functools.partial(
        pl.kernel,
        out_type=jax.ShapeDtypeStruct((b, s, D_MODEL), jnp.float32),
        mesh=mesh,
        scratch_types=[
            pltpu.VMEM((b // NUM_WORKERS, s), jnp.int32),
            pltpu.VMEM((NBUF, SEQ, D_MODEL), jnp.float32),
        ] + [pltpu.SemaphoreType.DMA] * (2 * NBUF),
        compiler_params=pltpu.CompilerParams(use_tc_tiling_on_sc=False),
    )(_emb_body)

    return emb(tok, embedding_weight)

# --- scband reference (transcript-rebuilt; emitter-appended) ---
"""Pipeline reference for scband-token-embedding-28183575396469 (READ-ONLY COPY).

The authoritative reference and input builder live on the scoring server;
editing this copy changes nothing except your own understanding.
"""

import jax, jax.numpy as jnp
import numpy as np
import math

VOCAB = 1000000
D_MODEL = 64

def setup_inputs(seed: int = 0) -> dict:
    key = jax.random.key(seed)
    k_tok, k_emb = jax.random.split(key)
    tokens = jax.random.randint(k_tok, (1024, 200), 0, VOCAB, dtype=jnp.int32).astype(jnp.int64)
    embedding_weight = jax.random.normal(k_emb, (VOCAB, D_MODEL), dtype=jnp.float32)
    return {"tokens": tokens, "embedding_weight": embedding_weight}

def reference(tokens, embedding_weight):
    # TokenEmbedding.forward: self.embedding(tokens.long()) * sqrt(d_model)
    emb = jnp.take(embedding_weight, tokens.astype(jnp.int32), axis=0)
    return emb * math.sqrt(D_MODEL)

if __name__ == "__main__":
    import jax
    _d = setup_inputs()
    print(jax.jit(kernel)(*tuple(_d.values())))

</pallas_src>

<mosaic_0001>
#map = affine_map<(d0, d1) -> (0, 0)>
#map1 = affine_map<(d0, d1) -> (0, 0, 0)>
module attributes {stable_mosaic.version = 14 : i64} {
  func.func @_emb_body(%arg0: i32, %arg1: i32, %arg2: memref<1024x200xi32, #tpu.memory_space<hbm>>, %arg3: memref<1000000x64xf32, #tpu.memory_space<hbm>>, %arg4: memref<1024x200x64xf32, #tpu.memory_space<hbm>>, %arg5: memref<32x200xi32, #tpu.memory_space<vmem>>, %arg6: memref<4x200x64xf32, #tpu.memory_space<vmem>>, %arg7: memref<!tpu.dma_semaphore, #tpu.memory_space<semaphore_mem>>, %arg8: memref<!tpu.dma_semaphore, #tpu.memory_space<semaphore_mem>>, %arg9: memref<!tpu.dma_semaphore, #tpu.memory_space<semaphore_mem>>, %arg10: memref<!tpu.dma_semaphore, #tpu.memory_space<semaphore_mem>>, %arg11: memref<!tpu.dma_semaphore, #tpu.memory_space<semaphore_mem>>, %arg12: memref<!tpu.dma_semaphore, #tpu.memory_space<semaphore_mem>>, %arg13: memref<!tpu.dma_semaphore, #tpu.memory_space<semaphore_mem>>, %arg14: memref<!tpu.dma_semaphore, #tpu.memory_space<semaphore_mem>>) attributes {dimension_semantics = [#tpu.dimension_semantics<core_parallel>, #tpu.dimension_semantics<subcore_parallel>], iteration_bounds = array<i64: 2, 16>, scalar_prefetch = 0 : i64, scratch_operands = 10 : i64, tpu.core_type = #tpu.core_type<sc_vector_subcore>, window_params = [{transform_indices = #map}, {transform_indices = #map}, {transform_indices = #map1}]} {
    %mul3A = arith.constant 2 : i32
    %mul3A_0 = arith.muli %arg1, %mul3A : i32
    %add3A = arith.addi %mul3A_0, %arg0 : i32
    %mul3A_1 = arith.constant 32 : i32
    %mul3A_2 = arith.muli %add3A, %mul3A_1 : i32
    "tpu.region"() ({
      %run_scoped3A = tpu.sem_alloc : memref<!tpu.dma_semaphore, #tpu.memory_space<semaphore_mem>>
      %dma_start3A_144 = arith.constant 0 : i32
      %dma_start3A_145 = tpu.memref_slice %arg2[%mul3A_2, %dma_start3A_144] : memref<1024x200xi32, #tpu.memory_space<hbm>> -> memref<32x200xi32, #tpu.memory_space<hbm>>
      %dma_start3A_146 = arith.constant 0 : i32
      %dma_start3A_147 = tpu.memref_slice %arg2[%mul3A_2, %dma_start3A_146] : memref<1024x200xi32, #tpu.memory_space<hbm>> -> memref<32x200xi32, #tpu.memory_space<hbm>>
      tpu.enqueue_dma source(%dma_start3A_147 : memref<32x200xi32, #tpu.memory_space<hbm>>) target(%arg5 : memref<32x200xi32, #tpu.memory_space<vmem>>) target_semaphore(%run_scoped3A : memref<!tpu.dma_semaphore, #tpu.memory_space<semaphore_mem>>)
      %dma_wait3A_148 = arith.constant 0 : i32
      %dma_wait3A_149 = tpu.memref_slice %arg2[%mul3A_2, %dma_wait3A_148] : memref<1024x200xi32, #tpu.memory_space<hbm>> -> memref<32x200xi32, #tpu.memory_space<hbm>>
      %dma_wait3A_150 = arith.constant 0 : i32
      %dma_wait3A_151 = tpu.memref_slice %arg2[%mul3A_2, %dma_wait3A_150] : memref<1024x200xi32, #tpu.memory_space<hbm>> -> memref<32x200xi32, #tpu.memory_space<hbm>>
      tpu.wait_dma2 semaphore(%run_scoped3A : memref<!tpu.dma_semaphore, #tpu.memory_space<semaphore_mem>>) src(%dma_wait3A_151 : memref<32x200xi32, #tpu.memory_space<hbm>>) dst(%arg5 : memref<32x200xi32, #tpu.memory_space<vmem>>)
      tpu.yield
    }) : () -> ()
    %dma_start3A = arith.constant 0 : i32
    %dma_start3A_3 = arith.constant 0 : i32
    %dma_start3A_4 = arith.constant 0 : i32
    %dma_start3A_5 = arith.constant 0 : i32
    %dma_start3A_6 = tpu.memref_slice %arg6[%dma_start3A_3, %dma_start3A_4, %dma_start3A_5] : memref<4x200x64xf32, #tpu.memory_space<vmem>> -> memref<1x128x64xf32, #tpu.memory_space<vmem>>
    %dma_start3A_7 = tpu.memref_squeeze %dma_start3A_6 : memref<1x128x64xf32, #tpu.memory_space<vmem>> -> memref<128x64xf32, #tpu.memory_space<vmem>>
    %dma_start3A_8 = arith.constant 0 : i32
    %dma_start3A_9 = tpu.memref_slice %arg5[%dma_start3A, %dma_start3A_8] : memref<32x200xi32, #tpu.memory_space<vmem>> -> memref<1x128xi32, #tpu.memory_space<vmem>>
    %dma_start3A_10 = tpu.memref_squeeze %dma_start3A_9 : memref<1x128xi32, #tpu.memory_space<vmem>> -> memref<128xi32, #tpu.memory_space<vmem>>
    %dma_start3A_11 = arith.constant 0 : i32
    %dma_start3A_12 = arith.constant 0 : i32
    %dma_start3A_13 = tpu.memref_slice %arg3[%dma_start3A_11, %dma_start3A_12] : memref<1000000x64xf32, #tpu.memory_space<hbm>> -> memref<1000000x64xf32, #tpu.memory_space<hbm>>
    tpu.enqueue_indirect_dma source(%dma_start3A_13 : memref<1000000x64xf32, #tpu.memory_space<hbm>>) target(%dma_start3A_7 : memref<128x64xf32, #tpu.memory_space<vmem>>) offsets(%dma_start3A_10 : memref<128xi32, #tpu.memory_space<vmem>>) semaphore(%arg7 : memref<!tpu.dma_semaphore, #tpu.memory_space<semaphore_mem>>)
    %dma_start3A_14 = arith.constant 0 : i32
    %dma_start3A_15 = arith.constant 0 : i32
    %dma_start3A_16 = arith.constant 128 : i32
    %dma_start3A_17 = arith.constant 0 : i32
    %dma_start3A_18 = tpu.memref_slice %arg6[%dma_start3A_15, %dma_start3A_16, %dma_start3A_17] : memref<4x200x64xf32, #tpu.memory_space<vmem>> -> memref<1x72x64xf32, #tpu.memory_space<vmem>>
    %dma_start3A_19 = tpu.memref_squeeze %dma_start3A_18 : memref<1x72x64xf32, #tpu.memory_space<vmem>> -> memref<72x64xf32, #tpu.memory_space<vmem>>
    %dma_start3A_20 = arith.constant 128 : i32
    %dma_start3A_21 = tpu.memref_slice %arg5[%dma_start3A_14, %dma_start3A_20] : memref<32x200xi32, #tpu.memory_space<vmem>> -> memref<1x72xi32, #tpu.memory_space<vmem>>
    %dma_start3A_22 = tpu.memref_squeeze %dma_start3A_21 : memref<1x72xi32, #tpu.memory_space<vmem>> -> memref<72xi32, #tpu.memory_space<vmem>>
    %dma_start3A_23 = arith.constant 0 : i32
    %dma_start3A_24 = arith.constant 0 : i32
    %dma_start3A_25 = tpu.memref_slice %arg3[%dma_start3A_23, %dma_start3A_24] : memref<1000000x64xf32, #tpu.memory_space<hbm>> -> memref<1000000x64xf32, #tpu.memory_space<hbm>>
    tpu.enqueue_indirect_dma source(%dma_start3A_25 : memref<1000000x64xf32, #tpu.memory_space<hbm>>) target(%dma_start3A_19 : memref<72x64xf32, #tpu.memory_space<vmem>>) offsets(%dma_start3A_22 : memref<72xi32, #tpu.memory_space<vmem>>) semaphore(%arg7 : memref<!tpu.dma_semaphore, #tpu.memory_space<semaphore_mem>>)
    %dma_start3A_26 = arith.constant 1 : i32
    %dma_start3A_27 = arith.constant 1 : i32
    %dma_start3A_28 = arith.constant 0 : i32
    %dma_start3A_29 = arith.constant 0 : i32
    %dma_start3A_30 = tpu.memref_slice %arg6[%dma_start3A_27, %dma_start3A_28, %dma_start3A_29] : memref<4x200x64xf32, #tpu.memory_space<vmem>> -> memref<1x128x64xf32, #tpu.memory_space<vmem>>
    %dma_start3A_31 = tpu.memref_squeeze %dma_start3A_30 : memref<1x128x64xf32, #tpu.memory_space<vmem>> -> memref<128x64xf32, #tpu.memory_space<vmem>>
    %dma_start3A_32 = arith.constant 0 : i32
    %dma_start3A_33 = tpu.memref_slice %arg5[%dma_start3A_26, %dma_start3A_32] : memref<32x200xi32, #tpu.memory_space<vmem>> -> memref<1x128xi32, #tpu.memory_space<vmem>>
    %dma_start3A_34 = tpu.memref_squeeze %dma_start3A_33 : memref<1x128xi32, #tpu.memory_space<vmem>> -> memref<128xi32, #tpu.memory_space<vmem>>
    %dma_start3A_35 = arith.constant 0 : i32
    %dma_start3A_36 = arith.constant 0 : i32
    %dma_start3A_37 = tpu.memref_slice %arg3[%dma_start3A_35, %dma_start3A_36] : memref<1000000x64xf32, #tpu.memory_space<hbm>> -> memref<1000000x64xf32, #tpu.memory_space<hbm>>
    tpu.enqueue_indirect_dma source(%dma_start3A_37 : memref<1000000x64xf32, #tpu.memory_space<hbm>>) target(%dma_start3A_31 : memref<128x64xf32, #tpu.memory_space<vmem>>) offsets(%dma_start3A_34 : memref<128xi32, #tpu.memory_space<vmem>>) semaphore(%arg8 : memref<!tpu.dma_semaphore, #tpu.memory_space<semaphore_mem>>)
    %dma_start3A_38 = arith.constant 1 : i32
    %dma_start3A_39 = arith.constant 1 : i32
    %dma_start3A_40 = arith.constant 128 : i32
    %dma_start3A_41 = arith.constant 0 : i32
    %dma_start3A_42 = tpu.memref_slice %arg6[%dma_start3A_39, %dma_start3A_40, %dma_start3A_41] : memref<4x200x64xf32, #tpu.memory_space<vmem>> -> memref<1x72x64xf32, #tpu.memory_space<vmem>>
    %dma_start3A_43 = tpu.memref_squeeze %dma_start3A_42 : memref<1x72x64xf32, #tpu.memory_space<vmem>> -> memref<72x64xf32, #tpu.memory_space<vmem>>
    %dma_start3A_44 = arith.constant 128 : i32
    %dma_start3A_45 = tpu.memref_slice %arg5[%dma_start3A_38, %dma_start3A_44] : memref<32x200xi32, #tpu.memory_space<vmem>> -> memref<1x72xi32, #tpu.memory_space<vmem>>
    %dma_start3A_46 = tpu.memref_squeeze %dma_start3A_45 : memref<1x72xi32, #tpu.memory_space<vmem>> -> memref<72xi32, #tpu.memory_space<vmem>>
    %dma_start3A_47 = arith.constant 0 : i32
    %dma_start3A_48 = arith.constant 0 : i32
    %dma_start3A_49 = tpu.memref_slice %arg3[%dma_start3A_47, %dma_start3A_48] : memref<1000000x64xf32, #tpu.memory_space<hbm>> -> memref<1000000x64xf32, #tpu.memory_space<hbm>>
    tpu.enqueue_indirect_dma source(%dma_start3A_49 : memref<1000000x64xf32, #tpu.memory_space<hbm>>) target(%dma_start3A_43 : memref<72x64xf32, #tpu.memory_space<vmem>>) offsets(%dma_start3A_46 : memref<72xi32, #tpu.memory_space<vmem>>) semaphore(%arg8 : memref<!tpu.dma_semaphore, #tpu.memory_space<semaphore_mem>>)
    %scan3A = arith.constant 0 : i32
    %scan3A_50 = arith.constant 8 : i32
    %scan3A_51 = arith.addi %scan3A, %scan3A_50 : i32
    %scan3A_52 = arith.constant 1 : i32
    scf.for %scan3A_144 = %scan3A to %scan3A_51 step %scan3A_52  : i32 {
      %mul3A_145 = arith.constant 4 : i32
      %mul3A_146 = arith.muli %scan3A_144, %mul3A_145 : i32
      %add3A_147 = arith.constant 0 : i32
      %add3A_148 = arith.addi %add3A_147, %mul3A_146 : i32
      %add3A_149 = arith.constant 0 : i32
      %add3A_150 = arith.addi %add3A_148, %add3A_149 : i32
      %dma_wait3A_151 = arith.constant 0 : i32
      %dma_wait3A_152 = arith.constant 0 : i32
      %dma_wait3A_153 = arith.constant 0 : i32
      %dma_wait3A_154 = tpu.memref_slice %arg6[%dma_wait3A_151, %dma_wait3A_152, %dma_wait3A_153] : memref<4x200x64xf32, #tpu.memory_space<vmem>> -> memref<1x128x64xf32, #tpu.memory_space<vmem>>
      %dma_wait3A_155 = tpu.memref_squeeze %dma_wait3A_154 : memref<1x128x64xf32, #tpu.memory_space<vmem>> -> memref<128x64xf32, #tpu.memory_space<vmem>>
      %dma_wait3A_156 = arith.constant 0 : i32
      %dma_wait3A_157 = tpu.memref_slice %arg5[%add3A_150, %dma_wait3A_156] : memref<32x200xi32, #tpu.memory_space<vmem>> -> memref<1x128xi32, #tpu.memory_space<vmem>>
      %dma_wait3A_158 = tpu.memref_squeeze %dma_wait3A_157 : memref<1x128xi32, #tpu.memory_space<vmem>> -> memref<128xi32, #tpu.memory_space<vmem>>
      %dma_wait3A_159 = arith.constant 0 : i32
      %dma_wait3A_160 = arith.constant 0 : i32
      %dma_wait3A_161 = tpu.memref_slice %arg3[%dma_wait3A_159, %dma_wait3A_160] : memref<1000000x64xf32, #tpu.memory_space<hbm>> -> memref<1000000x64xf32, #tpu.memory_space<hbm>>
      tpu.wait_indirect_dma semaphore(%arg7 : memref<!tpu.dma_semaphore, #tpu.memory_space<semaphore_mem>>) src(%dma_wait3A_161 : memref<1000000x64xf32, #tpu.memory_space<hbm>>) dst(%dma_wait3A_155 : memref<128x64xf32, #tpu.memory_space<vmem>>)
      %dma_wait3A_162 = arith.constant 0 : i32
      %dma_wait3A_163 = arith.constant 128 : i32
      %dma_wait3A_164 = arith.constant 0 : i32
      %dma_wait3A_165 = tpu.memref_slice %arg6[%dma_wait3A_162, %dma_wait3A_163, %dma_wait3A_164] : memref<4x200x64xf32, #tpu.memory_space<vmem>> -> memref<1x72x64xf32, #tpu.memory_space<vmem>>
      %dma_wait3A_166 = tpu.memref_squeeze %dma_wait3A_165 : memref<1x72x64xf32, #tpu.memory_space<vmem>> -> memref<72x64xf32, #tpu.memory_space<vmem>>
      %dma_wait3A_167 = arith.constant 128 : i32
      %dma_wait3A_168 = tpu.memref_slice %arg5[%add3A_150, %dma_wait3A_167] : memref<32x200xi32, #tpu.memory_space<vmem>> -> memref<1x72xi32, #tpu.memory_space<vmem>>
      %dma_wait3A_169 = tpu.memref_squeeze %dma_wait3A_168 : memref<1x72xi32, #tpu.memory_space<vmem>> -> memref<72xi32, #tpu.memory_space<vmem>>
      %dma_wait3A_170 = arith.constant 0 : i32
      %dma_wait3A_171 = arith.constant 0 : i32
      %dma_wait3A_172 = tpu.memref_slice %arg3[%dma_wait3A_170, %dma_wait3A_171] : memref<1000000x64xf32, #tpu.memory_space<hbm>> -> memref<1000000x64xf32, #tpu.memory_space<hbm>>
      tpu.wait_indirect_dma semaphore(%arg7 : memref<!tpu.dma_semaphore, #tpu.memory_space<semaphore_mem>>) src(%dma_wait3A_172 : memref<1000000x64xf32, #tpu.memory_space<hbm>>) dst(%dma_wait3A_166 : memref<72x64xf32, #tpu.memory_space<vmem>>)
      %scan3A_173 = arith.constant 0 : i32
      %scan3A_174 = arith.constant 200 : i32
      %scan3A_175 = arith.addi %scan3A_173, %scan3A_174 : i32
      %scan3A_176 = arith.constant 8 : i32
      scf.for %scan3A_362 = %scan3A_173 to %scan3A_175 step %scan3A_176  : i32 {
        %mul3A_363 = arith.constant 1 : i32
        %mul3A_364 = arith.muli %scan3A_362, %mul3A_363 : i32
        %add3A_365 = arith.constant 0 : i32
        %add3A_366 = arith.addi %add3A_365, %mul3A_364 : i32
        %get3A = arith.constant 0 : i32
        %get3A_367 = arith.index_cast %get3A : i32 to index
        %get3A_368 = arith.index_cast %add3A_366 : i32 to index
        %get3A_369 = arith.constant 0 : index
        %get3A_370 = tpu.vector_load %arg6[%get3A_367, %get3A_368, %get3A_369] {strides = array<i32>} : memref<4x200x64xf32, #tpu.memory_space<vmem>>, vector<1x1x16xf32>,
        %get3A_371 = vector.shape_cast %get3A_370 : vector<1x1x16xf32> to vector<16xf32>
        %mul3A_372 = arith.constant 8.000000e+00 : f32
        %mul3A_373 = vector.broadcast %mul3A_372 : f32 to vector<16xf32>
        %mul3A_374 = arith.mulf %get3A_371, %mul3A_373 : vector<16xf32>
        %swap3A = arith.constant 0 : i32
        %swap3A_375 = arith.index_cast %swap3A : i32 to index
        %swap3A_376 = arith.index_cast %add3A_366 : i32 to index
        %swap3A_377 = arith.constant 0 : index
        %swap3A_378 = tpu.vector_load %arg6[%swap3A_375, %swap3A_376, %swap3A_377] {strides = array<i32>} : memref<4x200x64xf32, #tpu.memory_space<vmem>>, vector<1x1x16xf32>,
        %swap3A_379 = vector.shape_cast %swap3A_378 : vector<1x1x16xf32> to vector<16xf32>
        %swap3A_380 = vector.shape_cast %mul3A_374 : vector<16xf32> to vector<1x1x16xf32>
        tpu.vector_store %arg6[%swap3A_375, %swap3A_376, %swap3A_377], %swap3A_380 {strides = array<i32>} : memref<4x200x64xf32, #tpu.memory_space<vmem>>, vector<1x1x16xf32>,
        %get3A_381 = arith.constant 0 : i32
        %get3A_382 = arith.index_cast %get3A_381 : i32 to index
        %get3A_383 = arith.index_cast %add3A_366 : i32 to index
        %get3A_384 = arith.constant 16 : index
        %get3A_385 = tpu.vector_load %arg6[%get3A_382, %get3A_383, %get3A_384] {strides = array<i32>} : memref<4x200x64xf32, #tpu.memory_space<vmem>>, vector<1x1x16xf32>,
        %get3A_386 = vector.shape_cast %get3A_385 : vector<1x1x16xf32> to vector<16xf32>
        %mul3A_387 = arith.constant 8.000000e+00 : f32
        %mul3A_388 = vector.broadcast %mul3A_387 : f32 to vector<16xf32>
        %mul3A_389 = arith.mulf %get3A_386, %mul3A_388 : vector<16xf32>
        %swap3A_390 = arith.constant 0 : i32
        %swap3A_391 = arith.index_cast %swap3A_390 : i32 to index
        %swap3A_392 = arith.index_cast %add3A_366 : i32 to index
        %swap3A_393 = arith.constant 16 : index
        %swap3A_394 = tpu.vector_load %arg6[%swap3A_391, %swap3A_392, %swap3A_393] {strides = array<i32>} : memref<4x200x64xf32, #tpu.memory_space<vmem>>, vector<1x1x16xf32>,
        %swap3A_395 = vector.shape_cast %swap3A_394 : vector<1x1x16xf32> to vector<16xf32>
        %swap3A_396 = vector.shape_cast %mul3A_389 : vector<16xf32> to vector<1x1x16xf32>
        tpu.vector_store %arg6[%swap3A_391, %swap3A_392, %swap3A_393], %swap3A_396 {strides = array<i32>} : memref<4x200x64xf32, #tpu.memory_space<vmem>>, vector<1x1x16xf32>,
        %get3A_397 = arith.constant 0 : i32
        %get3A_398 = arith.index_cast %get3A_397 : i32 to index
        %get3A_399 = arith.index_cast %add3A_366 : i32 to index
        %get3A_400 = arith.constant 32 : index
        %get3A_401 = tpu.vector_load %arg6[%get3A_398, %get3A_399, %get3A_400] {strides = array<i32>} : memref<4x200x64xf32, #tpu.memory_space<vmem>>, vector<1x1x16xf32>,
        %get3A_402 = vector.shape_cast %get3A_401 : vector<1x1x16xf32> to vector<16xf32>
        %mul3A_403 = arith.constant 8.000000e+00 : f32
        %mul3A_404 = vector.broadcast %mul3A_403 : f32 to vector<16xf32>
        %mul3A_405 = arith.mulf %get3A_402, %mul3A_404 : vector<16xf32>
        %swap3A_406 = arith.constant 0 : i32
        %swap3A_407 = arith.index_cast %swap3A_406 : i32 to index
        %swap3A_408 = arith.index_cast %add3A_366 : i32 to index
        %swap3A_409 = arith.constant 32 : index
        %swap3A_410 = tpu.vector_load %arg6[%swap3A_407, %swap3A_408, %swap3A_409] {strides = array<i32>} : memref<4x200x64xf32, #tpu.memory_space<vmem>>, vector<1x1x16xf32>,
        %swap3A_411 = vector.shape_cast %swap3A_410 : vector<1x1x16xf32> to vector<16xf32>
        %swap3A_412 = vector.shape_cast %mul3A_405 : vector<16xf32> to vector<1x1x16xf32>
        tpu.vector_store %arg6[%swap3A_407, %swap3A_408, %swap3A_409], %swap3A_412 {strides = array<i32>} : memref<4x200x64xf32, #tpu.memory_space<vmem>>, vector<1x1x16xf32>,
        %get3A_413 = arith.constant 0 : i32
        %get3A_414 = arith.index_cast %get3A_413 : i32 to index
        %get3A_415 = arith.index_cast %add3A_366 : i32 to index
        %get3A_416 = arith.constant 48 : index
        %get3A_417 = tpu.vector_load %arg6[%get3A_414, %get3A_415, %get3A_416] {strides = array<i32>} : memref<4x200x64xf32, #tpu.memory_space<vmem>>, vector<1x1x16xf32>,
        %get3A_418 = vector.shape_cast %get3A_417 : vector<1x1x16xf32> to vector<16xf32>
        %mul3A_419 = arith.constant 8.000000e+00 : f32
        %mul3A_420 = vector.broadcast %mul3A_419 : f32 to vector<16xf32>
        %mul3A_421 = arith.mulf %get3A_418, %mul3A_420 : vector<16xf32>
        %swap3A_422 = arith.constant 0 : i32
        %swap3A_423 = arith.index_cast %swap3A_422 : i32 to index
        %swap3A_424 = arith.index_cast %add3A_366 : i32 to index
        %swap3A_425 = arith.constant 48 : index
        %swap3A_426 = tpu.vector_load %arg6[%swap3A_423, %swap3A_424, %swap3A_425] {strides = array<i32>} : memref<4x200x64xf32, #tpu.memory_space<vmem>>, vector<1x1x16xf32>,
        %swap3A_427 = vector.shape_cast %swap3A_426 : vector<1x1x16xf32> to vector<16xf32>
        %swap3A_428 = vector.shape_cast %mul3A_421 : vector<16xf32> to vector<1x1x16xf32>
        tpu.vector_store %arg6[%swap3A_423, %swap3A_424, %swap3A_425], %swap3A_428 {strides = array<i32>} : memref<4x200x64xf32, #tpu.memory_space<vmem>>, vector<1x1x16xf32>,
        %scan3A_429 = arith.constant 1 : i32
        %scan3A_430 = arith.addi %scan3A_362, %scan3A_429 : i32
        %mul3A_431 = arith.constant 1 : i32
        %mul3A_432 = arith.muli %scan3A_430, %mul3A_431 : i32
        %add3A_433 = arith.constant 0 : i32
        %add3A_434 = arith.addi %add3A_433, %mul3A_432 : i32
        %get3A_435 = arith.constant 0 : i32
        %get3A_436 = arith.index_cast %get3A_435 : i32 to index
        %get3A_437 = arith.index_cast %add3A_434 : i32 to index
        %get3A_438 = arith.constant 0 : index
        %get3A_439 = tpu.vector_load %arg6[%get3A_436, %get3A_437, %get3A_438] {strides = array<i32>} : memref<4x200x64xf32, #tpu.memory_space<vmem>>, vector<1x1x16xf32>,
        %get3A_440 = vector.shape_cast %get3A_439 : vector<1x1x16xf32> to vector<16xf32>
        %mul3A_441 = arith.constant 8.000000e+00 : f32
        %mul3A_442 = vector.broadcast %mul3A_441 : f32 to vector<16xf32>
        %mul3A_443 = arith.mulf %get3A_440, %mul3A_442 : vector<16xf32>
        %swap3A_444 = arith.constant 0 : i32
        %swap3A_445 = arith.index_cast %swap3A_444 : i32 to index
        %swap3A_446 = arith.index_cast %add3A_434 : i32 to index
        %swap3A_447 = arith.constant 0 : index
        %swap3A_448 = tpu.vector_load %arg6[%swap3A_445, %swap3A_446, %swap3A_447] {strides = array<i32>} : memref<4x200x64xf32, #tpu.memory_space<vmem>>, vector<1x1x16xf32>,
        %swap3A_449 = vector.shape_cast %swap3A_448 : vector<1x1x16xf32> to vector<16xf32>
        %swap3A_450 = vector.shape_cast %mul3A_443 : vector<16xf32> to vector<1x1x16xf32>
        tpu.vector_store %arg6[%swap3A_445, %swap3A_446, %swap3A_447], %swap3A_450 {strides = array<i32>} : memref<4x200x64xf32, #tpu.memory_space<vmem>>, vector<1x1x16xf32>,
        %get3A_451 = arith.constant 0 : i32
        %get3A_452 = arith.index_cast %get3A_451 : i32 to index
        %get3A_453 = arith.index_cast %add3A_434 : i32 to index
        %get3A_454 = arith.constant 16 : index
        %get3A_455 = tpu.vector_load %arg6[%get3A_452, %get3A_453, %get3A_454] {strides = array<i32>} : memref<4x200x64xf32, #tpu.memory_space<vmem>>, vector<1x1x16xf32>,
        %get3A_456 = vector.shape_cast %get3A_455 : vector<1x1x16xf32> to vector<16xf32>
        %mul3A_457 = arith.constant 8.000000e+00 : f32
        %mul3A_458 = vector.broadcast %mul3A_457 : f32 to vector<16xf32>
        %mul3A_459 = arith.mulf %get3A_456, %mul3A_458 : vector<16xf32>
        %swap3A_460 = arith.constant 0 : i32
        %swap3A_461 = arith.index_cast %swap3A_460 : i32 to index
        %swap3A_462 = arith.index_cast %add3A_434 : i32 to index
        %swap3A_463 = arith.constant 16 : index
        %swap3A_464 = tpu.vector_load %arg6[%swap3A_461, %swap3A_462, %swap3A_463] {strides = array<i32>} : memref<4x200x64xf32, #tpu.memory_space<vmem>>, vector<1x1x16xf32>,
        %swap3A_465 = vector.shape_cast %swap3A_464 : vector<1x1x16xf32> to vector<16xf32>
        %swap3A_466 = vector.shape_cast %mul3A_459 : vector<16xf32> to vector<1x1x16xf32>
        tpu.vector_store %arg6[%swap3A_461, %swap3A_462, %swap3A_463], %swap3A_466 {strides = array<i32>} : memref<4x200x64xf32, #tpu.memory_space<vmem>>, vector<1x1x16xf32>,
        %get3A_467 = arith.constant 0 : i32
        %get3A_468 = arith.index_cast %get3A_467 : i32 to index
        %get3A_469 = arith.index_cast %add3A_434 : i32 to index
        %get3A_470 = arith.constant 32 : index
        %get3A_471 = tpu.vector_load %arg6[%get3A_468, %get3A_469, %get3A_470] {strides = array<i32>} : memref<4x200x64xf32, #tpu.memory_space<vmem>>, vector<1x1x16xf32>,
        %get3A_472 = vector.shape_cast %get3A_471 : vector<1x1x16xf32> to vector<16xf32>
        %mul3A_473 = arith.constant 8.000000e+00 : f32
        %mul3A_474 = vector.broadcast %mul3A_473 : f32 to vector<16xf32>
        %mul3A_475 = arith.mulf %get3A_472, %mul3A_474 : vector<16xf32>
        %swap3A_476 = arith.constant 0 : i32
        %swap3A_477 = arith.index_cast %swap3A_476 : i32 to index
        %swap3A_478 = arith.index_cast %add3A_434 : i32 to index
        %swap3A_479 = arith.constant 32 : index
        %swap3A_480 = tpu.vector_load %arg6[%swap3A_477, %swap3A_478, %swap3A_479] {strides = array<i32>} : memref<4x200x64xf32, #tpu.memory_space<vmem>>, vector<1x1x16xf32>,
        %swap3A_481 = vector.shape_cast %swap3A_480 : vector<1x1x16xf32> to vector<16xf32>
        %swap3A_482 = vector.shape_cast %mul3A_475 : vector<16xf32> to vector<1x1x16xf32>
        tpu.vector_store %arg6[%swap3A_477, %swap3A_478, %swap3A_479], %swap3A_482 {strides = array<i32>} : memref<4x200x64xf32, #tpu.memory_space<vmem>>, vector<1x1x16xf32>,
        %get3A_483 = arith.constant 0 : i32
        %get3A_484 = arith.index_cast %get3A_483 : i32 to index
        %get3A_485 = arith.index_cast %add3A_434 : i32 to index
        %get3A_486 = arith.constant 48 : index
        %get3A_487 = tpu.vector_load %arg6[%get3A_484, %get3A_485, %get3A_486] {strides = array<i32>} : memref<4x200x64xf32, #tpu.memory_space<vmem>>, vector<1x1x16xf32>,
        %get3A_488 = vector.shape_cast %get3A_487 : vector<1x1x16xf32> to vector<16xf32>
        %mul3A_489 = arith.constant 8.000000e+00 : f32
        %mul3A_490 = vector.broadcast %mul3A_489 : f32 to vector<16xf32>
        %mul3A_491 = arith.mulf %get3A_488, %mul3A_490 : vector<16xf32>
        %swap3A_492 = arith.constant 0 : i32
        %swap3A_493 = arith.index_cast %swap3A_492 : i32 to index
        %swap3A_494 = arith.index_cast %add3A_434 : i32 to index
        %swap3A_495 = arith.constant 48 : index
        %swap3A_496 = tpu.vector_load %arg6[%swap3A_493, %swap3A_494, %swap3A_495] {strides = array<i32>} : memref<4x200x64xf32, #tpu.memory_space<vmem>>, vector<1x1x16xf32>,
        %swap3A_497 = vector.shape_cast %swap3A_496 : vector<1x1x16xf32> to vector<16xf32>
        %swap3A_498 = vector.shape_cast %mul3A_491 : vector<16xf32> to vector<1x1x16xf32>
        tpu.vector_store %arg6[%swap3A_493, %swap3A_494, %swap3A_495], %swap3A_498 {strides = array<i32>} : memref<4x200x64xf32, #tpu.memory_space<vmem>>, vector<1x1x16xf32>,
        %scan3A_499 = arith.constant 2 : i32
        %scan3A_500 = arith.addi %scan3A_362, %scan3A_499 : i32
        %mul3A_501 = arith.constant 1 : i32
        %mul3A_502 = arith.muli %scan3A_500, %mul3A_501 : i32
        %add3A_503 = arith.constant 0 : i32
        %add3A_504 = arith.addi %add3A_503, %mul3A_502 : i32
        %get3A_505 = arith.constant 0 : i32
        %get3A_506 = arith.index_cast %get3A_505 : i32 to index
        %get3A_507 = arith.index_cast %add3A_504 : i32 to index
        %get3A_508 = arith.constant 0 : index
        %get3A_509 = tpu.vector_load %arg6[%get3A_506, %get3A_507, %get3A_508] {strides = array<i32>} : memref<4x200x64xf32, #tpu.memory_space<vmem>>, vector<1x1x16xf32>,
        %get3A_510 = vector.shape_cast %get3A_509 : vector<1x1x16xf32> to vector<16xf32>
        %mul3A_511 = arith.constant 8.000000e+00 : f32
        %mul3A_512 = vector.broadcast %mul3A_511 : f32 to vector<16xf32>
        %mul3A_513 = arith.mulf %get3A_510, %mul3A_512 : vector<16xf32>
        %swap3A_514 = arith.constant 0 : i32
        %swap3A_515 = arith.index_cast %swap3A_514 : i32 to index
        %swap3A_516 = arith.index_cast %add3A_504 : i32 to index
        %swap3A_517 = arith.constant 0 : index
        %swap3A_518 = tpu.vector_load %arg6[%swap3A_515, %swap3A_516, %swap3A_517] {strides = array<i32>} : memref<4x200x64xf32, #tpu.memory_space<vmem>>, vector<1x1x16xf32>,
        %swap3A_519 = vector.shape_cast %swap3A_518 : vector<1x1x16xf32> to vector<16xf32>
        %swap3A_520 = vector.shape_cast %mul3A_513 : vector<16xf32> to vector<1x1x16xf32>
        tpu.vector_store %arg6[%swap3A_515, %swap3A_516, %swap3A_517], %swap3A_520 {strides = array<i32>} : memref<4x200x64xf32, #tpu.memory_space<vmem>>, vector<1x1x16xf32>,
        %get3A_521 = arith.constant 0 : i32
        %get3A_522 = arith.index_cast %get3A_521 : i32 to index
        %get3A_523 = arith.index_cast %add3A_504 : i32 to index
        %get3A_524 = arith.constant 16 : index
        %get3A_525 = tpu.vector_load %arg6[%get3A_522, %get3A_523, %get3A_524] {strides = array<i32>} : memref<4x200x64xf32, #tpu.memory_space<vmem>>, vector<1x1x16xf32>,
        %get3A_526 = vector.shape_cast %get3A_525 : vector<1x1x16xf32> to vector<16xf32>
        %mul3A_527 = arith.constant 8.000000e+00 : f32
        %mul3A_528 = vector.broadcast %mul3A_527 : f32 to vector<16xf32>
        %mul3A_529 = arith.mulf %get3A_526, %mul3A_528 : vector<16xf32>
        %swap3A_530 = arith.constant 0 : i32
        %swap3A_531 = arith.index_cast %swap3A_530 : i32 to index
        %swap3A_532 = arith.index_cast %add3A_504 : i32 to index
        %swap3A_533 = arith.constant 16 : index
        %swap3A_534 = tpu.vector_load %arg6[%swap3A_531, %swap3A_532, %swap3A_533] {strides = array<i32>} : memref<4x200x64xf32, #tpu.memory_space<vmem>>, vector<1x1x16xf32>,
        %swap3A_535 = vector.shape_cast %swap3A_534 : vector<1x1x16xf32> to vector<16xf32>
        %swap3A_536 = vector.shape_cast %mul3A_529 : vector<16xf32> to vector<1x1x16xf32>
        tpu.vector_store %arg6[%swap3A_531, %swap3A_532, %swap3A_533], %swap3A_536 {strides = array<i32>} : memref<4x200x64xf32, #tpu.memory_space<vmem>>, vector<1x1x16xf32>,
        %get3A_537 = arith.constant 0 : i32
        %get3A_538 = arith.index_cast %get3A_537 : i32 to index
        %get3A_539 = arith.index_cast %add3A_504 : i32 to index
        %get3A_540 = arith.constant 32 : index
        %get3A_541 = tpu.vector_load %arg6[%get3A_538, %get3A_539, %get3A_540] {strides = array<i32>} : memref<4x200x64xf32, #tpu.memory_space<vmem>>, vector<1x1x16xf32>,
        %get3A_542 = vector.shape_cast %get3A_541 : vector<1x1x16xf32> to vector<16xf32>
        %mul3A_543 = arith.constant 8.000000e+00 : f32
        %mul3A_544 = vector.broadcast %mul3A_543 : f32 to vector<16xf32>
        %mul3A_545 = arith.mulf %get3A_542, %mul3A_544 : vector<16xf32>
        %swap3A_546 = arith.constant 0 : i32
        %swap3A_547 = arith.index_cast %swap3A_546 : i32 to index
        %swap3A_548 = arith.index_cast %add3A_504 : i32 to index
        %swap3A_549 = arith.constant 32 : index
        %swap3A_550 = tpu.vector_load %arg6[%swap3A_547, %swap3A_548, %swap3A_549] {strides = array<i32>} : memref<4x200x64xf32, #tpu.memory_space<vmem>>, vector<1x1x16xf32>,
        %swap3A_551 = vector.shape_cast %swap3A_550 : vector<1x1x16xf32> to vector<16xf32>
        %swap3A_552 = vector.shape_cast %mul3A_545 : vector<16xf32> to vector<1x1x16xf32>
        tpu.vector_store %arg6[%swap3A_547, %swap3A_548, %swap3A_549], %swap3A_552 {strides = array<i32>} : memref<4x200x64xf32, #tpu.memory_space<vmem>>, vector<1x1x16xf32>,
        %get3A_553 = arith.constant 0 : i32
        %get3A_554 = arith.index_cast %get3A_553 : i32 to index
        %get3A_555 = arith.index_cast %add3A_504 : i32 to index
        %get3A_556 = arith.constant 48 : index
        %get3A_557 = tpu.vector_load %arg6[%get3A_554, %get3A_555, %get3A_556] {strides = array<i32>} : memref<4x200x64xf32, #tpu.memory_space<vmem>>, vector<1x1x16xf32>,
        %get3A_558 = vector.shape_cast %get3A_557 : vector<1x1x16xf32> to vector<16xf32>
        %mul3A_559 = arith.constant 8.000000e+00 : f32
        %mul3A_560 = vector.broadcast %mul3A_559 : f32 to vector<16xf32>
        %mul3A_561 = arith.mulf %get3A_558, %mul3A_560 : vector<16xf32>
        %swap3A_562 = arith.constant 0 : i32
        %swap3A_563 = arith.index_cast %swap3A_562 : i32 to index
        %swap3A_564 = arith.index_cast %add3A_504 : i32 to index
        %swap3A_565 = arith.constant 48 : index
        %swap3A_566 = tpu.vector_load %arg6[%swap3A_563, %swap3A_564, %swap3A_565] {strides = array<i32>} : memref<4x200x64xf32, #tpu.memory_space<vmem>>, vector<1x1x16xf32>,
        %swap3A_567 = vector.shape_cast %swap3A_566 : vector<1x1x16xf32> to vector<16xf32>
        %swap3A_568 = vector.shape_cast %mul3A_561 : vector<16xf32> to vector<1x1x16xf32>
        tpu.vector_store %arg6[%swap3A_563, %swap3A_564, %swap3A_565], %swap3A_568 {strides = array<i32>} : memref<4x200x64xf32, #tpu.memory_space<vmem>>, vector<1x1x16xf32>,
        %scan3A_569 = arith.constant 3 : i32
        %scan3A_570 = arith.addi %scan3A_362, %scan3A_569 : i32
        %mul3A_571 = arith.constant 1 : i32
        %mul3A_572 = arith.muli %scan3A_570, %mul3A_571 : i32
        %add3A_573 = arith.constant 0 : i32
        %add3A_574 = arith.addi %add3A_573, %mul3A_572 : i32
        %get3A_575 = arith.constant 0 : i32
        %get3A_576 = arith.index_cast %get3A_575 : i32 to index
        %get3A_577 = arith.index_cast %add3A_574 : i32 to index
        %get3A_578 = arith.constant 0 : index
        %get3A_579 = tpu.vector_load %arg6[%get3A_576, %get3A_577, %get3A_578] {strides = array<i32>} : memref<4x200x64xf32, #tpu.memory_space<vmem>>, vector<1x1x16xf32>,
        %get3A_580 = vector.shape_cast %get3A_579 : vector<1x1x16xf32> to vector<16xf32>
        %mul3A_581 = arith.constant 8.000000e+00 : f32
        %mul3A_582 = vector.broadcast %mul3A_581 : f32 to vector<16xf32>
        %mul3A_583 = arith.mulf %get3A_580, %mul3A_582 : vector<16xf32>
        %swap3A_584 = arith.constant 0 : i32
        %swap3A_585 = arith.index_cast %swap3A_584 : i32 to index
        %swap3A_586 = arith.index_cast %add3A_574 : i32 to index
        %swap3A_587 = arith.constant 0 : index
        %swap3A_588 = tpu.vector_load %arg6[%swap3A_585, %swap3A_586, %swap3A_587] {strides = array<i32>} : memref<4x200x64xf32, #tpu.memory_space<vmem>>, vector<1x1x16xf32>,
        %swap3A_589 = vector.shape_cast %swap3A_588 : vector<1x1x16xf32> to vector<16xf32>
        %swap3A_590 = vector.shape_cast %mul3A_583 : vector<16xf32> to vector<1x1x16xf32>
        tpu.vector_store %arg6[%swap3A_585, %swap3A_586, %swap3A_587], %swap3A_590 {strides = array<i32>} : memref<4x200x64xf32, #tpu.memory_space<vmem>>, vector<1x1x16xf32>,
        %get3A_591 = arith.constant 0 : i32
        %get3A_592 = arith.index_cast %get3A_591 : i32 to index
        %get3A_593 = arith.index_cast %add3A_574 : i32 to index
        %get3A_594 = arith.constant 16 : index
        %get3A_595 = tpu.vector_load %arg6[%get3A_592, %get3A_593, %get3A_594] {strides = array<i32>} : memref<4x200x64xf32, #tpu.memory_space<vmem>>, vector<1x1x16xf32>,
        %get3A_596 = vector.shape_cast %get3A_595 : vector<1x1x16xf32> to vector<16xf32>
        %mul3A_597 = arith.constant 8.000000e+00 : f32
        %mul3A_598 = vector.broadcast %mul3A_597 : f32 to vector<16xf32>
        %mul3A_599 = arith.mulf %get3A_596, %mul3A_598 : vector<16xf32>
        %swap3A_600 = arith.constant 0 : i32
        %swap3A_601 = arith.index_cast %swap3A_600 : i32 to index
        %swap3A_602 = arith.index_cast %add3A_574 : i32 to index
        %swap3A_603 = arith.constant 16 : index
        %swap3A_604 = tpu.vector_load %arg6[%swap3A_601, %swap3A_602, %swap3A_603] {strides = array<i32>} : memref<4x200x64xf32, #tpu.memory_space<vmem>>, vector<1x1x16xf32>,
        %swap3A_605 = vector.shape_cast %swap3A_604 : vector<1x1x16xf32> to vector<16xf32>
        %swap3A_606 = vector.shape_cast %mul3A_599 : vector<16xf32> to vector<1x1x16xf32>
        tpu.vector_store %arg6[%swap3A_601, %swap3A_602, %swap3A_603], %swap3A_606 {strides = array<i32>} : memref<4x200x64xf32, #tpu.memory_space<vmem>>, vector<1x1x16xf32>,
        %get3A_607 = arith.constant 0 : i32
        %get3A_608 = arith.index_cast %get3A_607 : i32 to index
        %get3A_609 = arith.index_cast %add3A_574 : i32 to index
        %get3A_610 = arith.constant 32 : index
        %get3A_611 = tpu.vector_load %arg6[%get3A_608, %get3A_609, %get3A_610] {strides = array<i32>} : memref<4x200x64xf32, #tpu.memory_space<vmem>>, vector<1x1x16xf32>,
        %get3A_612 = vector.shape_cast %get3A_611 : vector<1x1x16xf32> to vector<16xf32>
        %mul3A_613 = arith.constant 8.000000e+00 : f32
        %mul3A_614 = vector.broadcast %mul3A_613 : f32 to vector<16xf32>
        %mul3A_615 = arith.mulf %get3A_612, %mul3A_614 : vector<16xf32>
        %swap3A_616 = arith.constant 0 : i32
        %swap3A_617 = arith.index_cast %swap3A_616 : i32 to index
        %swap3A_618 = arith.index_cast %add3A_574 : i32 to index
        %swap3A_619 = arith.constant 32 : index
        %swap3A_620 = tpu.vector_load %arg6[%swap3A_617, %swap3A_618, %swap3A_619] {strides = array<i32>} : memref<4x200x64xf32, #tpu.memory_space<vmem>>, vector<1x1x16xf32>,
        %swap3A_621 = vector.shape_cast %swap3A_620 : vector<1x1x16xf32> to vector<16xf32>
        %swap3A_622 = vector.shape_cast %mul3A_615 : vector<16xf32> to vector<1x1x16xf32>
        tpu.vector_store %arg6[%swap3A_617, %swap3A_618, %swap3A_619], %swap3A_622 {strides = array<i32>} : memref<4x200x64xf32, #tpu.memory_space<vmem>>, vector<1x1x16xf32>,
        %get3A_623 = arith.constant 0 : i32
        %get3A_624 = arith.index_cast %get3A_623 : i32 to index
        %get3A_625 = arith.index_cast %add3A_574 : i32 to index
        %get3A_626 = arith.constant 48 : index
        %get3A_627 = tpu.vector_load %arg6[%get3A_624, %get3A_625, %get3A_626] {strides = array<i32>} : memref<4x200x64xf32, #tpu.memory_space<vmem>>, vector<1x1x16xf32>,
        %get3A_628 = vector.shape_cast %get3A_627 : vector<1x1x16xf32> to vector<16xf32>
        %mul3A_629 = arith.constant 8.000000e+00 : f32
        %mul3A_630 = vector.broadcast %mul3A_629 : f32 to vector<16xf32>
        %mul3A_631 = arith.mulf %get3A_628, %mul3A_630 : vector<16xf32>
        %swap3A_632 = arith.constant 0 : i32
        %swap3A_633 = arith.index_cast %swap3A_632 : i32 to index
        %swap3A_634 = arith.index_cast %add3A_574 : i32 to index
        %swap3A_635 = arith.constant 48 : index
        %swap3A_636 = tpu.vector_load %arg6[%swap3A_633, %swap3A_634, %swap3A_635] {strides = array<i32>} : memref<4x200x64xf32, #tpu.memory_space<vmem>>, vector<1x1x16xf32>,
        %swap3A_637 = vector.shape_cast %swap3A_636 : vector<1x1x16xf32> to vector<16xf32>
        %swap3A_638 = vector.shape_cast %mul3A_631 : vector<16xf32> to vector<1x1x16xf32>
        tpu.vector_store %arg6[%swap3A_633, %swap3A_634, %swap3A_635], %swap3A_638 {strides = array<i32>} : memref<4x200x64xf32, #tpu.memory_space<vmem>>, vector<1x1x16xf32>,
        %scan3A_639 = arith.constant 4 : i32
        %scan3A_640 = arith.addi %scan3A_362, %scan3A_639 : i32
        %mul3A_641 = arith.constant 1 : i32
        %mul3A_642 = arith.muli %scan3A_640, %mul3A_641 : i32
        %add3A_643 = arith.constant 0 : i32
        %add3A_644 = arith.addi %add3A_643, %mul3A_642 : i32
        %get3A_645 = arith.constant 0 : i32
        %get3A_646 = arith.index_cast %get3A_645 : i32 to index
        %get3A_647 = arith.index_cast %add3A_644 : i32 to index
        %get3A_648 = arith.constant 0 : index
        %get3A_649 = tpu.vector_load %arg6[%get3A_646, %get3A_647, %get3A_648] {strides = array<i32>} : memref<4x200x64xf32, #tpu.memory_space<vmem>>, vector<1x1x16xf32>,
        %get3A_650 = vector.shape_cast %get3A_649 : vector<1x1x16xf32> to vector<16xf32>
        %mul3A_651 = arith.constant 8.000000e+00 : f32
        %mul3A_652 = vector.broadcast %mul3A_651 : f32 to vector<16xf32>
        %mul3A_653 = arith.mulf %get3A_650, %mul3A_652 : vector<16xf32>
        %swap3A_654 = arith.constant 0 : i32
        %swap3A_655 = arith.index_cast %swap3A_654 : i32 to index
        %swap3A_656 = arith.index_cast %add3A_644 : i32 to index
        %swap3A_657 = arith.constant 0 : index
        %swap3A_658 = tpu.vector_load %arg6[%swap3A_655, %swap3A_656, %swap3A_657] {strides = array<i32>} : memref<4x200x64xf32, #tpu.memory_space<vmem>>, vector<1x1x16xf32>,
        %swap3A_659 = vector.shape_cast %swap3A_658 : vector<1x1x16xf32> to vector<16xf32>
        %swap3A_660 = vector.shape_cast %mul3A_653 : vector<16xf32> to vector<1x1x16xf32>
        tpu.vector_store %arg6[%swap3A_655, %swap3A_656, %swap3A_657], %swap3A_660 {strides = array<i32>} : memref<4x200x64xf32, #tpu.memory_space<vmem>>, vector<1x1x16xf32>,
        %get3A_661 = arith.constant 0 : i32
        %get3A_662 = arith.index_cast %get3A_661 : i32 to index
        %get3A_663 = arith.index_cast %add3A_644 : i32 to index
        %get3A_664 = arith.constant 16 : index
        %get3A_665 = tpu.vector_load %arg6[%get3A_662, %get3A_663, %get3A_664] {strides = array<i32>} : memref<4x200x64xf32, #tpu.memory_space<vmem>>, vector<1x1x16xf32>,
        %get3A_666 = vector.shape_cast %get3A_665 : vector<1x1x16xf32> to vector<16xf32>
        %mul3A_667 = arith.constant 8.000000e+00 : f32
        %mul3A_668 = vector.broadcast %mul3A_667 : f32 to vector<16xf32>
        %mul3A_669 = arith.mulf %get3A_666, %mul3A_668 : vector<16xf32>
        %swap3A_670 = arith.constant 0 : i32
        %swap3A_671 = arith.index_cast %swap3A_670 : i32 to index
        %swap3A_672 = arith.index_cast %add3A_644 : i32 to index
        %swap3A_673 = arith.constant 16 : index
        %swap3A_674 = tpu.vector_load %arg6[%swap3A_671, %swap3A_672, %swap3A_673] {strides = array<i32>} : memref<4x200x64xf32, #tpu.memory_space<vmem>>, vector<1x1x16xf32>,
        %swap3A_675 = vector.shape_cast %swap3A_674 : vector<1x1x16xf32> to vector<16xf32>
        %swap3A_676 = vector.shape_cast %mul3A_669 : vector<16xf32> to vector<1x1x16xf32>
        tpu.vector_store %arg6[%swap3A_671, %swap3A_672, %swap3A_673], %swap3A_676 {strides = array<i32>} : memref<4x200x64xf32, #tpu.memory_space<vmem>>, vector<1x1x16xf32>,
        %get3A_677 = arith.constant 0 : i32
        %get3A_678 = arith.index_cast %get3A_677 : i32 to index
        %get3A_679 = arith.index_cast %add3A_644 : i32 to index
        %get3A_680 = arith.constant 32 : index
        %get3A_681 = tpu.vector_load %arg6[%get3A_678, %get3A_679, %get3A_680] {strides = array<i32>} : memref<4x200x64xf32, #tpu.memory_space<vmem>>, vector<1x1x16xf32>,
        %get3A_682 = vector.shape_cast %get3A_681 : vector<1x1x16xf32> to vector<16xf32>
        %mul3A_683 = arith.constant 8.000000e+00 : f32
        %mul3A_684 = vector.broadcast %mul3A_683 : f32 to vector<16xf32>
        %mul3A_685 = arith.mulf %get3A_682, %mul3A_684 : vector<16xf32>
        %swap3A_686 = arith.constant 0 : i32
        %swap3A_687 = arith.index_cast %swap3A_686 : i32 to index
        %swap3A_688 = arith.index_cast %add3A_644 : i32 to index
        %swap3A_689 = arith.constant 32 : index
        %swap3A_690 = tpu.vector_load %arg6[%swap3A_687, %swap3A_688, %swap3A_689] {strides = array<i32>} : memref<4x200x64xf32, #tpu.memory_space<vmem>>, vector<1x1x16xf32>,
        %swap3A_691 = vector.shape_cast %swap3A_690 : vector<1x1x16xf32> to vector<16xf32>
        %swap3A_692 = vector.shape_cast %mul3A_685 : vector<16xf32> to vector<1x1x16xf32>
        tpu.vector_store %arg6[%swap3A_687, %swap3A_688, %swap3A_689], %swap3A_692 {strides = array<i32>} : memref<4x200x64xf32, #tpu.memory_space<vmem>>, vector<1x1x16xf32>,
        %get3A_693 = arith.constant 0 : i32
        %get3A_694 = arith.index_cast %get3A_693 : i32 to index
        %get3A_695 = arith.index_cast %add3A_644 : i32 to index
        %get3A_696 = arith.constant 48 : index
        %get3A_697 = tpu.vector_load %arg6[%get3A_694, %get3A_695, %get3A_696] {strides = array<i32>} : memref<4x200x64xf32, #tpu.memory_space<vmem>>, vector<1x1x16xf32>,
        %get3A_698 = vector.shape_cast %get3A_697 : vector<1x1x16xf32> to vector<16xf32>
        %mul3A_699 = arith.constant 8.000000e+00 : f32
        %mul3A_700 = vector.broadcast %mul3A_699 : f32 to vector<16xf32>
        %mul3A_701 = arith.mulf %get3A_698, %mul3A_700 : vector<16xf32>
        %swap3A_702 = arith.constant 0 : i32
        %swap3A_703 = arith.index_cast %swap3A_702 : i32 to index
        %swap3A_704 = arith.index_cast %add3A_644 : i32 to index
        %swap3A_705 = arith.constant 48 : index
        %swap3A_706 = tpu.vector_load %arg6[%swap3A_703, %swap3A_704, %swap3A_705] {strides = array<i32>} : memref<4x200x64xf32, #tpu.memory_space<vmem>>, vector<1x1x16xf32>,
        %swap3A_707 = vector.shape_cast %swap3A_706 : vector<1x1x16xf32> to vector<16xf32>
        %swap3A_708 = vector.shape_cast %mul3A_701 : vector<16xf32> to vector<1x1x16xf32>
        tpu.vector_store %arg6[%swap3A_703, %swap3A_704, %swap3A_705], %swap3A_708 {strides = array<i32>} : memref<4x200x64xf32, #tpu.memory_space<vmem>>, vector<1x1x16xf32>,
        %scan3A_709 = arith.constant 5 : i32
        %scan3A_710 = arith.addi %scan3A_362, %scan3A_709 : i32
        %mul3A_711 = arith.constant 1 : i32
        %mul3A_712 = arith.muli %scan3A_710, %mul3A_711 : i32
        %add3A_713 = arith.constant 0 : i32
        %add3A_714 = arith.addi %add3A_713, %mul3A_712 : i32
        %get3A_715 = arith.constant 0 : i32
        %get3A_716 = arith.index_cast %get3A_715 : i32 to index
        %get3A_717 = arith.index_cast %add3A_714 : i32 to index
        %get3A_718 = arith.constant 0 : index
        %get3A_719 = tpu.vector_load %arg6[%get3A_716, %get3A_717, %get3A_718] {strides = array<i32>} : memref<4x200x64xf32, #tpu.memory_space<vmem>>, vector<1x1x16xf32>,
        %get3A_720 = vector.shape_cast %get3A_719 : vector<1x1x16xf32> to vector<16xf32>
        %mul3A_721 = arith.constant 8.000000e+00 : f32
        %mul3A_722 = vector.broadcast %mul3A_721 : f32 to vector<16xf32>
        %mul3A_723 = arith.mulf %get3A_720, %mul3A_722 : vector<16xf32>
        %swap3A_724 = arith.constant 0 : i32
        %swap3A_725 = arith.index_cast %swap3A_724 : i32 to index
        %swap3A_726 = arith.index_cast %add3A_714 : i32 to index
        %swap3A_727 = arith.constant 0 : index
        %swap3A_728 = tpu.vector_load %arg6[%swap3A_725, %swap3A_726, %swap3A_727] {strides = array<i32>} : memref<4x200x64xf32, #tpu.memory_space<vmem>>, vector<1x1x16xf32>,
        %swap3A_729 = vector.shape_cast %swap3A_728 : vector<1x1x16xf32> to vector<16xf32>
        %swap3A_730 = vector.shape_cast %mul3A_723 : vector<16xf32> to vector<1x1x16xf32>
        tpu.vector_store %arg6[%swap3A_725, %swap3A_726, %swap3A_727], %swap3A_730 {strides = array<i32>} : memref<4x200x64xf32, #tpu.memory_space<vmem>>, vector<1x1x16xf32>,
        %get3A_731 = arith.constant 0 : i32
        %get3A_732 = arith.index_cast %get3A_731 : i32 to index
        %get3A_733 = arith.index_cast %add3A_714 : i32 to index
        %get3A_734 = arith.constant 16 : index
        %get3A_735 = tpu.vector_load %arg6[%get3A_732, %get3A_733, %get3A_734] {strides = array<i32>} : memref<4x200x64xf32, #tpu.memory_space<vmem>>, vector<1x1x16xf32>,
        %get3A_736 = vector.shape_cast %get3A_735 : vector<1x1x16xf32> to vector<16xf32>
        %mul3A_737 = arith.constant 8.000000e+00 : f32
        %mul3A_738 = vector.broadcast %mul3A_737 : f32 to vector<16xf32>
        %mul3A_739 = arith.mulf %get3A_736, %mul3A_738 : vector<16xf32>
        %swap3A_740 = arith.constant 0 : i32
        %swap3A_741 = arith.index_cast %swap3A_740 : i32 to index
        %swap3A_742 = arith.index_cast %add3A_714 : i32 to index
        %swap3A_743 = arith.constant 16 : index
        %swap3A_744 = tpu.vector_load %arg6[%swap3A_741, %swap3A_742, %swap3A_743] {strides = array<i32>} : memref<4x200x64xf32, #tpu.memory_space<vmem>>, vector<1x1x16xf32>,
        %swap3A_745 = vector.shape_cast %swap3A_744 : vector<1x1x16xf32> to vector<16xf32>
        %swap3A_746 = vector.shape_cast %mul3A_739 : vector<16xf32> to vector<1x1x16xf32>
        tpu.vector_store %arg6[%swap3A_741, %swap3A_742, %swap3A_743], %swap3A_746 {strides = array<i32>} : memref<4x200x64xf32, #tpu.memory_space<vmem>>, vector<1x1x16xf32>,
        %get3A_747 = arith.constant 0 : i32
        %get3A_748 = arith.index_cast %get3A_747 : i32 to index
        %get3A_749 = arith.index_cast %add3A_714 : i32 to index
        %get3A_750 = arith.constant 32 : index
        %get3A_751 = tpu.vector_load %arg6[%get3A_748, %get3A_749, %get3A_750] {strides = array<i32>} : memref<4x200x64xf32, #tpu.memory_space<vmem>>, vector<1x1x16xf32>,
        %get3A_752 = vector.shape_cast %get3A_751 : vector<1x1x16xf32> to vector<16xf32>
        %mul3A_753 = arith.constant 8.000000e+00 : f32
        %mul3A_754 = vector.broadcast %mul3A_753 : f32 to vector<16xf32>
        %mul3A_755 = arith.mulf %get3A_752, %mul3A_754 : vector<16xf32>
        %swap3A_756 = arith.constant 0 : i32
        %swap3A_757 = arith.index_cast %swap3A_756 : i32 to index
        %swap3A_758 = arith.index_cast %add3A_714 : i32 to index
        %swap3A_759 = arith.constant 32 : index
        %swap3A_760 = tpu.vector_load %arg6[%swap3A_757, %swap3A_758, %swap3A_759] {strides = array<i32>} : memref<4x200x64xf32, #tpu.memory_space<vmem>>, vector<1x1x16xf32>,
        %swap3A_761 = vector.shape_cast %swap3A_760 : vector<1x1x16xf32> to vector<16xf32>
        %swap3A_762 = vector.shape_cast %mul3A_755 : vector<16xf32> to vector<1x1x16xf32>
        tpu.vector_store %arg6[%swap3A_757, %swap3A_758, %swap3A_759], %swap3A_762 {strides = array<i32>} : memref<4x200x64xf32, #tpu.memory_space<vmem>>, vector<1x1x16xf32>,
        %get3A_763 = arith.constant 0 : i32
        %get3A_764 = arith.index_cast %get3A_763 : i32 to index
        %get3A_765 = arith.index_cast %add3A_714 : i32 to index
        %get3A_766 = arith.constant 48 : index
        %get3A_767 = tpu.vector_load %arg6[%get3A_764, %get3A_765, %get3A_766] {strides = array<i32>} : memref<4x200x64xf32, #tpu.memory_space<vmem>>, vector<1x1x16xf32>,
        %get3A_768 = vector.shape_cast %get3A_767 : vector<1x1x16xf32> to vector<16xf32>
        %mul3A_769 = arith.constant 8.000000e+00 : f32
        %mul3A_770 = vector.broadcast %mul3A_769 : f32 to vector<16xf32>
        %mul3A_771 = arith.mulf %get3A_768, %mul3A_770 : vector<16xf32>
        %swap3A_772 = arith.constant 0 : i32
        %swap3A_773 = arith.index_cast %swap3A_772 : i32 to index
        %swap3A_774 = arith.index_cast %add3A_714 : i32 to index
        %swap3A_775 = arith.constant 48 : index
        %swap3A_776 = tpu.vector_load %arg6[%swap3A_773, %swap3A_774, %swap3A_775] {strides = array<i32>} : memref<4x200x64xf32, #tpu.memory_space<vmem>>, vector<1x1x16xf32>,
        %swap3A_777 = vector.shape_cast %swap3A_776 : vector<1x1x16xf32> to vector<16xf32>
        %swap3A_778 = vector.shape_cast %mul3A_771 : vector<16xf32> to vector<1x1x16xf32>
        tpu.vector_store %arg6[%swap3A_773, %swap3A_774, %swap3A_775], %swap3A_778 {strides = array<i32>} : memref<4x200x64xf32, #tpu.memory_space<vmem>>, vector<1x1x16xf32>,
        %scan3A_779 = arith.constant 6 : i32
        %scan3A_780 = arith.addi %scan3A_362, %scan3A_779 : i32
        %mul3A_781 = arith.constant 1 : i32
        %mul3A_782 = arith.muli %scan3A_780, %mul3A_781 : i32
        %add3A_783 = arith.constant 0 : i32
        %add3A_784 = arith.addi %add3A_783, %mul3A_782 : i32
        %get3A_785 = arith.constant 0 : i32
        %get3A_786 = arith.index_cast %get3A_785 : i32 to index
        %get3A_787 = arith.index_cast %add3A_784 : i32 to index
        %get3A_788 = arith.constant 0 : index
        %get3A_789 = tpu.vector_load %arg6[%get3A_786, %get3A_787, %get3A_788] {strides = array<i32>} : memref<4x200x64xf32, #tpu.memory_space<vmem>>, vector<1x1x16xf32>,
        %get3A_790 = vector.shape_cast %get3A_789 : vector<1x1x16xf32> to vector<16xf32>
        %mul3A_791 = arith.constant 8.000000e+00 : f32
        %mul3A_792 = vector.broadcast %mul3A_791 : f32 to vector<16xf32>
        %mul3A_793 = arith.mulf %get3A_790, %mul3A_792 : vector<16xf32>
        %swap3A_794 = arith.constant 0 : i32
        %swap3A_795 = arith.index_cast %swap3A_794 : i32 to index
        %swap3A_796 = arith.index_cast %add3A_784 : i32 to index
        %swap3A_797 = arith.constant 0 : index
        %swap3A_798 = tpu.vector_load %arg6[%swap3A_795, %swap3A_796, %swap3A_797] {strides = array<i32>} : memref<4x200x64xf32, #tpu.memory_space<vmem>>, vector<1x1x16xf32>,
        %swap3A_799 = vector.shape_cast %swap3A_798 : vector<1x1x16xf32> to vector<16xf32>
        %swap3A_800 = vector.shape_cast %mul3A_793 : vector<16xf32> to vector<1x1x16xf32>
        tpu.vector_store %arg6[%swap3A_795, %swap3A_796, %swap3A_797], %swap3A_800 {strides = array<i32>} : memref<4x200x64xf32, #tpu.memory_space<vmem>>, vector<1x1x16xf32>,
        %get3A_801 = arith.constant 0 : i32
        %get3A_802 = arith.index_cast %get3A_801 : i32 to index
        %get3A_803 = arith.index_cast %add3A_784 : i32 to index
        %get3A_804 = arith.constant 16 : index
        %get3A_805 = tpu.vector_load %arg6[%get3A_802, %get3A_803, %get3A_804] {strides = array<i32>} : memref<4x200x64xf32, #tpu.memory_space<vmem>>, vector<1x1x16xf32>,
        %get3A_806 = vector.shape_cast %get3A_805 : vector<1x1x16xf32> to vector<16xf32>
        %mul3A_807 = arith.constant 8.000000e+00 : f32
        %mul3A_808 = vector.broadcast %mul3A_807 : f32 to vector<16xf32>
        %mul3A_809 = arith.mulf %get3A_806, %mul3A_808 : vector<16xf32>
        %swap3A_810 = arith.constant 0 : i32
        %swap3A_811 = arith.index_cast %swap3A_810 : i32 to index
        %swap3A_812 = arith.index_cast %add3A_784 : i32 to index
        %swap3A_813 = arith.constant 16 : index
        %swap3A_814 = tpu.vector_load %arg6[%swap3A_811, %swap3A_812, %swap3A_813] {strides = array<i32>} : memref<4x200x64xf32, #tpu.memory_space<vmem>>, vector<1x1x16xf32>,
        %swap3A_815 = vector.shape_cast %swap3A_814 : vector<1x1x16xf32> to vector<16xf32>
        %swap3A_816 = vector.shape_cast %mul3A_809 : vector<16xf32> to vector<1x1x16xf32>
        tpu.vector_store %arg6[%swap3A_811, %swap3A_812, %swap3A_813], %swap3A_816 {strides = array<i32>} : memref<4x200x64xf32, #tpu.memory_space<vmem>>, vector<1x1x16xf32>,
        %get3A_817 = arith.constant 0 : i32
        %get3A_818 = arith.index_cast %get3A_817 : i32 to index
        %get3A_819 = arith.index_cast %add3A_784 : i32 to index
        %get3A_820 = arith.constant 32 : index
        %get3A_821 = tpu.vector_load %arg6[%get3A_818, %get3A_819, %get3A_820] {strides = array<i32>} : memref<4x200x64xf32, #tpu.memory_space<vmem>>, vector<1x1x16xf32>,
        %get3A_822 = vector.shape_cast %get3A_821 : vector<1x1x16xf32> to vector<16xf32>
        %mul3A_823 = arith.constant 8.000000e+00 : f32
        %mul3A_824 = vector.broadcast %mul3A_823 : f32 to vector<16xf32>
        %mul3A_825 = arith.mulf %get3A_822, %mul3A_824 : vector<16xf32>
        %swap3A_826 = arith.constant 0 : i32
        %swap3A_827 = arith.index_cast %swap3A_826 : i32 to index
        %swap3A_828 = arith.index_cast %add3A_784 : i32 to index
        %swap3A_829 = arith.constant 32 : index
        %swap3A_830 = tpu.vector_load %arg6[%swap3A_827, %swap3A_828, %swap3A_829] {strides = array<i32>} : memref<4x200x64xf32, #tpu.memory_space<vmem>>, vector<1x1x16xf32>,
        %swap3A_831 = vector.shape_cast %swap3A_830 : vector<1x1x16xf32> to vector<16xf32>
        %swap3A_832 = vector.shape_cast %mul3A_825 : vector<16xf32> to vector<1x1x16xf32>
        tpu.vector_store %arg6[%swap3A_827, %swap3A_828, %swap3A_829], %swap3A_832 {strides = array<i32>} : memref<4x200x64xf32, #tpu.memory_space<vmem>>, vector<1x1x16xf32>,
        %get3A_833 = arith.constant 0 : i32
        %get3A_834 = arith.index_cast %get3A_833 : i32 to index
        %get3A_835 = arith.index_cast %add3A_784 : i32 to index
        %get3A_836 = arith.constant 48 : index
        %get3A_837 = tpu.vector_load %arg6[%get3A_834, %get3A_835, %get3A_836] {strides = array<i32>} : memref<4x200x64xf32, #tpu.memory_space<vmem>>, vector<1x1x16xf32>,
        %get3A_838 = vector.shape_cast %get3A_837 : vector<1x1x16xf32> to vector<16xf32>
        %mul3A_839 = arith.constant 8.000000e+00 : f32
        %mul3A_840 = vector.broadcast %mul3A_839 : f32 to vector<16xf32>
        %mul3A_841 = arith.mulf %get3A_838, %mul3A_840 : vector<16xf32>
        %swap3A_842 = arith.constant 0 : i32
        %swap3A_843 = arith.index_cast %swap3A_842 : i32 to index
        %swap3A_844 = arith.index_cast %add3A_784 : i32 to index
        %swap3A_845 = arith.constant 48 : index
        %swap3A_846 = tpu.vector_load %arg6[%swap3A_843, %swap3A_844, %swap3A_845] {strides = array<i32>} : memref<4x200x64xf32, #tpu.memory_space<vmem>>, vector<1x1x16xf32>,
        %swap3A_847 = vector.shape_cast %swap3A_846 : vector<1x1x16xf32> to vector<16xf32>
        %swap3A_848 = vector.shape_cast %mul3A_841 : vector<16xf32> to vector<1x1x16xf32>
        tpu.vector_store %arg6[%swap3A_843, %swap3A_844, %swap3A_845], %swap3A_848 {strides = array<i32>} : memref<4x200x64xf32, #tpu.memory_space<vmem>>, vector<1x1x16xf32>,
        %scan3A_849 = arith.constant 7 : i32
        %scan3A_850 = arith.addi %scan3A_362, %scan3A_849 : i32
        %mul3A_851 = arith.constant 1 : i32
        %mul3A_852 = arith.muli %scan3A_850, %mul3A_851 : i32
        %add3A_853 = arith.constant 0 : i32
        %add3A_854 = arith.addi %add3A_853, %mul3A_852 : i32
        %get3A_855 = arith.constant 0 : i32
        %get3A_856 = arith.index_cast %get3A_855 : i32 to index
        %get3A_857 = arith.index_cast %add3A_854 : i32 to index
        %get3A_858 = arith.constant 0 : index
        %get3A_859 = tpu.vector_load %arg6[%get3A_856, %get3A_857, %get3A_858] {strides = array<i32>} : memref<4x200x64xf32, #tpu.memory_space<vmem>>, vector<1x1x16xf32>,
        %get3A_860 = vector.shape_cast %get3A_859 : vector<1x1x16xf32> to vector<16xf32>
        %mul3A_861 = arith.constant 8.000000e+00 : f32
        %mul3A_862 = vector.broadcast %mul3A_861 : f32 to vector<16xf32>
        %mul3A_863 = arith.mulf %get3A_860, %mul3A_862 : vector<16xf32>
        %swap3A_864 = arith.constant 0 : i32
        %swap3A_865 = arith.index_cast %swap3A_864 : i32 to index
        %swap3A_866 = arith.index_cast %add3A_854 : i32 to index
        %swap3A_867 = arith.constant 0 : index
        %swap3A_868 = tpu.vector_load %arg6[%swap3A_865, %swap3A_866, %swap3A_867] {strides = array<i32>} : memref<4x200x64xf32, #tpu.memory_space<vmem>>, vector<1x1x16xf32>,
        %swap3A_869 = vector.shape_cast %swap3A_868 : vector<1x1x16xf32> to vector<16xf32>
        %swap3A_870 = vector.shape_cast %mul3A_863 : vector<16xf32> to vector<1x1x16xf32>
        tpu.vector_store %arg6[%swap3A_865, %swap3A_866, %swap3A_867], %swap3A_870 {strides = array<i32>} : memref<4x200x64xf32, #tpu.memory_space<vmem>>, vector<1x1x16xf32>,
        %get3A_871 = arith.constant 0 : i32
        %get3A_872 = arith.index_cast %get3A_871 : i32 to index
        %get3A_873 = arith.index_cast %add3A_854 : i32 to index
        %get3A_874 = arith.constant 16 : index
        %get3A_875 = tpu.vector_load %arg6[%get3A_872, %get3A_873, %get3A_874] {strides = array<i32>} : memref<4x200x64xf32, #tpu.memory_space<vmem>>, vector<1x1x16xf32>,
        %get3A_876 = vector.shape_cast %get3A_875 : vector<1x1x16xf32> to vector<16xf32>
        %mul3A_877 = arith.constant 8.000000e+00 : f32
        %mul3A_878 = vector.broadcast %mul3A_877 : f32 to vector<16xf32>
        %mul3A_879 = arith.mulf %get3A_876, %mul3A_878 : vector<16xf32>
        %swap3A_880 = arith.constant 0 : i32
        %swap3A_881 = arith.index_cast %swap3A_880 : i32 to index
        %swap3A_882 = arith.index_cast %add3A_854 : i32 to index
        %swap3A_883 = arith.constant 16 : index
        %swap3A_884 = tpu.vector_load %arg6[%swap3A_881, %swap3A_882, %swap3A_883] {strides = array<i32>} : memref<4x200x64xf32, #tpu.memory_space<vmem>>, vector<1x1x16xf32>,
        %swap3A_885 = vector.shape_cast %swap3A_884 : vector<1x1x16xf32> to vector<16xf32>
        %swap3A_886 = vector.shape_cast %mul3A_879 : vector<16xf32> to vector<1x1x16xf32>
        tpu.vector_store %arg6[%swap3A_881, %swap3A_882, %swap3A_883], %swap3A_886 {strides = array<i32>} : memref<4x200x64xf32, #tpu.memory_space<vmem>>, vector<1x1x16xf32>,
        %get3A_887 = arith.constant 0 : i32
        %get3A_888 = arith.index_cast %get3A_887 : i32 to index
        %get3A_889 = arith.index_cast %add3A_854 : i32 to index
        %get3A_890 = arith.constant 32 : index
        %get3A_891 = tpu.vector_load %arg6[%get3A_888, %get3A_889, %get3A_890] {strides = array<i32>} : memref<4x200x64xf32, #tpu.memory_space<vmem>>, vector<1x1x16xf32>,
        %get3A_892 = vector.shape_cast %get3A_891 : vector<1x1x16xf32> to vector<16xf32>
        %mul3A_893 = arith.constant 8.000000e+00 : f32
        %mul3A_894 = vector.broadcast %mul3A_893 : f32 to vector<16xf32>
        %mul3A_895 = arith.mulf %get3A_892, %mul3A_894 : vector<16xf32>
        %swap3A_896 = arith.constant 0 : i32
        %swap3A_897 = arith.index_cast %swap3A_896 : i32 to index
        %swap3A_898 = arith.index_cast %add3A_854 : i32 to index
        %swap3A_899 = arith.constant 32 : index
        %swap3A_900 = tpu.vector_load %arg6[%swap3A_897, %swap3A_898, %swap3A_899] {strides = array<i32>} : memref<4x200x64xf32, #tpu.memory_space<vmem>>, vector<1x1x16xf32>,
        %swap3A_901 = vector.shape_cast %swap3A_900 : vector<1x1x16xf32> to vector<16xf32>
        %swap3A_902 = vector.shape_cast %mul3A_895 : vector<16xf32> to vector<1x1x16xf32>
        tpu.vector_store %arg6[%swap3A_897, %swap3A_898, %swap3A_899], %swap3A_902 {strides = array<i32>} : memref<4x200x64xf32, #tpu.memory_space<vmem>>, vector<1x1x16xf32>,
        %get3A_903 = arith.constant 0 : i32
        %get3A_904 = arith.index_cast %get3A_903 : i32 to index
        %get3A_905 = arith.index_cast %add3A_854 : i32 to index
        %get3A_906 = arith.constant 48 : index
        %get3A_907 = tpu.vector_load %arg6[%get3A_904, %get3A_905, %get3A_906] {strides = array<i32>} : memref<4x200x64xf32, #tpu.memory_space<vmem>>, vector<1x1x16xf32>,
        %get3A_908 = vector.shape_cast %get3A_907 : vector<1x1x16xf32> to vector<16xf32>
        %mul3A_909 = arith.constant 8.000000e+00 : f32
        %mul3A_910 = vector.broadcast %mul3A_909 : f32 to vector<16xf32>
        %mul3A_911 = arith.mulf %get3A_908, %mul3A_910 : vector<16xf32>
        %swap3A_912 = arith.constant 0 : i32
        %swap3A_913 = arith.index_cast %swap3A_912 : i32 to index
        %swap3A_914 = arith.index_cast %add3A_854 : i32 to index
        %swap3A_915 = arith.constant 48 : index
        %swap3A_916 = tpu.vector_load %arg6[%swap3A_913, %swap3A_914, %swap3A_915] {strides = array<i32>} : memref<4x200x64xf32, #tpu.memory_space<vmem>>, vector<1x1x16xf32>,
        %swap3A_917 = vector.shape_cast %swap3A_916 : vector<1x1x16xf32> to vector<16xf32>
        %swap3A_918 = vector.shape_cast %mul3A_911 : vector<16xf32> to vector<1x1x16xf32>
        tpu.vector_store %arg6[%swap3A_913, %swap3A_914, %swap3A_915], %swap3A_918 {strides = array<i32>} : memref<4x200x64xf32, #tpu.memory_space<vmem>>, vector<1x1x16xf32>,
      }
      %scan3A_177 = arith.constant 200 : i32
      %add3A_178 = arith.addi %mul3A_2, %add3A_150 : i32
      %dma_start3A_179 = arith.constant 0 : i32
      %dma_start3A_180 = arith.constant 0 : i32
      %dma_start3A_181 = arith.constant 0 : i32
      %dma_start3A_182 = tpu.memref_slice %arg6[%dma_start3A_179, %dma_start3A_180, %dma_start3A_181] : memref<4x200x64xf32, #tpu.memory_space<vmem>> -> memref<1x200x64xf32, #tpu.memory_space<vmem>>
      %dma_start3A_183 = tpu.memref_squeeze %dma_start3A_182 : memref<1x200x64xf32, #tpu.memory_space<vmem>> -> memref<200x64xf32, #tpu.memory_space<vmem>>
      %dma_start3A_184 = arith.constant 0 : i32
      %dma_start3A_185 = arith.constant 0 : i32
      %dma_start3A_186 = tpu.memref_slice %arg4[%add3A_178, %dma_start3A_184, %dma_start3A_185] : memref<1024x200x64xf32, #tpu.memory_space<hbm>> -> memref<1x200x64xf32, #tpu.memory_space<hbm>>
      %dma_start3A_187 = tpu.memref_squeeze %dma_start3A_186 : memref<1x200x64xf32, #tpu.memory_space<hbm>> -> memref<200x64xf32, #tpu.memory_space<hbm>>
      %dma_start3A_188 = arith.constant 0 : i32
      %dma_start3A_189 = arith.constant 0 : i32
      %dma_start3A_190 = tpu.memref_slice %arg4[%add3A_178, %dma_start3A_188, %dma_start3A_189] : memref<1024x200x64xf32, #tpu.memory_space<hbm>> -> memref<1x200x64xf32, #tpu.memory_space<hbm>>
      %dma_start3A_191 = tpu.memref_squeeze %dma_start3A_190 : memref<1x200x64xf32, #tpu.memory_space<hbm>> -> memref<200x64xf32, #tpu.memory_space<hbm>>
      %dma_start3A_192 = arith.constant 0 : i32
      %dma_start3A_193 = arith.constant 0 : i32
      %dma_start3A_194 = tpu.memref_slice %arg6[%dma_start3A_179, %dma_start3A_192, %dma_start3A_193] : memref<4x200x64xf32, #tpu.memory_space<vmem>> -> memref<1x200x64xf32, #tpu.memory_space<vmem>>
      %dma_start3A_195 = tpu.memref_squeeze %dma_start3A_194 : memref<1x200x64xf32, #tpu.memory_space<vmem>> -> memref<200x64xf32, #tpu.memory_space<vmem>>
      tpu.enqueue_dma source(%dma_start3A_195 : memref<200x64xf32, #tpu.memory_space<vmem>>) target(%dma_start3A_191 : memref<200x64xf32, #tpu.memory_space<hbm>>) target_semaphore(%arg11 : memref<!tpu.dma_semaphore, #tpu.memory_space<semaphore_mem>>)
      %add3A_196 = arith.constant 2 : i32
      %add3A_197 = arith.addi %add3A_150, %add3A_196 : i32
      %lt3A = arith.constant 32 : i32
      %lt3A_198 = arith.cmpi slt, %add3A_197, %lt3A : i32
      %convert_element_type3A = arith.extui %lt3A_198 : i1 to i32
      %cond3A = arith.constant 0 : i32
      %cond3A_199 = arith.cmpi ne, %convert_element_type3A, %cond3A : i32
      scf.if %cond3A_199 {
        %ge3A = arith.constant 4 : i32
        %ge3A_362 = arith.cmpi sge, %add3A_197, %ge3A : i32
        %convert_element_type3A_363 = arith.extui %ge3A_362 : i1 to i32
        %cond3A_364 = arith.constant 0 : i32
        %cond3A_365 = arith.cmpi ne, %convert_element_type3A_363, %cond3A_364 : i32
        scf.if %cond3A_365 {
          %add3A_388 = arith.addi %mul3A_2, %add3A_197 : i32
          %sub3A_389 = arith.constant 4 : i32
          %sub3A_390 = arith.subi %add3A_388, %sub3A_389 : i32
          %dma_wait3A_391 = arith.constant 2 : i32
          %dma_wait3A_392 = arith.constant 0 : i32
          %dma_wait3A_393 = arith.constant 0 : i32
          %dma_wait3A_394 = tpu.memref_slice %arg6[%dma_wait3A_391, %dma_wait3A_392, %dma_wait3A_393] : memref<4x200x64xf32, #tpu.memory_space<vmem>> -> memref<1x200x64xf32, #tpu.memory_space<vmem>>
          %dma_wait3A_395 = tpu.memref_squeeze %dma_wait3A_394 : memref<1x200x64xf32, #tpu.memory_space<vmem>> -> memref<200x64xf32, #tpu.memory_space<vmem>>
          %dma_wait3A_396 = arith.constant 0 : i32
          %dma_wait3A_397 = arith.constant 0 : i32
          %dma_wait3A_398 = tpu.memref_slice %arg4[%sub3A_390, %dma_wait3A_396, %dma_wait3A_397] : memref<1024x200x64xf32, #tpu.memory_space<hbm>> -> memref<1x200x64xf32, #tpu.memory_space<hbm>>
          %dma_wait3A_399 = tpu.memref_squeeze %dma_wait3A_398 : memref<1x200x64xf32, #tpu.memory_space<hbm>> -> memref<200x64xf32, #tpu.memory_space<hbm>>
          %dma_wait3A_400 = arith.constant 0 : i32
          %dma_wait3A_401 = arith.constant 0 : i32
          %dma_wait3A_402 = tpu.memref_slice %arg4[%sub3A_390, %dma_wait3A_400, %dma_wait3A_401] : memref<1024x200x64xf32, #tpu.memory_space<hbm>> -> memref<1x200x64xf32, #tpu.memory_space<hbm>>
          %dma_wait3A_403 = tpu.memref_squeeze %dma_wait3A_402 : memref<1x200x64xf32, #tpu.memory_space<hbm>> -> memref<200x64xf32, #tpu.memory_space<hbm>>
          %dma_wait3A_404 = arith.constant 0 : i32
          %dma_wait3A_405 = arith.constant 0 : i32
          %dma_wait3A_406 = tpu.memref_slice %arg6[%dma_wait3A_391, %dma_wait3A_404, %dma_wait3A_405] : memref<4x200x64xf32, #tpu.memory_space<vmem>> -> memref<1x200x64xf32, #tpu.memory_space<vmem>>
          %dma_wait3A_407 = tpu.memref_squeeze %dma_wait3A_406 : memref<1x200x64xf32, #tpu.memory_space<vmem>> -> memref<200x64xf32, #tpu.memory_space<vmem>>
          tpu.wait_dma2 semaphore(%arg13 : memref<!tpu.dma_semaphore, #tpu.memory_space<semaphore_mem>>) src(%dma_wait3A_407 : memref<200x64xf32, #tpu.memory_space<vmem>>) dst(%dma_wait3A_403 : memref<200x64xf32, #tpu.memory_space<hbm>>)
        } else {
        }
        %dma_start3A_366 = arith.constant 2 : i32
        %dma_start3A_367 = arith.constant 0 : i32
        %dma_start3A_368 = arith.constant 0 : i32
        %dma_start3A_369 = tpu.memref_slice %arg6[%dma_start3A_366, %dma_start3A_367, %dma_start3A_368] : memref<4x200x64xf32, #tpu.memory_space<vmem>> -> memref<1x128x64xf32, #tpu.memory_space<vmem>>
        %dma_start3A_370 = tpu.memref_squeeze %dma_start3A_369 : memref<1x128x64xf32, #tpu.memory_space<vmem>> -> memref<128x64xf32, #tpu.memory_space<vmem>>
        %dma_start3A_371 = arith.constant 0 : i32
        %dma_start3A_372 = tpu.memref_slice %arg5[%add3A_197, %dma_start3A_371] : memref<32x200xi32, #tpu.memory_space<vmem>> -> memref<1x128xi32, #tpu.memory_space<vmem>>
        %dma_start3A_373 = tpu.memref_squeeze %dma_start3A_372 : memref<1x128xi32, #tpu.memory_space<vmem>> -> memref<128xi32, #tpu.memory_space<vmem>>
        %dma_start3A_374 = arith.constant 0 : i32
        %dma_start3A_375 = arith.constant 0 : i32
        %dma_start3A_376 = tpu.memref_slice %arg3[%dma_start3A_374, %dma_start3A_375] : memref<1000000x64xf32, #tpu.memory_space<hbm>> -> memref<1000000x64xf32, #tpu.memory_space<hbm>>
        tpu.enqueue_indirect_dma source(%dma_start3A_376 : memref<1000000x64xf32, #tpu.memory_space<hbm>>) target(%dma_start3A_370 : memref<128x64xf32, #tpu.memory_space<vmem>>) offsets(%dma_start3A_373 : memref<128xi32, #tpu.memory_space<vmem>>) semaphore(%arg9 : memref<!tpu.dma_semaphore, #tpu.memory_space<semaphore_mem>>)
        %dma_start3A_377 = arith.constant 2 : i32
        %dma_start3A_378 = arith.constant 128 : i32
        %dma_start3A_379 = arith.constant 0 : i32
        %dma_start3A_380 = tpu.memref_slice %arg6[%dma_start3A_377, %dma_start3A_378, %dma_start3A_379] : memref<4x200x64xf32, #tpu.memory_space<vmem>> -> memref<1x72x64xf32, #tpu.memory_space<vmem>>
        %dma_start3A_381 = tpu.memref_squeeze %dma_start3A_380 : memref<1x72x64xf32, #tpu.memory_space<vmem>> -> memref<72x64xf32, #tpu.memory_space<vmem>>
        %dma_start3A_382 = arith.constant 128 : i32
        %dma_start3A_383 = tpu.memref_slice %arg5[%add3A_197, %dma_start3A_382] : memref<32x200xi32, #tpu.memory_space<vmem>> -> memref<1x72xi32, #tpu.memory_space<vmem>>
        %dma_start3A_384 = tpu.memref_squeeze %dma_start3A_383 : memref<1x72xi32, #tpu.memory_space<vmem>> -> memref<72xi32, #tpu.memory_space<vmem>>
        %dma_start3A_385 = arith.constant 0 : i32
        %dma_start3A_386 = arith.constant 0 : i32
        %dma_start3A_387 = tpu.memref_slice %arg3[%dma_start3A_385, %dma_start3A_386] : memref<1000000x64xf32, #tpu.memory_space<hbm>> -> memref<1000000x64xf32, #tpu.memory_space<hbm>>
        tpu.enqueue_indirect_dma source(%dma_start3A_387 : memref<1000000x64xf32, #tpu.memory_space<hbm>>) target(%dma_start3A_381 : memref<72x64xf32, #tpu.memory_space<vmem>>) offsets(%dma_start3A_384 : memref<72xi32, #tpu.memory_space<vmem>>) semaphore(%arg9 : memref<!tpu.dma_semaphore, #tpu.memory_space<semaphore_mem>>)
      } else {
      }
      %add3A_200 = arith.constant 1 : i32
      %add3A_201 = arith.addi %add3A_148, %add3A_200 : i32
      %dma_wait3A_202 = arith.constant 1 : i32
      %dma_wait3A_203 = arith.constant 0 : i32
      %dma_wait3A_204 = arith.constant 0 : i32
      %dma_wait3A_205 = tpu.memref_slice %arg6[%dma_wait3A_202, %dma_wait3A_203, %dma_wait3A_204] : memref<4x200x64xf32, #tpu.memory_space<vmem>> -> memref<1x128x64xf32, #tpu.memory_space<vmem>>
      %dma_wait3A_206 = tpu.memref_squeeze %dma_wait3A_205 : memref<1x128x64xf32, #tpu.memory_space<vmem>> -> memref<128x64xf32, #tpu.memory_space<vmem>>
      %dma_wait3A_207 = arith.constant 0 : i32
      %dma_wait3A_208 = tpu.memref_slice %arg5[%add3A_201, %dma_wait3A_207] : memref<32x200xi32, #tpu.memory_space<vmem>> -> memref<1x128xi32, #tpu.memory_space<vmem>>
      %dma_wait3A_209 = tpu.memref_squeeze %dma_wait3A_208 : memref<1x128xi32, #tpu.memory_space<vmem>> -> memref<128xi32, #tpu.memory_space<vmem>>
      %dma_wait3A_210 = arith.constant 0 : i32
      %dma_wait3A_211 = arith.constant 0 : i32
      %dma_wait3A_212 = tpu.memref_slice %arg3[%dma_wait3A_210, %dma_wait3A_211] : memref<1000000x64xf32, #tpu.memory_space<hbm>> -> memref<1000000x64xf32, #tpu.memory_space<hbm>>
      tpu.wait_indirect_dma semaphore(%arg8 : memref<!tpu.dma_semaphore, #tpu.memory_space<semaphore_mem>>) src(%dma_wait3A_212 : memref<1000000x64xf32, #tpu.memory_space<hbm>>) dst(%dma_wait3A_206 : memref<128x64xf32, #tpu.memory_space<vmem>>)
      %dma_wait3A_213 = arith.constant 1 : i32
      %dma_wait3A_214 = arith.constant 128 : i32
      %dma_wait3A_215 = arith.constant 0 : i32
      %dma_wait3A_216 = tpu.memref_slice %arg6[%dma_wait3A_213, %dma_wait3A_214, %dma_wait3A_215] : memref<4x200x64xf32, #tpu.memory_space<vmem>> -> memref<1x72x64xf32, #tpu.memory_space<vmem>>
      %dma_wait3A_217 = tpu.memref_squeeze %dma_wait3A_216 : memref<1x72x64xf32, #tpu.memory_space<vmem>> -> memref<72x64xf32, #tpu.memory_space<vmem>>
      %dma_wait3A_218 = arith.constant 128 : i32
      %dma_wait3A_219 = tpu.memref_slice %arg5[%add3A_201, %dma_wait3A_218] : memref<32x200xi32, #tpu.memory_space<vmem>> -> memref<1x72xi32, #tpu.memory_space<vmem>>
      %dma_wait3A_220 = tpu.memref_squeeze %dma_wait3A_219 : memref<1x72xi32, #tpu.memory_space<vmem>> -> memref<72xi32, #tpu.memory_space<vmem>>
      %dma_wait3A_221 = arith.constant 0 : i32
      %dma_wait3A_222 = arith.constant 0 : i32
      %dma_wait3A_223 = tpu.memref_slice %arg3[%dma_wait3A_221, %dma_wait3A_222] : memref<1000000x64xf32, #tpu.memory_space<hbm>> -> memref<1000000x64xf32, #tpu.memory_space<hbm>>
      tpu.wait_indirect_dma semaphore(%arg8 : memref<!tpu.dma_semaphore, #tpu.memory_space<semaphore_mem>>) src(%dma_wait3A_223 : memref<1000000x64xf32, #tpu.memory_space<hbm>>) dst(%dma_wait3A_217 : memref<72x64xf32, #tpu.memory_space<vmem>>)
      %scan3A_224 = arith.constant 0 : i32
      %scan3A_225 = arith.constant 200 : i32
      %scan3A_226 = arith.addi %scan3A_224, %scan3A_225 : i32
      %scan3A_227 = arith.constant 8 : i32
      scf.for %scan3A_362 = %scan3A_224 to %scan3A_226 step %scan3A_227  : i32 {
        %mul3A_363 = arith.constant 1 : i32
        %mul3A_364 = arith.muli %scan3A_362, %mul3A_363 : i32
        %add3A_365 = arith.constant 0 : i32
        %add3A_366 = arith.addi %add3A_365, %mul3A_364 : i32
        %get3A = arith.constant 1 : i32
        %get3A_367 = arith.index_cast %get3A : i32 to index
        %get3A_368 = arith.index_cast %add3A_366 : i32 to index
        %get3A_369 = arith.constant 0 : index
        %get3A_370 = tpu.vector_load %arg6[%get3A_367, %get3A_368, %get3A_369] {strides = array<i32>} : memref<4x200x64xf32, #tpu.memory_space<vmem>>, vector<1x1x16xf32>,
        %get3A_371 = vector.shape_cast %get3A_370 : vector<1x1x16xf32> to vector<16xf32>
        %mul3A_372 = arith.constant 8.000000e+00 : f32
        %mul3A_373 = vector.broadcast %mul3A_372 : f32 to vector<16xf32>
        %mul3A_374 = arith.mulf %get3A_371, %mul3A_373 : vector<16xf32>
        %swap3A = arith.constant 1 : i32
        %swap3A_375 = arith.index_cast %swap3A : i32 to index
        %swap3A_376 = arith.index_cast %add3A_366 : i32 to index
        %swap3A_377 = arith.constant 0 : index
        %swap3A_378 = tpu.vector_load %arg6[%swap3A_375, %swap3A_376, %swap3A_377] {strides = array<i32>} : memref<4x200x64xf32, #tpu.memory_space<vmem>>, vector<1x1x16xf32>,
        %swap3A_379 = vector.shape_cast %swap3A_378 : vector<1x1x16xf32> to vector<16xf32>
        %swap3A_380 = vector.shape_cast %mul3A_374 : vector<16xf32> to vector<1x1x16xf32>
        tpu.vector_store %arg6[%swap3A_375, %swap3A_376, %swap3A_377], %swap3A_380 {strides = array<i32>} : memref<4x200x64xf32, #tpu.memory_space<vmem>>, vector<1x1x16xf32>,
        %get3A_381 = arith.constant 1 : i32
        %get3A_382 = arith.index_cast %get3A_381 : i32 to index
        %get3A_383 = arith.index_cast %add3A_366 : i32 to index
        %get3A_384 = arith.constant 16 : index
        %get3A_385 = tpu.vector_load %arg6[%get3A_382, %get3A_383, %get3A_384] {strides = array<i32>} : memref<4x200x64xf32, #tpu.memory_space<vmem>>, vector<1x1x16xf32>,
        %get3A_386 = vector.shape_cast %get3A_385 : vector<1x1x16xf32> to vector<16xf32>
        %mul3A_387 = arith.constant 8.000000e+00 : f32
        %mul3A_388 = vector.broadcast %mul3A_387 : f32 to vector<16xf32>
        %mul3A_389 = arith.mulf %get3A_386, %mul3A_388 : vector<16xf32>
        %swap3A_390 = arith.constant 1 : i32
        %swap3A_391 = arith.index_cast %swap3A_390 : i32 to index
        %swap3A_392 = arith.index_cast %add3A_366 : i32 to index
        %swap3A_393 = arith.constant 16 : index
        %swap3A_394 = tpu.vector_load %arg6[%swap3A_391, %swap3A_392, %swap3A_393] {strides = array<i32>} : memref<4x200x64xf32, #tpu.memory_space<vmem>>, vector<1x1x16xf32>,
        %swap3A_395 = vector.shape_cast %swap3A_394 : vector<1x1x16xf32> to vector<16xf32>
        %swap3A_396 = vector.shape_cast %mul3A_389 : vector<16xf32> to vector<1x1x16xf32>
        tpu.vector_store %arg6[%swap3A_391, %swap3A_392, %swap3A_393], %swap3A_396 {strides = array<i32>} : memref<4x200x64xf32, #tpu.memory_space<vmem>>, vector<1x1x16xf32>,
        %get3A_397 = arith.constant 1 : i32
        %get3A_398 = arith.index_cast %get3A_397 : i32 to index
        %get3A_399 = arith.index_cast %add3A_366 : i32 to index
        %get3A_400 = arith.constant 32 : index
        %get3A_401 = tpu.vector_load %arg6[%get3A_398, %get3A_399, %get3A_400] {strides = array<i32>} : memref<4x200x64xf32, #tpu.memory_space<vmem>>, vector<1x1x16xf32>,
        %get3A_402 = vector.shape_cast %get3A_401 : vector<1x1x16xf32> to vector<16xf32>
        %mul3A_403 = arith.constant 8.000000e+00 : f32
        %mul3A_404 = vector.broadcast %mul3A_403 : f32 to vector<16xf32>
        %mul3A_405 = arith.mulf %get3A_402, %mul3A_404 : vector<16xf32>
        %swap3A_406 = arith.constant 1 : i32
        %swap3A_407 = arith.index_cast %swap3A_406 : i32 to index
        %swap3A_408 = arith.index_cast %add3A_366 : i32 to index
        %swap3A_409 = arith.constant 32 : index
        %swap3A_410 = tpu.vector_load %arg6[%swap3A_407, %swap3A_408, %swap3A_409] {strides = array<i32>} : memref<4x200x64xf32, #tpu.memory_space<vmem>>, vector<1x1x16xf32>,
        %swap3A_411 = vector.shape_cast %swap3A_410 : vector<1x1x16xf32> to vector<16xf32>
        %swap3A_412 = vector.shape_cast %mul3A_405 : vector<16xf32> to vector<1x1x16xf32>
        tpu.vector_store %arg6[%swap3A_407, %swap3A_408, %swap3A_409], %swap3A_412 {strides = array<i32>} : memref<4x200x64xf32, #tpu.memory_space<vmem>>, vector<1x1x16xf32>,
        %get3A_413 = arith.constant 1 : i32
        %get3A_414 = arith.index_cast %get3A_413 : i32 to index
        %get3A_415 = arith.index_cast %add3A_366 : i32 to index
        %get3A_416 = arith.constant 48 : index
        %get3A_417 = tpu.vector_load %arg6[%get3A_414, %get3A_415, %get3A_416] {strides = array<i32>} : memref<4x200x64xf32, #tpu.memory_space<vmem>>, vector<1x1x16xf32>,
        %get3A_418 = vector.shape_cast %get3A_417 : vector<1x1x16xf32> to vector<16xf32>
        %mul3A_419 = arith.constant 8.000000e+00 : f32
        %mul3A_420 = vector.broadcast %mul3A_419 : f32 to vector<16xf32>
        %mul3A_421 = arith.mulf %get3A_418, %mul3A_420 : vector<16xf32>
        %swap3A_422 = arith.constant 1 : i32
        %swap3A_423 = arith.index_cast %swap3A_422 : i32 to index
        %swap3A_424 = arith.index_cast %add3A_366 : i32 to index
        %swap3A_425 = arith.constant 48 : index
        %swap3A_426 = tpu.vector_load %arg6[%swap3A_423, %swap3A_424, %swap3A_425] {strides = array<i32>} : memref<4x200x64xf32, #tpu.memory_space<vmem>>, vector<1x1x16xf32>,
        %swap3A_427 = vector.shape_cast %swap3A_426 : vector<1x1x16xf32> to vector<16xf32>
        %swap3A_428 = vector.shape_cast %mul3A_421 : vector<16xf32> to vector<1x1x16xf32>
        tpu.vector_store %arg6[%swap3A_423, %swap3A_424, %swap3A_425], %swap3A_428 {strides = array<i32>} : memref<4x200x64xf32, #tpu.memory_space<vmem>>, vector<1x1x16xf32>,
        %scan3A_429 = arith.constant 1 : i32
        %scan3A_430 = arith.addi %scan3A_362, %scan3A_429 : i32
        %mul3A_431 = arith.constant 1 : i32
        %mul3A_432 = arith.muli %scan3A_430, %mul3A_431 : i32
        %add3A_433 = arith.constant 0 : i32
        %add3A_434 = arith.addi %add3A_433, %mul3A_432 : i32
        %get3A_435 = arith.constant 1 : i32
        %get3A_436 = arith.index_cast %get3A_435 : i32 to index
        %get3A_437 = arith.index_cast %add3A_434 : i32 to index
        %get3A_438 = arith.constant 0 : index
        %get3A_439 = tpu.vector_load %arg6[%get3A_436, %get3A_437, %get3A_438] {strides = array<i32>} : memref<4x200x64xf32, #tpu.memory_space<vmem>>, vector<1x1x16xf32>,
        %get3A_440 = vector.shape_cast %get3A_439 : vector<1x1x16xf32> to vector<16xf32>
        %mul3A_441 = arith.constant 8.000000e+00 : f32
        %mul3A_442 = vector.broadcast %mul3A_441 : f32 to vector<16xf32>
        %mul3A_443 = arith.mulf %get3A_440, %mul3A_442 : vector<16xf32>
        %swap3A_444 = arith.constant 1 : i32
        %swap3A_445 = arith.index_cast %swap3A_444 : i32 to index
        %swap3A_446 = arith.index_cast %add3A_434 : i32 to index
        %swap3A_447 = arith.constant 0 : index
        %swap3A_448 = tpu.vector_load %arg6[%swap3A_445, %swap3A_446, %swap3A_447] {strides = array<i32>} : memref<4x200x64xf32, #tpu.memory_space<vmem>>, vector<1x1x16xf32>,
        %swap3A_449 = vector.shape_cast %swap3A_448 : vector<1x1x16xf32> to vector<16xf32>
        %swap3A_450 = vector.shape_cast %mul3A_443 : vector<16xf32> to vector<1x1x16xf32>
        tpu.vector_store %arg6[%swap3A_445, %swap3A_446, %swap3A_447], %swap3A_450 {strides = array<i32>} : memref<4x200x64xf32, #tpu.memory_space<vmem>>, vector<1x1x16xf32>,
        %get3A_451 = arith.constant 1 : i32
        %get3A_452 = arith.index_cast %get3A_451 : i32 to index
        %get3A_453 = arith.index_cast %add3A_434 : i32 to index
        %get3A_454 = arith.constant 16 : index
        %get3A_455 = tpu.vector_load %arg6[%get3A_452, %get3A_453, %get3A_454] {strides = array<i32>} : memref<4x200x64xf32, #tpu.memory_space<vmem>>, vector<1x1x16xf32>,
        %get3A_456 = vector.shape_cast %get3A_455 : vector<1x1x16xf32> to vector<16xf32>
        %mul3A_457 = arith.constant 8.000000e+00 : f32
        %mul3A_458 = vector.broadcast %mul3A_457 : f32 to vector<16xf32>
        %mul3A_459 = arith.mulf %get3A_456, %mul3A_458 : vector<16xf32>
        %swap3A_460 = arith.constant 1 : i32
        %swap3A_461 = arith.index_cast %swap3A_460 : i32 to index
        %swap3A_462 = arith.index_cast %add3A_434 : i32 to index
        %swap3A_463 = arith.constant 16 : index
        %swap3A_464 = tpu.vector_load %arg6[%swap3A_461, %swap3A_462, %swap3A_463] {strides = array<i32>} : memref<4x200x64xf32, #tpu.memory_space<vmem>>, vector<1x1x16xf32>,
        %swap3A_465 = vector.shape_cast %swap3A_464 : vector<1x1x16xf32> to vector<16xf32>
        %swap3A_466 = vector.shape_cast %mul3A_459 : vector<16xf32> to vector<1x1x16xf32>
        tpu.vector_store %arg6[%swap3A_461, %swap3A_462, %swap3A_463], %swap3A_466 {strides = array<i32>} : memref<4x200x64xf32, #tpu.memory_space<vmem>>, vector<1x1x16xf32>,
        %get3A_467 = arith.constant 1 : i32
        %get3A_468 = arith.index_cast %get3A_467 : i32 to index
        %get3A_469 = arith.index_cast %add3A_434 : i32 to index
        %get3A_470 = arith.constant 32 : index
        %get3A_471 = tpu.vector_load %arg6[%get3A_468, %get3A_469, %get3A_470] {strides = array<i32>} : memref<4x200x64xf32, #tpu.memory_space<vmem>>, vector<1x1x16xf32>,
        %get3A_472 = vector.shape_cast %get3A_471 : vector<1x1x16xf32> to vector<16xf32>
        %mul3A_473 = arith.constant 8.000000e+00 : f32
        %mul3A_474 = vector.broadcast %mul3A_473 : f32 to vector<16xf32>
        %mul3A_475 = arith.mulf %get3A_472, %mul3A_474 : vector<16xf32>
        %swap3A_476 = arith.constant 1 : i32
        %swap3A_477 = arith.index_cast %swap3A_476 : i32 to index
        %swap3A_478 = arith.index_cast %add3A_434 : i32 to index
        %swap3A_479 = arith.constant 32 : index
        %swap3A_480 = tpu.vector_load %arg6[%swap3A_477, %swap3A_478, %swap3A_479] {strides = array<i32>} : memref<4x200x64xf32, #tpu.memory_space<vmem>>, vector<1x1x16xf32>,
        %swap3A_481 = vector.shape_cast %swap3A_480 : vector<1x1x16xf32> to vector<16xf32>
        %swap3A_482 = vector.shape_cast %mul3A_475 : vector<16xf32> to vector<1x1x16xf32>
        tpu.vector_store %arg6[%swap3A_477, %swap3A_478, %swap3A_479], %swap3A_482 {strides = array<i32>} : memref<4x200x64xf32, #tpu.memory_space<vmem>>, vector<1x1x16xf32>,
        %get3A_483 = arith.constant 1 : i32
        %get3A_484 = arith.index_cast %get3A_483 : i32 to index
        %get3A_485 = arith.index_cast %add3A_434 : i32 to index
        %get3A_486 = arith.constant 48 : index
        %get3A_487 = tpu.vector_load %arg6[%get3A_484, %get3A_485, %get3A_486] {strides = array<i32>} : memref<4x200x64xf32, #tpu.memory_space<vmem>>, vector<1x1x16xf32>,
        %get3A_488 = vector.shape_cast %get3A_487 : vector<1x1x16xf32> to vector<16xf32>
        %mul3A_489 = arith.constant 8.000000e+00 : f32
        %mul3A_490 = vector.broadcast %mul3A_489 : f32 to vector<16xf32>
        %mul3A_491 = arith.mulf %get3A_488, %mul3A_490 : vector<16xf32>
        %swap3A_492 = arith.constant 1 : i32
        %swap3A_493 = arith.index_cast %swap3A_492 : i32 to index
        %swap3A_494 = arith.index_cast %add3A_434 : i32 to index
        %swap3A_495 = arith.constant 48 : index
        %swap3A_496 = tpu.vector_load %arg6[%swap3A_493, %swap3A_494, %swap3A_495] {strides = array<i32>} : memref<4x200x64xf32, #tpu.memory_space<vmem>>, vector<1x1x16xf32>,
        %swap3A_497 = vector.shape_cast %swap3A_496 : vector<1x1x16xf32> to vector<16xf32>
        %swap3A_498 = vector.shape_cast %mul3A_491 : vector<16xf32> to vector<1x1x16xf32>
        tpu.vector_store %arg6[%swap3A_493, %swap3A_494, %swap3A_495], %swap3A_498 {strides = array<i32>} : memref<4x200x64xf32, #tpu.memory_space<vmem>>, vector<1x1x16xf32>,
        %scan3A_499 = arith.constant 2 : i32
        %scan3A_500 = arith.addi %scan3A_362, %scan3A_499 : i32
        %mul3A_501 = arith.constant 1 : i32
        %mul3A_502 = arith.muli %scan3A_500, %mul3A_501 : i32
        %add3A_503 = arith.constant 0 : i32
        %add3A_504 = arith.addi %add3A_503, %mul3A_502 : i32
        %get3A_505 = arith.constant 1 : i32
        %get3A_506 = arith.index_cast %get3A_505 : i32 to index
        %get3A_507 = arith.index_cast %add3A_504 : i32 to index
        %get3A_508 = arith.constant 0 : index
        %get3A_509 = tpu.vector_load %arg6[%get3A_506, %get3A_507, %get3A_508] {strides = array<i32>} : memref<4x200x64xf32, #tpu.memory_space<vmem>>, vector<1x1x16xf32>,
        %get3A_510 = vector.shape_cast %get3A_509 : vector<1x1x16xf32> to vector<16xf32>
        %mul3A_511 = arith.constant 8.000000e+00 : f32
        %mul3A_512 = vector.broadcast %mul3A_511 : f32 to vector<16xf32>
        %mul3A_513 = arith.mulf %get3A_510, %mul3A_512 : vector<16xf32>
        %swap3A_514 = arith.constant 1 : i32
        %swap3A_515 = arith.index_cast %swap3A_514 : i32 to index
        %swap3A_516 = arith.index_cast %add3A_504 : i32 to index
        %swap3A_517 = arith.constant 0 : index
        %swap3A_518 = tpu.vector_load %arg6[%swap3A_515, %swap3A_516, %swap3A_517] {strides = array<i32>} : memref<4x200x64xf32, #tpu.memory_space<vmem>>, vector<1x1x16xf32>,
        %swap3A_519 = vector.shape_cast %swap3A_518 : vector<1x1x16xf32> to vector<16xf32>
        %swap3A_520 = vector.shape_cast %mul3A_513 : vector<16xf32> to vector<1x1x16xf32>
        tpu.vector_store %arg6[%swap3A_515, %swap3A_516, %swap3A_517], %swap3A_520 {strides = array<i32>} : memref<4x200x64xf32, #tpu.memory_space<vmem>>, vector<1x1x16xf32>,
        %get3A_521 = arith.constant 1 : i32
        %get3A_522 = arith.index_cast %get3A_521 : i32 to index
        %get3A_523 = arith.index_cast %add3A_504 : i32 to index
        %get3A_524 = arith.constant 16 : index
        %get3A_525 = tpu.vector_load %arg6[%get3A_522, %get3A_523, %get3A_524] {strides = array<i32>} : memref<4x200x64xf32, #tpu.memory_space<vmem>>, vector<1x1x16xf32>,
        %get3A_526 = vector.shape_cast %get3A_525 : vector<1x1x16xf32> to vector<16xf32>
        %mul3A_527 = arith.constant 8.000000e+00 : f32
        %mul3A_528 = vector.broadcast %mul3A_527 : f32 to vector<16xf32>
        %mul3A_529 = arith.mulf %get3A_526, %mul3A_528 : vector<16xf32>
        %swap3A_530 = arith.constant 1 : i32
        %swap3A_531 = arith.index_cast %swap3A_530 : i32 to index
        %swap3A_532 = arith.index_cast %add3A_504 : i32 to index
        %swap3A_533 = arith.constant 16 : index
        %swap3A_534 = tpu.vector_load %arg6[%swap3A_531, %swap3A_532, %swap3A_533] {strides = array<i32>} : memref<4x200x64xf32, #tpu.memory_space<vmem>>, vector<1x1x16xf32>,
        %swap3A_535 = vector.shape_cast %swap3A_534 : vector<1x1x16xf32> to vector<16xf32>
        %swap3A_536 = vector.shape_cast %mul3A_529 : vector<16xf32> to vector<1x1x16xf32>
        tpu.vector_store %arg6[%swap3A_531, %swap3A_532, %swap3A_533], %swap3A_536 {strides = array<i32>} : memref<4x200x64xf32, #tpu.memory_space<vmem>>, vector<1x1x16xf32>,
        %get3A_537 = arith.constant 1 : i32
        %get3A_538 = arith.index_cast %get3A_537 : i32 to index
        %get3A_539 = arith.index_cast %add3A_504 : i32 to index
        %get3A_540 = arith.constant 32 : index
        %get3A_541 = tpu.vector_load %arg6[%get3A_538, %get3A_539, %get3A_540] {strides = array<i32>} : memref<4x200x64xf32, #tpu.memory_space<vmem>>, vector<1x1x16xf32>,
        %get3A_542 = vector.shape_cast %get3A_541 : vector<1x1x16xf32> to vector<16xf32>
        %mul3A_543 = arith.constant 8.000000e+00 : f32
        %mul3A_544 = vector.broadcast %mul3A_543 : f32 to vector<16xf32>
        %mul3A_545 = arith.mulf %get3A_542, %mul3A_544 : vector<16xf32>
        %swap3A_546 = arith.constant 1 : i32
        %swap3A_547 = arith.index_cast %swap3A_546 : i32 to index
        %swap3A_548 = arith.index_cast %add3A_504 : i32 to index
        %swap3A_549 = arith.constant 32 : index
        %swap3A_550 = tpu.vector_load %arg6[%swap3A_547, %swap3A_548, %swap3A_549] {strides = array<i32>} : memref<4x200x64xf32, #tpu.memory_space<vmem>>, vector<1x1x16xf32>,
        %swap3A_551 = vector.shape_cast %swap3A_550 : vector<1x1x16xf32> to vector<16xf32>
        %swap3A_552 = vector.shape_cast %mul3A_545 : vector<16xf32> to vector<1x1x16xf32>
        tpu.vector_store %arg6[%swap3A_547, %swap3A_548, %swap3A_549], %swap3A_552 {strides = array<i32>} : memref<4x200x64xf32, #tpu.memory_space<vmem>>, vector<1x1x16xf32>,
        %get3A_553 = arith.constant 1 : i32
        %get3A_554 = arith.index_cast %get3A_553 : i32 to index
        %get3A_555 = arith.index_cast %add3A_504 : i32 to index
        %get3A_556 = arith.constant 48 : index
        %get3A_557 = tpu.vector_load %arg6[%get3A_554, %get3A_555, %get3A_556] {strides = array<i32>} : memref<4x200x64xf32, #tpu.memory_space<vmem>>, vector<1x1x16xf32>,
        %get3A_558 = vector.shape_cast %get3A_557 : vector<1x1x16xf32> to vector<16xf32>
        %mul3A_559 = arith.constant 8.000000e+00 : f32
        %mul3A_560 = vector.broadcast %mul3A_559 : f32 to vector<16xf32>
        %mul3A_561 = arith.mulf %get3A_558, %mul3A_560 : vector<16xf32>
        %swap3A_562 = arith.constant 1 : i32
        %swap3A_563 = arith.index_cast %swap3A_562 : i32 to index
        %swap3A_564 = arith.index_cast %add3A_504 : i32 to index
        %swap3A_565 = arith.constant 48 : index
        %swap3A_566 = tpu.vector_load %arg6[%swap3A_563, %swap3A_564, %swap3A_565] {strides = array<i32>} : memref<4x200x64xf32, #tpu.memory_space<vmem>>, vector<1x1x16xf32>,
        %swap3A_567 = vector.shape_cast %swap3A_566 : vector<1x1x16xf32> to vector<16xf32>
        %swap3A_568 = vector.shape_cast %mul3A_561 : vector<16xf32> to vector<1x1x16xf32>
        tpu.vector_store %arg6[%swap3A_563, %swap3A_564, %swap3A_565], %swap3A_568 {strides = array<i32>} : memref<4x200x64xf32, #tpu.memory_space<vmem>>, vector<1x1x16xf32>,
        %scan3A_569 = arith.constant 3 : i32
        %scan3A_570 = arith.addi %scan3A_362, %scan3A_569 : i32
        %mul3A_571 = arith.constant 1 : i32
        %mul3A_572 = arith.muli %scan3A_570, %mul3A_571 : i32
        %add3A_573 = arith.constant 0 : i32
        %add3A_574 = arith.addi %add3A_573, %mul3A_572 : i32
        %get3A_575 = arith.constant 1 : i32
        %get3A_576 = arith.index_cast %get3A_575 : i32 to index
        %get3A_577 = arith.index_cast %add3A_574 : i32 to index
        %get3A_578 = arith.constant 0 : index
        %get3A_579 = tpu.vector_load %arg6[%get3A_576, %get3A_577, %get3A_578] {strides = array<i32>} : memref<4x200x64xf32, #tpu.memory_space<vmem>>, vector<1x1x16xf32>,
        %get3A_580 = vector.shape_cast %get3A_579 : vector<1x1x16xf32> to vector<16xf32>
        %mul3A_581 = arith.constant 8.000000e+00 : f32
        %mul3A_582 = vector.broadcast %mul3A_581 : f32 to vector<16xf32>
        %mul3A_583 = arith.mulf %get3A_580, %mul3A_582 : vector<16xf32>
        %swap3A_584 = arith.constant 1 : i32
        %swap3A_585 = arith.index_cast %swap3A_584 : i32 to index
        %swap3A_586 = arith.index_cast %add3A_574 : i32 to index
        %swap3A_587 = arith.constant 0 : index
        %swap3A_588 = tpu.vector_load %arg6[%swap3A_585, %swap3A_586, %swap3A_587] {strides = array<i32>} : memref<4x200x64xf32, #tpu.memory_space<vmem>>, vector<1x1x16xf32>,
        %swap3A_589 = vector.shape_cast %swap3A_588 : vector<1x1x16xf32> to vector<16xf32>
        %swap3A_590 = vector.shape_cast %mul3A_583 : vector<16xf32> to vector<1x1x16xf32>
        tpu.vector_store %arg6[%swap3A_585, %swap3A_586, %swap3A_587], %swap3A_590 {strides = array<i32>} : memref<4x200x64xf32, #tpu.memory_space<vmem>>, vector<1x1x16xf32>,
        %get3A_591 = arith.constant 1 : i32
        %get3A_592 = arith.index_cast %get3A_591 : i32 to index
        %get3A_593 = arith.index_cast %add3A_574 : i32 to index
        %get3A_594 = arith.constant 16 : index
        %get3A_595 = tpu.vector_load %arg6[%get3A_592, %get3A_593, %get3A_594] {strides = array<i32>} : memref<4x200x64xf32, #tpu.memory_space<vmem>>, vector<1x1x16xf32>,
        %get3A_596 = vector.shape_cast %get3A_595 : vector<1x1x16xf32> to vector<16xf32>
        %mul3A_597 = arith.constant 8.000000e+00 : f32
        %mul3A_598 = vector.broadcast %mul3A_597 : f32 to vector<16xf32>
        %mul3A_599 = arith.mulf %get3A_596, %mul3A_598 : vector<16xf32>
        %swap3A_600 = arith.constant 1 : i32
        %swap3A_601 = arith.index_cast %swap3A_600 : i32 to index
        %swap3A_602 = arith.index_cast %add3A_574 : i32 to index
        %swap3A_603 = arith.constant 16 : index
        %swap3A_604 = tpu.vector_load %arg6[%swap3A_601, %swap3A_602, %swap3A_603] {strides = array<i32>} : memref<4x200x64xf32, #tpu.memory_space<vmem>>, vector<1x1x16xf32>,
        %swap3A_605 = vector.shape_cast %swap3A_604 : vector<1x1x16xf32> to vector<16xf32>
        %swap3A_606 = vector.shape_cast %mul3A_599 : vector<16xf32> to vector<1x1x16xf32>
        tpu.vector_store %arg6[%swap3A_601, %swap3A_602, %swap3A_603], %swap3A_606 {strides = array<i32>} : memref<4x200x64xf32, #tpu.memory_space<vmem>>, vector<1x1x16xf32>,
        %get3A_607 = arith.constant 1 : i32
        %get3A_608 = arith.index_cast %get3A_607 : i32 to index
        %get3A_609 = arith.index_cast %add3A_574 : i32 to index
        %get3A_610 = arith.constant 32 : index
        %get3A_611 = tpu.vector_load %arg6[%get3A_608, %get3A_609, %get3A_610] {strides = array<i32>} : memref<4x200x64xf32, #tpu.memory_space<vmem>>, vector<1x1x16xf32>,
        %get3A_612 = vector.shape_cast %get3A_611 : vector<1x1x16xf32> to vector<16xf32>
        %mul3A_613 = arith.constant 8.000000e+00 : f32
        %mul3A_614 = vector.broadcast %mul3A_613 : f32 to vector<16xf32>
        %mul3A_615 = arith.mulf %get3A_612, %mul3A_614 : vector<16xf32>
        %swap3A_616 = arith.constant 1 : i32
        %swap3A_617 = arith.index_cast %swap3A_616 : i32 to index
        %swap3A_618 = arith.index_cast %add3A_574 : i32 to index
        %swap3A_619 = arith.constant 32 : index
        %swap3A_620 = tpu.vector_load %arg6[%swap3A_617, %swap3A_618, %swap3A_619] {strides = array<i32>} : memref<4x200x64xf32, #tpu.memory_space<vmem>>, vector<1x1x16xf32>,
        %swap3A_621 = vector.shape_cast %swap3A_620 : vector<1x1x16xf32> to vector<16xf32>
        %swap3A_622 = vector.shape_cast %mul3A_615 : vector<16xf32> to vector<1x1x16xf32>
        tpu.vector_store %arg6[%swap3A_617, %swap3A_618, %swap3A_619], %swap3A_622 {strides = array<i32>} : memref<4x200x64xf32, #tpu.memory_space<vmem>>, vector<1x1x16xf32>,
        %get3A_623 = arith.constant 1 : i32
        %get3A_624 = arith.index_cast %get3A_623 : i32 to index
        %get3A_625 = arith.index_cast %add3A_574 : i32 to index
        %get3A_626 = arith.constant 48 : index
        %get3A_627 = tpu.vector_load %arg6[%get3A_624, %get3A_625, %get3A_626] {strides = array<i32>} : memref<4x200x64xf32, #tpu.memory_space<vmem>>, vector<1x1x16xf32>,
        %get3A_628 = vector.shape_cast %get3A_627 : vector<1x1x16xf32> to vector<16xf32>
        %mul3A_629 = arith.constant 8.000000e+00 : f32
        %mul3A_630 = vector.broadcast %mul3A_629 : f32 to vector<16xf32>
        %mul3A_631 = arith.mulf %get3A_628, %mul3A_630 : vector<16xf32>
        %swap3A_632 = arith.constant 1 : i32
        %swap3A_633 = arith.index_cast %swap3A_632 : i32 to index
        %swap3A_634 = arith.index_cast %add3A_574 : i32 to index
        %swap3A_635 = arith.constant 48 : index
        %swap3A_636 = tpu.vector_load %arg6[%swap3A_633, %swap3A_634, %swap3A_635] {strides = array<i32>} : memref<4x200x64xf32, #tpu.memory_space<vmem>>, vector<1x1x16xf32>,
        %swap3A_637 = vector.shape_cast %swap3A_636 : vector<1x1x16xf32> to vector<16xf32>
        %swap3A_638 = vector.shape_cast %mul3A_631 : vector<16xf32> to vector<1x1x16xf32>
        tpu.vector_store %arg6[%swap3A_633, %swap3A_634, %swap3A_635], %swap3A_638 {strides = array<i32>} : memref<4x200x64xf32, #tpu.memory_space<vmem>>, vector<1x1x16xf32>,
        %scan3A_639 = arith.constant 4 : i32
        %scan3A_640 = arith.addi %scan3A_362, %scan3A_639 : i32
        %mul3A_641 = arith.constant 1 : i32
        %mul3A_642 = arith.muli %scan3A_640, %mul3A_641 : i32
        %add3A_643 = arith.constant 0 : i32
        %add3A_644 = arith.addi %add3A_643, %mul3A_642 : i32
        %get3A_645 = arith.constant 1 : i32
        %get3A_646 = arith.index_cast %get3A_645 : i32 to index
        %get3A_647 = arith.index_cast %add3A_644 : i32 to index
        %get3A_648 = arith.constant 0 : index
        %get3A_649 = tpu.vector_load %arg6[%get3A_646, %get3A_647, %get3A_648] {strides = array<i32>} : memref<4x200x64xf32, #tpu.memory_space<vmem>>, vector<1x1x16xf32>,
        %get3A_650 = vector.shape_cast %get3A_649 : vector<1x1x16xf32> to vector<16xf32>
        %mul3A_651 = arith.constant 8.000000e+00 : f32
        %mul3A_652 = vector.broadcast %mul3A_651 : f32 to vector<16xf32>
        %mul3A_653 = arith.mulf %get3A_650, %mul3A_652 : vector<16xf32>
        %swap3A_654 = arith.constant 1 : i32
        %swap3A_655 = arith.index_cast %swap3A_654 : i32 to index
        %swap3A_656 = arith.index_cast %add3A_644 : i32 to index
        %swap3A_657 = arith.constant 0 : index
        %swap3A_658 = tpu.vector_load %arg6[%swap3A_655, %swap3A_656, %swap3A_657] {strides = array<i32>} : memref<4x200x64xf32, #tpu.memory_space<vmem>>, vector<1x1x16xf32>,
        %swap3A_659 = vector.shape_cast %swap3A_658 : vector<1x1x16xf32> to vector<16xf32>
        %swap3A_660 = vector.shape_cast %mul3A_653 : vector<16xf32> to vector<1x1x16xf32>
        tpu.vector_store %arg6[%swap3A_655, %swap3A_656, %swap3A_657], %swap3A_660 {strides = array<i32>} : memref<4x200x64xf32, #tpu.memory_space<vmem>>, vector<1x1x16xf32>,
        %get3A_661 = arith.constant 1 : i32
        %get3A_662 = arith.index_cast %get3A_661 : i32 to index
        %get3A_663 = arith.index_cast %add3A_644 : i32 to index
        %get3A_664 = arith.constant 16 : index
        %get3A_665 = tpu.vector_load %arg6[%get3A_662, %get3A_663, %get3A_664] {strides = array<i32>} : memref<4x200x64xf32, #tpu.memory_space<vmem>>, vector<1x1x16xf32>,
        %get3A_666 = vector.shape_cast %get3A_665 : vector<1x1x16xf32> to vector<16xf32>
        %mul3A_667 = arith.constant 8.000000e+00 : f32
        %mul3A_668 = vector.broadcast %mul3A_667 : f32 to vector<16xf32>
        %mul3A_669 = arith.mulf %get3A_666, %mul3A_668 : vector<16xf32>
        %swap3A_670 = arith.constant 1 : i32
        %swap3A_671 = arith.index_cast %swap3A_670 : i32 to index
        %swap3A_672 = arith.index_cast %add3A_644 : i32 to index
        %swap3A_673 = arith.constant 16 : index
        %swap3A_674 = tpu.vector_load %arg6[%swap3A_671, %swap3A_672, %swap3A_673] {strides = array<i32>} : memref<4x200x64xf32, #tpu.memory_space<vmem>>, vector<1x1x16xf32>,
        %swap3A_675 = vector.shape_cast %swap3A_674 : vector<1x1x16xf32> to vector<16xf32>
        %swap3A_676 = vector.shape_cast %mul3A_669 : vector<16xf32> to vector<1x1x16xf32>
        tpu.vector_store %arg6[%swap3A_671, %swap3A_672, %swap3A_673], %swap3A_676 {strides = array<i32>} : memref<4x200x64xf32, #tpu.memory_space<vmem>>, vector<1x1x16xf32>,
        %get3A_677 = arith.constant 1 : i32
        %get3A_678 = arith.index_cast %get3A_677 : i32 to index
        %get3A_679 = arith.index_cast %add3A_644 : i32 to index
        %get3A_680 = arith.constant 32 : index
        %get3A_681 = tpu.vector_load %arg6[%get3A_678, %get3A_679, %get3A_680] {strides = array<i32>} : memref<4x200x64xf32, #tpu.memory_space<vmem>>, vector<1x1x16xf32>,
        %get3A_682 = vector.shape_cast %get3A_681 : vector<1x1x16xf32> to vector<16xf32>
        %mul3A_683 = arith.constant 8.000000e+00 : f32
        %mul3A_684 = vector.broadcast %mul3A_683 : f32 to vector<16xf32>
        %mul3A_685 = arith.mulf %get3A_682, %mul3A_684 : vector<16xf32>
        %swap3A_686 = arith.constant 1 : i32
        %swap3A_687 = arith.index_cast %swap3A_686 : i32 to index
        %swap3A_688 = arith.index_cast %add3A_644 : i32 to index
        %swap3A_689 = arith.constant 32 : index
        %swap3A_690 = tpu.vector_load %arg6[%swap3A_687, %swap3A_688, %swap3A_689] {strides = array<i32>} : memref<4x200x64xf32, #tpu.memory_space<vmem>>, vector<1x1x16xf32>,
        %swap3A_691 = vector.shape_cast %swap3A_690 : vector<1x1x16xf32> to vector<16xf32>
        %swap3A_692 = vector.shape_cast %mul3A_685 : vector<16xf32> to vector<1x1x16xf32>
        tpu.vector_store %arg6[%swap3A_687, %swap3A_688, %swap3A_689], %swap3A_692 {strides = array<i32>} : memref<4x200x64xf32, #tpu.memory_space<vmem>>, vector<1x1x16xf32>,
        %get3A_693 = arith.constant 1 : i32
        %get3A_694 = arith.index_cast %get3A_693 : i32 to index
        %get3A_695 = arith.index_cast %add3A_644 : i32 to index
        %get3A_696 = arith.constant 48 : index
        %get3A_697 = tpu.vector_load %arg6[%get3A_694, %get3A_695, %get3A_696] {strides = array<i32>} : memref<4x200x64xf32, #tpu.memory_space<vmem>>, vector<1x1x16xf32>,
        %get3A_698 = vector.shape_cast %get3A_697 : vector<1x1x16xf32> to vector<16xf32>
        %mul3A_699 = arith.constant 8.000000e+00 : f32
        %mul3A_700 = vector.broadcast %mul3A_699 : f32 to vector<16xf32>
        %mul3A_701 = arith.mulf %get3A_698, %mul3A_700 : vector<16xf32>
        %swap3A_702 = arith.constant 1 : i32
        %swap3A_703 = arith.index_cast %swap3A_702 : i32 to index
        %swap3A_704 = arith.index_cast %add3A_644 : i32 to index
        %swap3A_705 = arith.constant 48 : index
        %swap3A_706 = tpu.vector_load %arg6[%swap3A_703, %swap3A_704, %swap3A_705] {strides = array<i32>} : memref<4x200x64xf32, #tpu.memory_space<vmem>>, vector<1x1x16xf32>,
        %swap3A_707 = vector.shape_cast %swap3A_706 : vector<1x1x16xf32> to vector<16xf32>
        %swap3A_708 = vector.shape_cast %mul3A_701 : vector<16xf32> to vector<1x1x16xf32>
        tpu.vector_store %arg6[%swap3A_703, %swap3A_704, %swap3A_705], %swap3A_708 {strides = array<i32>} : memref<4x200x64xf32, #tpu.memory_space<vmem>>, vector<1x1x16xf32>,
        %scan3A_709 = arith.constant 5 : i32
        %scan3A_710 = arith.addi %scan3A_362, %scan3A_709 : i32
        %mul3A_711 = arith.constant 1 : i32
        %mul3A_712 = arith.muli %scan3A_710, %mul3A_711 : i32
        %add3A_713 = arith.constant 0 : i32
        %add3A_714 = arith.addi %add3A_713, %mul3A_712 : i32
        %get3A_715 = arith.constant 1 : i32
        %get3A_716 = arith.index_cast %get3A_715 : i32 to index
        %get3A_717 = arith.index_cast %add3A_714 : i32 to index
        %get3A_718 = arith.constant 0 : index
        %get3A_719 = tpu.vector_load %arg6[%get3A_716, %get3A_717, %get3A_718] {strides = array<i32>} : memref<4x200x64xf32, #tpu.memory_space<vmem>>, vector<1x1x16xf32>,
        %get3A_720 = vector.shape_cast %get3A_719 : vector<1x1x16xf32> to vector<16xf32>
        %mul3A_721 = arith.constant 8.000000e+00 : f32
        %mul3A_722 = vector.broadcast %mul3A_721 : f32 to vector<16xf32>
        %mul3A_723 = arith.mulf %get3A_720, %mul3A_722 : vector<16xf32>
        %swap3A_724 = arith.constant 1 : i32
        %swap3A_725 = arith.index_cast %swap3A_724 : i32 to index
        %swap3A_726 = arith.index_cast %add3A_714 : i32 to index
        %swap3A_727 = arith.constant 0 : index
        %swap3A_728 = tpu.vector_load %arg6[%swap3A_725, %swap3A_726, %swap3A_727] {strides = array<i32>} : memref<4x200x64xf32, #tpu.memory_space<vmem>>, vector<1x1x16xf32>,
        %swap3A_729 = vector.shape_cast %swap3A_728 : vector<1x1x16xf32> to vector<16xf32>
        %swap3A_730 = vector.shape_cast %mul3A_723 : vector<16xf32> to vector<1x1x16xf32>
        tpu.vector_store %arg6[%swap3A_725, %swap3A_726, %swap3A_727], %swap3A_730 {strides = array<i32>} : memref<4x200x64xf32, #tpu.memory_space<vmem>>, vector<1x1x16xf32>,
        %get3A_731 = arith.constant 1 : i32
        %get3A_732 = arith.index_cast %get3A_731 : i32 to index
        %get3A_733 = arith.index_cast %add3A_714 : i32 to index
        %get3A_734 = arith.constant 16 : index
        %get3A_735 = tpu.vector_load %arg6[%get3A_732, %get3A_733, %get3A_734] {strides = array<i32>} : memref<4x200x64xf32, #tpu.memory_space<vmem>>, vector<1x1x16xf32>,
        %get3A_736 = vector.shape_cast %get3A_735 : vector<1x1x16xf32> to vector<16xf32>
        %mul3A_737 = arith.constant 8.000000e+00 : f32
        %mul3A_738 = vector.broadcast %mul3A_737 : f32 to vector<16xf32>
        %mul3A_739 = arith.mulf %get3A_736, %mul3A_738 : vector<16xf32>
        %swap3A_740 = arith.constant 1 : i32
        %swap3A_741 = arith.index_cast %swap3A_740 : i32 to index
        %swap3A_742 = arith.index_cast %add3A_714 : i32 to index
        %swap3A_743 = arith.constant 16 : index
        %swap3A_744 = tpu.vector_load %arg6[%swap3A_741, %swap3A_742, %swap3A_743] {strides = array<i32>} : memref<4x200x64xf32, #tpu.memory_space<vmem>>, vector<1x1x16xf32>,
        %swap3A_745 = vector.shape_cast %swap3A_744 : vector<1x1x16xf32> to vector<16xf32>
        %swap3A_746 = vector.shape_cast %mul3A_739 : vector<16xf32> to vector<1x1x16xf32>
        tpu.vector_store %arg6[%swap3A_741, %swap3A_742, %swap3A_743], %swap3A_746 {strides = array<i32>} : memref<4x200x64xf32, #tpu.memory_space<vmem>>, vector<1x1x16xf32>,
        %get3A_747 = arith.constant 1 : i32
        %get3A_748 = arith.index_cast %get3A_747 : i32 to index
        %get3A_749 = arith.index_cast %add3A_714 : i32 to index
        %get3A_750 = arith.constant 32 : index
        %get3A_751 = tpu.vector_load %arg6[%get3A_748, %get3A_749, %get3A_750] {strides = array<i32>} : memref<4x200x64xf32, #tpu.memory_space<vmem>>, vector<1x1x16xf32>,
        %get3A_752 = vector.shape_cast %get3A_751 : vector<1x1x16xf32> to vector<16xf32>
        %mul3A_753 = arith.constant 8.000000e+00 : f32
        %mul3A_754 = vector.broadcast %mul3A_753 : f32 to vector<16xf32>
        %mul3A_755 = arith.mulf %get3A_752, %mul3A_754 : vector<16xf32>
        %swap3A_756 = arith.constant 1 : i32
        %swap3A_757 = arith.index_cast %swap3A_756 : i32 to index
        %swap3A_758 = arith.index_cast %add3A_714 : i32 to index
        %swap3A_759 = arith.constant 32 : index
        %swap3A_760 = tpu.vector_load %arg6[%swap3A_757, %swap3A_758, %swap3A_759] {strides = array<i32>} : memref<4x200x64xf32, #tpu.memory_space<vmem>>, vector<1x1x16xf32>,
        %swap3A_761 = vector.shape_cast %swap3A_760 : vector<1x1x16xf32> to vector<16xf32>
        %swap3A_762 = vector.shape_cast %mul3A_755 : vector<16xf32> to vector<1x1x16xf32>
        tpu.vector_store %arg6[%swap3A_757, %swap3A_758, %swap3A_759], %swap3A_762 {strides = array<i32>} : memref<4x200x64xf32, #tpu.memory_space<vmem>>, vector<1x1x16xf32>,
        %get3A_763 = arith.constant 1 : i32
        %get3A_764 = arith.index_cast %get3A_763 : i32 to index
        %get3A_765 = arith.index_cast %add3A_714 : i32 to index
        %get3A_766 = arith.constant 48 : index
        %get3A_767 = tpu.vector_load %arg6[%get3A_764, %get3A_765, %get3A_766] {strides = array<i32>} : memref<4x200x64xf32, #tpu.memory_space<vmem>>, vector<1x1x16xf32>,
        %get3A_768 = vector.shape_cast %get3A_767 : vector<1x1x16xf32> to vector<16xf32>
        %mul3A_769 = arith.constant 8.000000e+00 : f32
        %mul3A_770 = vector.broadcast %mul3A_769 : f32 to vector<16xf32>
        %mul3A_771 = arith.mulf %get3A_768, %mul3A_770 : vector<16xf32>
        %swap3A_772 = arith.constant 1 : i32
        %swap3A_773 = arith.index_cast %swap3A_772 : i32 to index
        %swap3A_774 = arith.index_cast %add3A_714 : i32 to index
        %swap3A_775 = arith.constant 48 : index
        %swap3A_776 = tpu.vector_load %arg6[%swap3A_773, %swap3A_774, %swap3A_775] {strides = array<i32>} : memref<4x200x64xf32, #tpu.memory_space<vmem>>, vector<1x1x16xf32>,
        %swap3A_777 = vector.shape_cast %swap3A_776 : vector<1x1x16xf32> to vector<16xf32>
        %swap3A_778 = vector.shape_cast %mul3A_771 : vector<16xf32> to vector<1x1x16xf32>
        tpu.vector_store %arg6[%swap3A_773, %swap3A_774, %swap3A_775], %swap3A_778 {strides = array<i32>} : memref<4x200x64xf32, #tpu.memory_space<vmem>>, vector<1x1x16xf32>,
        %scan3A_779 = arith.constant 6 : i32
        %scan3A_780 = arith.addi %scan3A_362, %scan3A_779 : i32
        %mul3A_781 = arith.constant 1 : i32
        %mul3A_782 = arith.muli %scan3A_780, %mul3A_781 : i32
        %add3A_783 = arith.constant 0 : i32
        %add3A_784 = arith.addi %add3A_783, %mul3A_782 : i32
        %get3A_785 = arith.constant 1 : i32
        %get3A_786 = arith.index_cast %get3A_785 : i32 to index
        %get3A_787 = arith.index_cast %add3A_784 : i32 to index
        %get3A_788 = arith.constant 0 : index
        %get3A_789 = tpu.vector_load %arg6[%get3A_786, %get3A_787, %get3A_788] {strides = array<i32>} : memref<4x200x64xf32, #tpu.memory_space<vmem>>, vector<1x1x16xf32>,
        %get3A_790 = vector.shape_cast %get3A_789 : vector<1x1x16xf32> to vector<16xf32>
        %mul3A_791 = arith.constant 8.000000e+00 : f32
        %mul3A_792 = vector.broadcast %mul3A_791 : f32 to vector<16xf32>
        %mul3A_793 = arith.mulf %get3A_790, %mul3A_792 : vector<16xf32>
        %swap3A_794 = arith.constant 1 : i32
        %swap3A_795 = arith.index_cast %swap3A_794 : i32 to index
        %swap3A_796 = arith.index_cast %add3A_784 : i32 to index
        %swap3A_797 = arith.constant 0 : index
        %swap3A_798 = tpu.vector_load %arg6[%swap3A_795, %swap3A_796, %swap3A_797] {strides = array<i32>} : memref<4x200x64xf32, #tpu.memory_space<vmem>>, vector<1x1x16xf32>,
        %swap3A_799 = vector.shape_cast %swap3A_798 : vector<1x1x16xf32> to vector<16xf32>
        %swap3A_800 = vector.shape_cast %mul3A_793 : vector<16xf32> to vector<1x1x16xf32>
        tpu.vector_store %arg6[%swap3A_795, %swap3A_796, %swap3A_797], %swap3A_800 {strides = array<i32>} : memref<4x200x64xf32, #tpu.memory_space<vmem>>, vector<1x1x16xf32>,
        %get3A_801 = arith.constant 1 : i32
        %get3A_802 = arith.index_cast %get3A_801 : i32 to index
        %get3A_803 = arith.index_cast %add3A_784 : i32 to index
        %get3A_804 = arith.constant 16 : index
        %get3A_805 = tpu.vector_load %arg6[%get3A_802, %get3A_803, %get3A_804] {strides = array<i32>} : memref<4x200x64xf32, #tpu.memory_space<vmem>>, vector<1x1x16xf32>,
        %get3A_806 = vector.shape_cast %get3A_805 : vector<1x1x16xf32> to vector<16xf32>
        %mul3A_807 = arith.constant 8.000000e+00 : f32
        %mul3A_808 = vector.broadcast %mul3A_807 : f32 to vector<16xf32>
        %mul3A_809 = arith.mulf %get3A_806, %mul3A_808 : vector<16xf32>
        %swap3A_810 = arith.constant 1 : i32
        %swap3A_811 = arith.index_cast %swap3A_810 : i32 to index
        %swap3A_812 = arith.index_cast %add3A_784 : i32 to index
        %swap3A_813 = arith.constant 16 : index
        %swap3A_814 = tpu.vector_load %arg6[%swap3A_811, %swap3A_812, %swap3A_813] {strides = array<i32>} : memref<4x200x64xf32, #tpu.memory_space<vmem>>, vector<1x1x16xf32>,
        %swap3A_815 = vector.shape_cast %swap3A_814 : vector<1x1x16xf32> to vector<16xf32>
        %swap3A_816 = vector.shape_cast %mul3A_809 : vector<16xf32> to vector<1x1x16xf32>
        tpu.vector_store %arg6[%swap3A_811, %swap3A_812, %swap3A_813], %swap3A_816 {strides = array<i32>} : memref<4x200x64xf32, #tpu.memory_space<vmem>>, vector<1x1x16xf32>,
        %get3A_817 = arith.constant 1 : i32
        %get3A_818 = arith.index_cast %get3A_817 : i32 to index
        %get3A_819 = arith.index_cast %add3A_784 : i32 to index
        %get3A_820 = arith.constant 32 : index
        %get3A_821 = tpu.vector_load %arg6[%get3A_818, %get3A_819, %get3A_820] {strides = array<i32>} : memref<4x200x64xf32, #tpu.memory_space<vmem>>, vector<1x1x16xf32>,
        %get3A_822 = vector.shape_cast %get3A_821 : vector<1x1x16xf32> to vector<16xf32>
        %mul3A_823 = arith.constant 8.000000e+00 : f32
        %mul3A_824 = vector.broadcast %mul3A_823 : f32 to vector<16xf32>
        %mul3A_825 = arith.mulf %get3A_822, %mul3A_824 : vector<16xf32>
        %swap3A_826 = arith.constant 1 : i32
        %swap3A_827 = arith.index_cast %swap3A_826 : i32 to index
        %swap3A_828 = arith.index_cast %add3A_784 : i32 to index
        %swap3A_829 = arith.constant 32 : index
        %swap3A_830 = tpu.vector_load %arg6[%swap3A_827, %swap3A_828, %swap3A_829] {strides = array<i32>} : memref<4x200x64xf32, #tpu.memory_space<vmem>>, vector<1x1x16xf32>,
        %swap3A_831 = vector.shape_cast %swap3A_830 : vector<1x1x16xf32> to vector<16xf32>
        %swap3A_832 = vector.shape_cast %mul3A_825 : vector<16xf32> to vector<1x1x16xf32>
        tpu.vector_store %arg6[%swap3A_827, %swap3A_828, %swap3A_829], %swap3A_832 {strides = array<i32>} : memref<4x200x64xf32, #tpu.memory_space<vmem>>, vector<1x1x16xf32>,
        %get3A_833 = arith.constant 1 : i32
        %get3A_834 = arith.index_cast %get3A_833 : i32 to index
        %get3A_835 = arith.index_cast %add3A_784 : i32 to index
        %get3A_836 = arith.constant 48 : index
        %get3A_837 = tpu.vector_load %arg6[%get3A_834, %get3A_835, %get3A_836] {strides = array<i32>} : memref<4x200x64xf32, #tpu.memory_space<vmem>>, vector<1x1x16xf32>,
        %get3A_838 = vector.shape_cast %get3A_837 : vector<1x1x16xf32> to vector<16xf32>
        %mul3A_839 = arith.constant 8.000000e+00 : f32
        %mul3A_840 = vector.broadcast %mul3A_839 : f32 to vector<16xf32>
        %mul3A_841 = arith.mulf %get3A_838, %mul3A_840 : vector<16xf32>
        %swap3A_842 = arith.constant 1 : i32
        %swap3A_843 = arith.index_cast %swap3A_842 : i32 to index
        %swap3A_844 = arith.index_cast %add3A_784 : i32 to index
        %swap3A_845 = arith.constant 48 : index
        %swap3A_846 = tpu.vector_load %arg6[%swap3A_843, %swap3A_844, %swap3A_845] {strides = array<i32>} : memref<4x200x64xf32, #tpu.memory_space<vmem>>, vector<1x1x16xf32>,
        %swap3A_847 = vector.shape_cast %swap3A_846 : vector<1x1x16xf32> to vector<16xf32>
        %swap3A_848 = vector.shape_cast %mul3A_841 : vector<16xf32> to vector<1x1x16xf32>
        tpu.vector_store %arg6[%swap3A_843, %swap3A_844, %swap3A_845], %swap3A_848 {strides = array<i32>} : memref<4x200x64xf32, #tpu.memory_space<vmem>>, vector<1x1x16xf32>,
        %scan3A_849 = arith.constant 7 : i32
        %scan3A_850 = arith.addi %scan3A_362, %scan3A_849 : i32
        %mul3A_851 = arith.constant 1 : i32
        %mul3A_852 = arith.muli %scan3A_850, %mul3A_851 : i32
        %add3A_853 = arith.constant 0 : i32
        %add3A_854 = arith.addi %add3A_853, %mul3A_852 : i32
        %get3A_855 = arith.constant 1 : i32
        %get3A_856 = arith.index_cast %get3A_855 : i32 to index
        %get3A_857 = arith.index_cast %add3A_854 : i32 to index
        %get3A_858 = arith.constant 0 : index
        %get3A_859 = tpu.vector_load %arg6[%get3A_856, %get3A_857, %get3A_858] {strides = array<i32>} : memref<4x200x64xf32, #tpu.memory_space<vmem>>, vector<1x1x16xf32>,
        %get3A_860 = vector.shape_cast %get3A_859 : vector<1x1x16xf32> to vector<16xf32>
        %mul3A_861 = arith.constant 8.000000e+00 : f32
        %mul3A_862 = vector.broadcast %mul3A_861 : f32 to vector<16xf32>
        %mul3A_863 = arith.mulf %get3A_860, %mul3A_862 : vector<16xf32>
        %swap3A_864 = arith.constant 1 : i32
        %swap3A_865 = arith.index_cast %swap3A_864 : i32 to index
        %swap3A_866 = arith.index_cast %add3A_854 : i32 to index
        %swap3A_867 = arith.constant 0 : index
        %swap3A_868 = tpu.vector_load %arg6[%swap3A_865, %swap3A_866, %swap3A_867] {strides = array<i32>} : memref<4x200x64xf32, #tpu.memory_space<vmem>>, vector<1x1x16xf32>,
        %swap3A_869 = vector.shape_cast %swap3A_868 : vector<1x1x16xf32> to vector<16xf32>
        %swap3A_870 = vector.shape_cast %mul3A_863 : vector<16xf32> to vector<1x1x16xf32>
        tpu.vector_store %arg6[%swap3A_865, %swap3A_866, %swap3A_867], %swap3A_870 {strides = array<i32>} : memref<4x200x64xf32, #tpu.memory_space<vmem>>, vector<1x1x16xf32>,
        %get3A_871 = arith.constant 1 : i32
        %get3A_872 = arith.index_cast %get3A_871 : i32 to index
        %get3A_873 = arith.index_cast %add3A_854 : i32 to index
        %get3A_874 = arith.constant 16 : index
        %get3A_875 = tpu.vector_load %arg6[%get3A_872, %get3A_873, %get3A_874] {strides = array<i32>} : memref<4x200x64xf32, #tpu.memory_space<vmem>>, vector<1x1x16xf32>,
        %get3A_876 = vector.shape_cast %get3A_875 : vector<1x1x16xf32> to vector<16xf32>
        %mul3A_877 = arith.constant 8.000000e+00 : f32
        %mul3A_878 = vector.broadcast %mul3A_877 : f32 to vector<16xf32>
        %mul3A_879 = arith.mulf %get3A_876, %mul3A_878 : vector<16xf32>
        %swap3A_880 = arith.constant 1 : i32
        %swap3A_881 = arith.index_cast %swap3A_880 : i32 to index
        %swap3A_882 = arith.index_cast %add3A_854 : i32 to index
        %swap3A_883 = arith.constant 16 : index
        %swap3A_884 = tpu.vector_load %arg6[%swap3A_881, %swap3A_882, %swap3A_883] {strides = array<i32>} : memref<4x200x64xf32, #tpu.memory_space<vmem>>, vector<1x1x16xf32>,
        %swap3A_885 = vector.shape_cast %swap3A_884 : vector<1x1x16xf32> to vector<16xf32>
        %swap3A_886 = vector.shape_cast %mul3A_879 : vector<16xf32> to vector<1x1x16xf32>
        tpu.vector_store %arg6[%swap3A_881, %swap3A_882, %swap3A_883], %swap3A_886 {strides = array<i32>} : memref<4x200x64xf32, #tpu.memory_space<vmem>>, vector<1x1x16xf32>,
        %get3A_887 = arith.constant 1 : i32
        %get3A_888 = arith.index_cast %get3A_887 : i32 to index
        %get3A_889 = arith.index_cast %add3A_854 : i32 to index
        %get3A_890 = arith.constant 32 : index
        %get3A_891 = tpu.vector_load %arg6[%get3A_888, %get3A_889, %get3A_890] {strides = array<i32>} : memref<4x200x64xf32, #tpu.memory_space<vmem>>, vector<1x1x16xf32>,
        %get3A_892 = vector.shape_cast %get3A_891 : vector<1x1x16xf32> to vector<16xf32>
        %mul3A_893 = arith.constant 8.000000e+00 : f32
        %mul3A_894 = vector.broadcast %mul3A_893 : f32 to vector<16xf32>
        %mul3A_895 = arith.mulf %get3A_892, %mul3A_894 : vector<16xf32>
        %swap3A_896 = arith.constant 1 : i32
        %swap3A_897 = arith.index_cast %swap3A_896 : i32 to index
        %swap3A_898 = arith.index_cast %add3A_854 : i32 to index
        %swap3A_899 = arith.constant 32 : index
        %swap3A_900 = tpu.vector_load %arg6[%swap3A_897, %swap3A_898, %swap3A_899] {strides = array<i32>} : memref<4x200x64xf32, #tpu.memory_space<vmem>>, vector<1x1x16xf32>,
        %swap3A_901 = vector.shape_cast %swap3A_900 : vector<1x1x16xf32> to vector<16xf32>
        %swap3A_902 = vector.shape_cast %mul3A_895 : vector<16xf32> to vector<1x1x16xf32>
        tpu.vector_store %arg6[%swap3A_897, %swap3A_898, %swap3A_899], %swap3A_902 {strides = array<i32>} : memref<4x200x64xf32, #tpu.memory_space<vmem>>, vector<1x1x16xf32>,
        %get3A_903 = arith.constant 1 : i32
        %get3A_904 = arith.index_cast %get3A_903 : i32 to index
        %get3A_905 = arith.index_cast %add3A_854 : i32 to index
        %get3A_906 = arith.constant 48 : index
        %get3A_907 = tpu.vector_load %arg6[%get3A_904, %get3A_905, %get3A_906] {strides = array<i32>} : memref<4x200x64xf32, #tpu.memory_space<vmem>>, vector<1x1x16xf32>,
        %get3A_908 = vector.shape_cast %get3A_907 : vector<1x1x16xf32> to vector<16xf32>
        %mul3A_909 = arith.constant 8.000000e+00 : f32
        %mul3A_910 = vector.broadcast %mul3A_909 : f32 to vector<16xf32>
        %mul3A_911 = arith.mulf %get3A_908, %mul3A_910 : vector<16xf32>
        %swap3A_912 = arith.constant 1 : i32
        %swap3A_913 = arith.index_cast %swap3A_912 : i32 to index
        %swap3A_914 = arith.index_cast %add3A_854 : i32 to index
        %swap3A_915 = arith.constant 48 : index
        %swap3A_916 = tpu.vector_load %arg6[%swap3A_913, %swap3A_914, %swap3A_915] {strides = array<i32>} : memref<4x200x64xf32, #tpu.memory_space<vmem>>, vector<1x1x16xf32>,
        %swap3A_917 = vector.shape_cast %swap3A_916 : vector<1x1x16xf32> to vector<16xf32>
        %swap3A_918 = vector.shape_cast %mul3A_911 : vector<16xf32> to vector<1x1x16xf32>
        tpu.vector_store %arg6[%swap3A_913, %swap3A_914, %swap3A_915], %swap3A_918 {strides = array<i32>} : memref<4x200x64xf32, #tpu.memory_space<vmem>>, vector<1x1x16xf32>,
      }
      %scan3A_228 = arith.constant 200 : i32
      %add3A_229 = arith.addi %mul3A_2, %add3A_201 : i32
      %dma_start3A_230 = arith.constant 1 : i32
      %dma_start3A_231 = arith.constant 0 : i32
      %dma_start3A_232 = arith.constant 0 : i32
      %dma_start3A_233 = tpu.memref_slice %arg6[%dma_start3A_230, %dma_start3A_231, %dma_start3A_232] : memref<4x200x64xf32, #tpu.memory_space<vmem>> -> memref<1x200x64xf32, #tpu.memory_space<vmem>>
      %dma_start3A_234 = tpu.memref_squeeze %dma_start3A_233 : memref<1x200x64xf32, #tpu.memory_space<vmem>> -> memref<200x64xf32, #tpu.memory_space<vmem>>
      %dma_start3A_235 = arith.constant 0 : i32
      %dma_start3A_236 = arith.constant 0 : i32
      %dma_start3A_237 = tpu.memref_slice %arg4[%add3A_229, %dma_start3A_235, %dma_start3A_236] : memref<1024x200x64xf32, #tpu.memory_space<hbm>> -> memref<1x200x64xf32, #tpu.memory_space<hbm>>
      %dma_start3A_238 = tpu.memref_squeeze %dma_start3A_237 : memref<1x200x64xf32, #tpu.memory_space<hbm>> -> memref<200x64xf32, #tpu.memory_space<hbm>>
      %dma_start3A_239 = arith.constant 0 : i32
      %dma_start3A_240 = arith.constant 0 : i32
      %dma_start3A_241 = tpu.memref_slice %arg4[%add3A_229, %dma_start3A_239, %dma_start3A_240] : memref<1024x200x64xf32, #tpu.memory_space<hbm>> -> memref<1x200x64xf32, #tpu.memory_space<hbm>>
      %dma_start3A_242 = tpu.memref_squeeze %dma_start3A_241 : memref<1x200x64xf32, #tpu.memory_space<hbm>> -> memref<200x64xf32, #tpu.memory_space<hbm>>
      %dma_start3A_243 = arith.constant 0 : i32
      %dma_start3A_244 = arith.constant 0 : i32
      %dma_start3A_245 = tpu.memref_slice %arg6[%dma_start3A_230, %dma_start3A_243, %dma_start3A_244] : memref<4x200x64xf32, #tpu.memory_space<vmem>> -> memref<1x200x64xf32, #tpu.memory_space<vmem>>
      %dma_start3A_246 = tpu.memref_squeeze %dma_start3A_245 : memref<1x200x64xf32, #tpu.memory_space<vmem>> -> memref<200x64xf32, #tpu.memory_space<vmem>>
      tpu.enqueue_dma source(%dma_start3A_246 : memref<200x64xf32, #tpu.memory_space<vmem>>) target(%dma_start3A_242 : memref<200x64xf32, #tpu.memory_space<hbm>>) target_semaphore(%arg12 : memref<!tpu.dma_semaphore, #tpu.memory_space<semaphore_mem>>)
      %add3A_247 = arith.constant 2 : i32
      %add3A_248 = arith.addi %add3A_201, %add3A_247 : i32
      %lt3A_249 = arith.constant 32 : i32
      %lt3A_250 = arith.cmpi slt, %add3A_248, %lt3A_249 : i32
      %convert_element_type3A_251 = arith.extui %lt3A_250 : i1 to i32
      %cond3A_252 = arith.constant 0 : i32
      %cond3A_253 = arith.cmpi ne, %convert_element_type3A_251, %cond3A_252 : i32
      scf.if %cond3A_253 {
        %ge3A = arith.constant 4 : i32
        %ge3A_362 = arith.cmpi sge, %add3A_248, %ge3A : i32
        %convert_element_type3A_363 = arith.extui %ge3A_362 : i1 to i32
        %cond3A_364 = arith.constant 0 : i32
        %cond3A_365 = arith.cmpi ne, %convert_element_type3A_363, %cond3A_364 : i32
        scf.if %cond3A_365 {
          %add3A_388 = arith.addi %mul3A_2, %add3A_248 : i32
          %sub3A_389 = arith.constant 4 : i32
          %sub3A_390 = arith.subi %add3A_388, %sub3A_389 : i32
          %dma_wait3A_391 = arith.constant 3 : i32
          %dma_wait3A_392 = arith.constant 0 : i32
          %dma_wait3A_393 = arith.constant 0 : i32
          %dma_wait3A_394 = tpu.memref_slice %arg6[%dma_wait3A_391, %dma_wait3A_392, %dma_wait3A_393] : memref<4x200x64xf32, #tpu.memory_space<vmem>> -> memref<1x200x64xf32, #tpu.memory_space<vmem>>
          %dma_wait3A_395 = tpu.memref_squeeze %dma_wait3A_394 : memref<1x200x64xf32, #tpu.memory_space<vmem>> -> memref<200x64xf32, #tpu.memory_space<vmem>>
          %dma_wait3A_396 = arith.constant 0 : i32
          %dma_wait3A_397 = arith.constant 0 : i32
          %dma_wait3A_398 = tpu.memref_slice %arg4[%sub3A_390, %dma_wait3A_396, %dma_wait3A_397] : memref<1024x200x64xf32, #tpu.memory_space<hbm>> -> memref<1x200x64xf32, #tpu.memory_space<hbm>>
          %dma_wait3A_399 = tpu.memref_squeeze %dma_wait3A_398 : memref<1x200x64xf32, #tpu.memory_space<hbm>> -> memref<200x64xf32, #tpu.memory_space<hbm>>
          %dma_wait3A_400 = arith.constant 0 : i32
          %dma_wait3A_401 = arith.constant 0 : i32
          %dma_wait3A_402 = tpu.memref_slice %arg4[%sub3A_390, %dma_wait3A_400, %dma_wait3A_401] : memref<1024x200x64xf32, #tpu.memory_space<hbm>> -> memref<1x200x64xf32, #tpu.memory_space<hbm>>
          %dma_wait3A_403 = tpu.memref_squeeze %dma_wait3A_402 : memref<1x200x64xf32, #tpu.memory_space<hbm>> -> memref<200x64xf32, #tpu.memory_space<hbm>>
          %dma_wait3A_404 = arith.constant 0 : i32
          %dma_wait3A_405 = arith.constant 0 : i32
          %dma_wait3A_406 = tpu.memref_slice %arg6[%dma_wait3A_391, %dma_wait3A_404, %dma_wait3A_405] : memref<4x200x64xf32, #tpu.memory_space<vmem>> -> memref<1x200x64xf32, #tpu.memory_space<vmem>>
          %dma_wait3A_407 = tpu.memref_squeeze %dma_wait3A_406 : memref<1x200x64xf32, #tpu.memory_space<vmem>> -> memref<200x64xf32, #tpu.memory_space<vmem>>
          tpu.wait_dma2 semaphore(%arg14 : memref<!tpu.dma_semaphore, #tpu.memory_space<semaphore_mem>>) src(%dma_wait3A_407 : memref<200x64xf32, #tpu.memory_space<vmem>>) dst(%dma_wait3A_403 : memref<200x64xf32, #tpu.memory_space<hbm>>)
        } else {
        }
        %dma_start3A_366 = arith.constant 3 : i32
        %dma_start3A_367 = arith.constant 0 : i32
        %dma_start3A_368 = arith.constant 0 : i32
        %dma_start3A_369 = tpu.memref_slice %arg6[%dma_start3A_366, %dma_start3A_367, %dma_start3A_368] : memref<4x200x64xf32, #tpu.memory_space<vmem>> -> memref<1x128x64xf32, #tpu.memory_space<vmem>>
        %dma_start3A_370 = tpu.memref_squeeze %dma_start3A_369 : memref<1x128x64xf32, #tpu.memory_space<vmem>> -> memref<128x64xf32, #tpu.memory_space<vmem>>
        %dma_start3A_371 = arith.constant 0 : i32
        %dma_start3A_372 = tpu.memref_slice %arg5[%add3A_248, %dma_start3A_371] : memref<32x200xi32, #tpu.memory_space<vmem>> -> memref<1x128xi32, #tpu.memory_space<vmem>>
        %dma_start3A_373 = tpu.memref_squeeze %dma_start3A_372 : memref<1x128xi32, #tpu.memory_space<vmem>> -> memref<128xi32, #tpu.memory_space<vmem>>
        %dma_start3A_374 = arith.constant 0 : i32
        %dma_start3A_375 = arith.constant 0 : i32
        %dma_start3A_376 = tpu.memref_slice %arg3[%dma_start3A_374, %dma_start3A_375] : memref<1000000x64xf32, #tpu.memory_space<hbm>> -> memref<1000000x64xf32, #tpu.memory_space<hbm>>
        tpu.enqueue_indirect_dma source(%dma_start3A_376 : memref<1000000x64xf32, #tpu.memory_space<hbm>>) target(%dma_start3A_370 : memref<128x64xf32, #tpu.memory_space<vmem>>) offsets(%dma_start3A_373 : memref<128xi32, #tpu.memory_space<vmem>>) semaphore(%arg10 : memref<!tpu.dma_semaphore, #tpu.memory_space<semaphore_mem>>)
        %dma_start3A_377 = arith.constant 3 : i32
        %dma_start3A_378 = arith.constant 128 : i32
        %dma_start3A_379 = arith.constant 0 : i32
        %dma_start3A_380 = tpu.memref_slice %arg6[%dma_start3A_377, %dma_start3A_378, %dma_start3A_379] : memref<4x200x64xf32, #tpu.memory_space<vmem>> -> memref<1x72x64xf32, #tpu.memory_space<vmem>>
        %dma_start3A_381 = tpu.memref_squeeze %dma_start3A_380 : memref<1x72x64xf32, #tpu.memory_space<vmem>> -> memref<72x64xf32, #tpu.memory_space<vmem>>
        %dma_start3A_382 = arith.constant 128 : i32
        %dma_start3A_383 = tpu.memref_slice %arg5[%add3A_248, %dma_start3A_382] : memref<32x200xi32, #tpu.memory_space<vmem>> -> memref<1x72xi32, #tpu.memory_space<vmem>>
        %dma_start3A_384 = tpu.memref_squeeze %dma_start3A_383 : memref<1x72xi32, #tpu.memory_space<vmem>> -> memref<72xi32, #tpu.memory_space<vmem>>
        %dma_start3A_385 = arith.constant 0 : i32
        %dma_start3A_386 = arith.constant 0 : i32
        %dma_start3A_387 = tpu.memref_slice %arg3[%dma_start3A_385, %dma_start3A_386] : memref<1000000x64xf32, #tpu.memory_space<hbm>> -> memref<1000000x64xf32, #tpu.memory_space<hbm>>
        tpu.enqueue_indirect_dma source(%dma_start3A_387 : memref<1000000x64xf32, #tpu.memory_space<hbm>>) target(%dma_start3A_381 : memref<72x64xf32, #tpu.memory_space<vmem>>) offsets(%dma_start3A_384 : memref<72xi32, #tpu.memory_space<vmem>>) semaphore(%arg10 : memref<!tpu.dma_semaphore, #tpu.memory_space<semaphore_mem>>)
      } else {
      }
      %add3A_254 = arith.constant 2 : i32
      %add3A_255 = arith.addi %add3A_148, %add3A_254 : i32
      %dma_wait3A_256 = arith.constant 2 : i32
      %dma_wait3A_257 = arith.constant 0 : i32
      %dma_wait3A_258 = arith.constant 0 : i32
      %dma_wait3A_259 = tpu.memref_slice %arg6[%dma_wait3A_256, %dma_wait3A_257, %dma_wait3A_258] : memref<4x200x64xf32, #tpu.memory_space<vmem>> -> memref<1x128x64xf32, #tpu.memory_space<vmem>>
      %dma_wait3A_260 = tpu.memref_squeeze %dma_wait3A_259 : memref<1x128x64xf32, #tpu.memory_space<vmem>> -> memref<128x64xf32, #tpu.memory_space<vmem>>
      %dma_wait3A_261 = arith.constant 0 : i32
      %dma_wait3A_262 = tpu.memref_slice %arg5[%add3A_255, %dma_wait3A_261] : memref<32x200xi32, #tpu.memory_space<vmem>> -> memref<1x128xi32, #tpu.memory_space<vmem>>
      %dma_wait3A_263 = tpu.memref_squeeze %dma_wait3A_262 : memref<1x128xi32, #tpu.memory_space<vmem>> -> memref<128xi32, #tpu.memory_space<vmem>>
      %dma_wait3A_264 = arith.constant 0 : i32
      %dma_wait3A_265 = arith.constant 0 : i32
      %dma_wait3A_266 = tpu.memref_slice %arg3[%dma_wait3A_264, %dma_wait3A_265] : memref<1000000x64xf32, #tpu.memory_space<hbm>> -> memref<1000000x64xf32, #tpu.memory_space<hbm>>
      tpu.wait_indirect_dma semaphore(%arg9 : memref<!tpu.dma_semaphore, #tpu.memory_space<semaphore_mem>>) src(%dma_wait3A_266 : memref<1000000x64xf32, #tpu.memory_space<hbm>>) dst(%dma_wait3A_260 : memref<128x64xf32, #tpu.memory_space<vmem>>)
      %dma_wait3A_267 = arith.constant 2 : i32
      %dma_wait3A_268 = arith.constant 128 : i32
      %dma_wait3A_269 = arith.constant 0 : i32
      %dma_wait3A_270 = tpu.memref_slice %arg6[%dma_wait3A_267, %dma_wait3A_268, %dma_wait3A_269] : memref<4x200x64xf32, #tpu.memory_space<vmem>> -> memref<1x72x64xf32, #tpu.memory_space<vmem>>
      %dma_wait3A_271 = tpu.memref_squeeze %dma_wait3A_270 : memref<1x72x64xf32, #tpu.memory_space<vmem>> -> memref<72x64xf32, #tpu.memory_space<vmem>>
      %dma_wait3A_272 = arith.constant 128 : i32
      %dma_wait3A_273 = tpu.memref_slice %arg5[%add3A_255, %dma_wait3A_272] : memref<32x200xi32, #tpu.memory_space<vmem>> -> memref<1x72xi32, #tpu.memory_space<vmem>>
      %dma_wait3A_274 = tpu.memref_squeeze %dma_wait3A_273 : memref<1x72xi32, #tpu.memory_space<vmem>> -> memref<72xi32, #tpu.memory_space<vmem>>
      %dma_wait3A_275 = arith.constant 0 : i32
      %dma_wait3A_276 = arith.constant 0 : i32
      %dma_wait3A_277 = tpu.memref_slice %arg3[%dma_wait3A_275, %dma_wait3A_276] : memref<1000000x64xf32, #tpu.memory_space<hbm>> -> memref<1000000x64xf32, #tpu.memory_space<hbm>>
      tpu.wait_indirect_dma semaphore(%arg9 : memref<!tpu.dma_semaphore, #tpu.memory_space<semaphore_mem>>) src(%dma_wait3A_277 : memref<1000000x64xf32, #tpu.memory_space<hbm>>) dst(%dma_wait3A_271 : memref<72x64xf32, #tpu.memory_space<vmem>>)
      %scan3A_278 = arith.constant 0 : i32
      %scan3A_279 = arith.constant 200 : i32
      %scan3A_280 = arith.addi %scan3A_278, %scan3A_279 : i32
      %scan3A_281 = arith.constant 8 : i32
      scf.for %scan3A_362 = %scan3A_278 to %scan3A_280 step %scan3A_281  : i32 {
        %mul3A_363 = arith.constant 1 : i32
        %mul3A_364 = arith.muli %scan3A_362, %mul3A_363 : i32
        %add3A_365 = arith.constant 0 : i32
        %add3A_366 = arith.addi %add3A_365, %mul3A_364 : i32
        %get3A = arith.constant 2 : i32
        %get3A_367 = arith.index_cast %get3A : i32 to index
        %get3A_368 = arith.index_cast %add3A_366 : i32 to index
        %get3A_369 = arith.constant 0 : index
        %get3A_370 = tpu.vector_load %arg6[%get3A_367, %get3A_368, %get3A_369] {strides = array<i32>} : memref<4x200x64xf32, #tpu.memory_space<vmem>>, vector<1x1x16xf32>,
        %get3A_371 = vector.shape_cast %get3A_370 : vector<1x1x16xf32> to vector<16xf32>
        %mul3A_372 = arith.constant 8.000000e+00 : f32
        %mul3A_373 = vector.broadcast %mul3A_372 : f32 to vector<16xf32>
        %mul3A_374 = arith.mulf %get3A_371, %mul3A_373 : vector<16xf32>
        %swap3A = arith.constant 2 : i32
        %swap3A_375 = arith.index_cast %swap3A : i32 to index
        %swap3A_376 = arith.index_cast %add3A_366 : i32 to index
        %swap3A_377 = arith.constant 0 : index
        %swap3A_378 = tpu.vector_load %arg6[%swap3A_375, %swap3A_376, %swap3A_377] {strides = array<i32>} : memref<4x200x64xf32, #tpu.memory_space<vmem>>, vector<1x1x16xf32>,
        %swap3A_379 = vector.shape_cast %swap3A_378 : vector<1x1x16xf32> to vector<16xf32>
        %swap3A_380 = vector.shape_cast %mul3A_374 : vector<16xf32> to vector<1x1x16xf32>
        tpu.vector_store %arg6[%swap3A_375, %swap3A_376, %swap3A_377], %swap3A_380 {strides = array<i32>} : memref<4x200x64xf32, #tpu.memory_space<vmem>>, vector<1x1x16xf32>,
        %get3A_381 = arith.constant 2 : i32
        %get3A_382 = arith.index_cast %get3A_381 : i32 to index
        %get3A_383 = arith.index_cast %add3A_366 : i32 to index
        %get3A_384 = arith.constant 16 : index
        %get3A_385 = tpu.vector_load %arg6[%get3A_382, %get3A_383, %get3A_384] {strides = array<i32>} : memref<4x200x64xf32, #tpu.memory_space<vmem>>, vector<1x1x16xf32>,
        %get3A_386 = vector.shape_cast %get3A_385 : vector<1x1x16xf32> to vector<16xf32>
        %mul3A_387 = arith.constant 8.000000e+00 : f32
        %mul3A_388 = vector.broadcast %mul3A_387 : f32 to vector<16xf32>
        %mul3A_389 = arith.mulf %get3A_386, %mul3A_388 : vector<16xf32>
        %swap3A_390 = arith.constant 2 : i32
        %swap3A_391 = arith.index_cast %swap3A_390 : i32 to index
        %swap3A_392 = arith.index_cast %add3A_366 : i32 to index
        %swap3A_393 = arith.constant 16 : index
        %swap3A_394 = tpu.vector_load %arg6[%swap3A_391, %swap3A_392, %swap3A_393] {strides = array<i32>} : memref<4x200x64xf32, #tpu.memory_space<vmem>>, vector<1x1x16xf32>,
        %swap3A_395 = vector.shape_cast %swap3A_394 : vector<1x1x16xf32> to vector<16xf32>
        %swap3A_396 = vector.shape_cast %mul3A_389 : vector<16xf32> to vector<1x1x16xf32>
        tpu.vector_store %arg6[%swap3A_391, %swap3A_392, %swap3A_393], %swap3A_396 {strides = array<i32>} : memref<4x200x64xf32, #tpu.memory_space<vmem>>, vector<1x1x16xf32>,
        %get3A_397 = arith.constant 2 : i32
        %get3A_398 = arith.index_cast %get3A_397 : i32 to index
        %get3A_399 = arith.index_cast %add3A_366 : i32 to index
        %get3A_400 = arith.constant 32 : index
        %get3A_401 = tpu.vector_load %arg6[%get3A_398, %get3A_399, %get3A_400] {strides = array<i32>} : memref<4x200x64xf32, #tpu.memory_space<vmem>>, vector<1x1x16xf32>,
        %get3A_402 = vector.shape_cast %get3A_401 : vector<1x1x16xf32> to vector<16xf32>
        %mul3A_403 = arith.constant 8.000000e+00 : f32
        %mul3A_404 = vector.broadcast %mul3A_403 : f32 to vector<16xf32>
        %mul3A_405 = arith.mulf %get3A_402, %mul3A_404 : vector<16xf32>
        %swap3A_406 = arith.constant 2 : i32
        %swap3A_407 = arith.index_cast %swap3A_406 : i32 to index
        %swap3A_408 = arith.index_cast %add3A_366 : i32 to index
        %swap3A_409 = arith.constant 32 : index
        %swap3A_410 = tpu.vector_load %arg6[%swap3A_407, %swap3A_408, %swap3A_409] {strides = array<i32>} : memref<4x200x64xf32, #tpu.memory_space<vmem>>, vector<1x1x16xf32>,
        %swap3A_411 = vector.shape_cast %swap3A_410 : vector<1x1x16xf32> to vector<16xf32>
        %swap3A_412 = vector.shape_cast %mul3A_405 : vector<16xf32> to vector<1x1x16xf32>
        tpu.vector_store %arg6[%swap3A_407, %swap3A_408, %swap3A_409], %swap3A_412 {strides = array<i32>} : memref<4x200x64xf32, #tpu.memory_space<vmem>>, vector<1x1x16xf32>,
        %get3A_413 = arith.constant 2 : i32
        %get3A_414 = arith.index_cast %get3A_413 : i32 to index
        %get3A_415 = arith.index_cast %add3A_366 : i32 to index
        %get3A_416 = arith.constant 48 : index
        %get3A_417 = tpu.vector_load %arg6[%get3A_414, %get3A_415, %get3A_416] {strides = array<i32>} : memref<4x200x64xf32, #tpu.memory_space<vmem>>, vector<1x1x16xf32>,
        %get3A_418 = vector.shape_cast %get3A_417 : vector<1x1x16xf32> to vector<16xf32>
        %mul3A_419 = arith.constant 8.000000e+00 : f32
        %mul3A_420 = vector.broadcast %mul3A_419 : f32 to vector<16xf32>
        %mul3A_421 = arith.mulf %get3A_418, %mul3A_420 : vector<16xf32>
        %swap3A_422 = arith.constant 2 : i32
        %swap3A_423 = arith.index_cast %swap3A_422 : i32 to index
        %swap3A_424 = arith.index_cast %add3A_366 : i32 to index
        %swap3A_425 = arith.constant 48 : index
        %swap3A_426 = tpu.vector_load %arg6[%swap3A_423, %swap3A_424, %swap3A_425] {strides = array<i32>} : memref<4x200x64xf32, #tpu.memory_space<vmem>>, vector<1x1x16xf32>,
        %swap3A_427 = vector.shape_cast %swap3A_426 : vector<1x1x16xf32> to vector<16xf32>
        %swap3A_428 = vector.shape_cast %mul3A_421 : vector<16xf32> to vector<1x1x16xf32>
        tpu.vector_store %arg6[%swap3A_423, %swap3A_424, %swap3A_425], %swap3A_428 {strides = array<i32>} : memref<4x200x64xf32, #tpu.memory_space<vmem>>, vector<1x1x16xf32>,
        %scan3A_429 = arith.constant 1 : i32
        %scan3A_430 = arith.addi %scan3A_362, %scan3A_429 : i32
        %mul3A_431 = arith.constant 1 : i32
        %mul3A_432 = arith.muli %scan3A_430, %mul3A_431 : i32
        %add3A_433 = arith.constant 0 : i32
        %add3A_434 = arith.addi %add3A_433, %mul3A_432 : i32
        %get3A_435 = arith.constant 2 : i32
        %get3A_436 = arith.index_cast %get3A_435 : i32 to index
        %get3A_437 = arith.index_cast %add3A_434 : i32 to index
        %get3A_438 = arith.constant 0 : index
        %get3A_439 = tpu.vector_load %arg6[%get3A_436, %get3A_437, %get3A_438] {strides = array<i32>} : memref<4x200x64xf32, #tpu.memory_space<vmem>>, vector<1x1x16xf32>,
        %get3A_440 = vector.shape_cast %get3A_439 : vector<1x1x16xf32> to vector<16xf32>
        %mul3A_441 = arith.constant 8.000000e+00 : f32
        %mul3A_442 = vector.broadcast %mul3A_441 : f32 to vector<16xf32>
        %mul3A_443 = arith.mulf %get3A_440, %mul3A_442 : vector<16xf32>
        %swap3A_444 = arith.constant 2 : i32
        %swap3A_445 = arith.index_cast %swap3A_444 : i32 to index
        %swap3A_446 = arith.index_cast %add3A_434 : i32 to index
        %swap3A_447 = arith.constant 0 : index
        %swap3A_448 = tpu.vector_load %arg6[%swap3A_445, %swap3A_446, %swap3A_447] {strides = array<i32>} : memref<4x200x64xf32, #tpu.memory_space<vmem>>, vector<1x1x16xf32>,
        %swap3A_449 = vector.shape_cast %swap3A_448 : vector<1x1x16xf32> to vector<16xf32>
        %swap3A_450 = vector.shape_cast %mul3A_443 : vector<16xf32> to vector<1x1x16xf32>
        tpu.vector_store %arg6[%swap3A_445, %swap3A_446, %swap3A_447], %swap3A_450 {strides = array<i32>} : memref<4x200x64xf32, #tpu.memory_space<vmem>>, vector<1x1x16xf32>,
        %get3A_451 = arith.constant 2 : i32
        %get3A_452 = arith.index_cast %get3A_451 : i32 to index
        %get3A_453 = arith.index_cast %add3A_434 : i32 to index
        %get3A_454 = arith.constant 16 : index
        %get3A_455 = tpu.vector_load %arg6[%get3A_452, %get3A_453, %get3A_454] {strides = array<i32>} : memref<4x200x64xf32, #tpu.memory_space<vmem>>, vector<1x1x16xf32>,
        %get3A_456 = vector.shape_cast %get3A_455 : vector<1x1x16xf32> to vector<16xf32>
        %mul3A_457 = arith.constant 8.000000e+00 : f32
        %mul3A_458 = vector.broadcast %mul3A_457 : f32 to vector<16xf32>
        %mul3A_459 = arith.mulf %get3A_456, %mul3A_458 : vector<16xf32>
        %swap3A_460 = arith.constant 2 : i32
        %swap3A_461 = arith.index_cast %swap3A_460 : i32 to index
        %swap3A_462 = arith.index_cast %add3A_434 : i32 to index
        %swap3A_463 = arith.constant 16 : index
        %swap3A_464 = tpu.vector_load %arg6[%swap3A_461, %swap3A_462, %swap3A_463] {strides = array<i32>} : memref<4x200x64xf32, #tpu.memory_space<vmem>>, vector<1x1x16xf32>,
        %swap3A_465 = vector.shape_cast %swap3A_464 : vector<1x1x16xf32> to vector<16xf32>
        %swap3A_466 = vector.shape_cast %mul3A_459 : vector<16xf32> to vector<1x1x16xf32>
        tpu.vector_store %arg6[%swap3A_461, %swap3A_462, %swap3A_463], %swap3A_466 {strides = array<i32>} : memref<4x200x64xf32, #tpu.memory_space<vmem>>, vector<1x1x16xf32>,
        %get3A_467 = arith.constant 2 : i32
        %get3A_468 = arith.index_cast %get3A_467 : i32 to index
        %get3A_469 = arith.index_cast %add3A_434 : i32 to index
        %get3A_470 = arith.constant 32 : index
        %get3A_471 = tpu.vector_load %arg6[%get3A_468, %get3A_469, %get3A_470] {strides = array<i32>} : memref<4x200x64xf32, #tpu.memory_space<vmem>>, vector<1x1x16xf32>,
        %get3A_472 = vector.shape_cast %get3A_471 : vector<1x1x16xf32> to vector<16xf32>
        %mul3A_473 = arith.constant 8.000000e+00 : f32
        %mul3A_474 = vector.broadcast %mul3A_473 : f32 to vector<16xf32>
        %mul3A_475 = arith.mulf %get3A_472, %mul3A_474 : vector<16xf32>
        %swap3A_476 = arith.constant 2 : i32
        %swap3A_477 = arith.index_cast %swap3A_476 : i32 to index
        %swap3A_478 = arith.index_cast %add3A_434 : i32 to index
        %swap3A_479 = arith.constant 32 : index
        %swap3A_480 = tpu.vector_load %arg6[%swap3A_477, %swap3A_478, %swap3A_479] {strides = array<i32>} : memref<4x200x64xf32, #tpu.memory_space<vmem>>, vector<1x1x16xf32>,
        %swap3A_481 = vector.shape_cast %swap3A_480 : vector<1x1x16xf32> to vector<16xf32>
        %swap3A_482 = vector.shape_cast %mul3A_475 : vector<16xf32> to vector<1x1x16xf32>
        tpu.vector_store %arg6[%swap3A_477, %swap3A_478, %swap3A_479], %swap3A_482 {strides = array<i32>} : memref<4x200x64xf32, #tpu.memory_space<vmem>>, vector<1x1x16xf32>,
        %get3A_483 = arith.constant 2 : i32
        %get3A_484 = arith.index_cast %get3A_483 : i32 to index
        %get3A_485 = arith.index_cast %add3A_434 : i32 to index
        %get3A_486 = arith.constant 48 : index
        %get3A_487 = tpu.vector_load %arg6[%get3A_484, %get3A_485, %get3A_486] {strides = array<i32>} : memref<4x200x64xf32, #tpu.memory_space<vmem>>, vector<1x1x16xf32>,
        %get3A_488 = vector.shape_cast %get3A_487 : vector<1x1x16xf32> to vector<16xf32>
        %mul3A_489 = arith.constant 8.000000e+00 : f32
        %mul3A_490 = vector.broadcast %mul3A_489 : f32 to vector<16xf32>
        %mul3A_491 = arith.mulf %get3A_488, %mul3A_490 : vector<16xf32>
        %swap3A_492 = arith.constant 2 : i32
        %swap3A_493 = arith.index_cast %swap3A_492 : i32 to index
        %swap3A_494 = arith.index_cast %add3A_434 : i32 to index
        %swap3A_495 = arith.constant 48 : index
        %swap3A_496 = tpu.vector_load %arg6[%swap3A_493, %swap3A_494, %swap3A_495] {strides = array<i32>} : memref<4x200x64xf32, #tpu.memory_space<vmem>>, vector<1x1x16xf32>,
        %swap3A_497 = vector.shape_cast %swap3A_496 : vector<1x1x16xf32> to vector<16xf32>
        %swap3A_498 = vector.shape_cast %mul3A_491 : vector<16xf32> to vector<1x1x16xf32>
        tpu.vector_store %arg6[%swap3A_493, %swap3A_494, %swap3A_495], %swap3A_498 {strides = array<i32>} : memref<4x200x64xf32, #tpu.memory_space<vmem>>, vector<1x1x16xf32>,
        %scan3A_499 = arith.constant 2 : i32
        %scan3A_500 = arith.addi %scan3A_362, %scan3A_499 : i32
        %mul3A_501 = arith.constant 1 : i32
        %mul3A_502 = arith.muli %scan3A_500, %mul3A_501 : i32
        %add3A_503 = arith.constant 0 : i32
        %add3A_504 = arith.addi %add3A_503, %mul3A_502 : i32
        %get3A_505 = arith.constant 2 : i32
        %get3A_506 = arith.index_cast %get3A_505 : i32 to index
        %get3A_507 = arith.index_cast %add3A_504 : i32 to index
        %get3A_508 = arith.constant 0 : index
        %get3A_509 = tpu.vector_load %arg6[%get3A_506, %get3A_507, %get3A_508] {strides = array<i32>} : memref<4x200x64xf32, #tpu.memory_space<vmem>>, vector<1x1x16xf32>,
        %get3A_510 = vector.shape_cast %get3A_509 : vector<1x1x16xf32> to vector<16xf32>
        %mul3A_511 = arith.constant 8.000000e+00 : f32
        %mul3A_512 = vector.broadcast %mul3A_511 : f32 to vector<16xf32>
        %mul3A_513 = arith.mulf %get3A_510, %mul3A_512 : vector<16xf32>
        %swap3A_514 = arith.constant 2 : i32
        %swap3A_515 = arith.index_cast %swap3A_514 : i32 to index
        %swap3A_516 = arith.index_cast %add3A_504 : i32 to index
        %swap3A_517 = arith.constant 0 : index
        %swap3A_518 = tpu.vector_load %arg6[%swap3A_515, %swap3A_516, %swap3A_517] {strides = array<i32>} : memref<4x200x64xf32, #tpu.memory_space<vmem>>, vector<1x1x16xf32>,
        %swap3A_519 = vector.shape_cast %swap3A_518 : vector<1x1x16xf32> to vector<16xf32>
        %swap3A_520 = vector.shape_cast %mul3A_513 : vector<16xf32> to vector<1x1x16xf32>
        tpu.vector_store %arg6[%swap3A_515, %swap3A_516, %swap3A_517], %swap3A_520 {strides = array<i32>} : memref<4x200x64xf32, #tpu.memory_space<vmem>>, vector<1x1x16xf32>,
        %get3A_521 = arith.constant 2 : i32
        %get3A_522 = arith.index_cast %get3A_521 : i32 to index
        %get3A_523 = arith.index_cast %add3A_504 : i32 to index
        %get3A_524 = arith.constant 16 : index
        %get3A_525 = tpu.vector_load %arg6[%get3A_522, %get3A_523, %get3A_524] {strides = array<i32>} : memref<4x200x64xf32, #tpu.memory_space<vmem>>, vector<1x1x16xf32>,
        %get3A_526 = vector.shape_cast %get3A_525 : vector<1x1x16xf32> to vector<16xf32>
        %mul3A_527 = arith.constant 8.000000e+00 : f32
        %mul3A_528 = vector.broadcast %mul3A_527 : f32 to vector<16xf32>
        %mul3A_529 = arith.mulf %get3A_526, %mul3A_528 : vector<16xf32>
        %swap3A_530 = arith.constant 2 : i32
        %swap3A_531 = arith.index_cast %swap3A_530 : i32 to index
        %swap3A_532 = arith.index_cast %add3A_504 : i32 to index
        %swap3A_533 = arith.constant 16 : index
        %swap3A_534 = tpu.vector_load %arg6[%swap3A_531, %swap3A_532, %swap3A_533] {strides = array<i32>} : memref<4x200x64xf32, #tpu.memory_space<vmem>>, vector<1x1x16xf32>,
        %swap3A_535 = vector.shape_cast %swap3A_534 : vector<1x1x16xf32> to vector<16xf32>
        %swap3A_536 = vector.shape_cast %mul3A_529 : vector<16xf32> to vector<1x1x16xf32>
        tpu.vector_store %arg6[%swap3A_531, %swap3A_532, %swap3A_533], %swap3A_536 {strides = array<i32>} : memref<4x200x64xf32, #tpu.memory_space<vmem>>, vector<1x1x16xf32>,
        %get3A_537 = arith.constant 2 : i32
        %get3A_538 = arith.index_cast %get3A_537 : i32 to index
        %get3A_539 = arith.index_cast %add3A_504 : i32 to index
        %get3A_540 = arith.constant 32 : index
        %get3A_541 = tpu.vector_load %arg6[%get3A_538, %get3A_539, %get3A_540] {strides = array<i32>} : memref<4x200x64xf32, #tpu.memory_space<vmem>>, vector<1x1x16xf32>,
        %get3A_542 = vector.shape_cast %get3A_541 : vector<1x1x16xf32> to vector<16xf32>
        %mul3A_543 = arith.constant 8.000000e+00 : f32
        %mul3A_544 = vector.broadcast %mul3A_543 : f32 to vector<16xf32>
        %mul3A_545 = arith.mulf %get3A_542, %mul3A_544 : vector<16xf32>
        %swap3A_546 = arith.constant 2 : i32
        %swap3A_547 = arith.index_cast %swap3A_546 : i32 to index
        %swap3A_548 = arith.index_cast %add3A_504 : i32 to index
        %swap3A_549 = arith.constant 32 : index
        %swap3A_550 = tpu.vector_load %arg6[%swap3A_547, %swap3A_548, %swap3A_549] {strides = array<i32>} : memref<4x200x64xf32, #tpu.memory_space<vmem>>, vector<1x1x16xf32>,
        %swap3A_551 = vector.shape_cast %swap3A_550 : vector<1x1x16xf32> to vector<16xf32>
        %swap3A_552 = vector.shape_cast %mul3A_545 : vector<16xf32> to vector<1x1x16xf32>
        tpu.vector_store %arg6[%swap3A_547, %swap3A_548, %swap3A_549], %swap3A_552 {strides = array<i32>} : memref<4x200x64xf32, #tpu.memory_space<vmem>>, vector<1x1x16xf32>,
        %get3A_553 = arith.constant 2 : i32
        %get3A_554 = arith.index_cast %get3A_553 : i32 to index
        %get3A_555 = arith.index_cast %add3A_504 : i32 to index
        %get3A_556 = arith.constant 48 : index
        %get3A_557 = tpu.vector_load %arg6[%get3A_554, %get3A_555, %get3A_556] {strides = array<i32>} : memref<4x200x64xf32, #tpu.memory_space<vmem>>, vector<1x1x16xf32>,
        %get3A_558 = vector.shape_cast %get3A_557 : vector<1x1x16xf32> to vector<16xf32>
        %mul3A_559 = arith.constant 8.000000e+00 : f32
        %mul3A_560 = vector.broadcast %mul3A_559 : f32 to vector<16xf32>
        %mul3A_561 = arith.mulf %get3A_558, %mul3A_560 : vector<16xf32>
        %swap3A_562 = arith.constant 2 : i32
        %swap3A_563 = arith.index_cast %swap3A_562 : i32 to index
        %swap3A_564 = arith.index_cast %add3A_504 : i32 to index
        %swap3A_565 = arith.constant 48 : index
        %swap3A_566 = tpu.vector_load %arg6[%swap3A_563, %swap3A_564, %swap3A_565] {strides = array<i32>} : memref<4x200x64xf32, #tpu.memory_space<vmem>>, vector<1x1x16xf32>,
        %swap3A_567 = vector.shape_cast %swap3A_566 : vector<1x1x16xf32> to vector<16xf32>
        %swap3A_568 = vector.shape_cast %mul3A_561 : vector<16xf32> to vector<1x1x16xf32>
        tpu.vector_store %arg6[%swap3A_563, %swap3A_564, %swap3A_565], %swap3A_568 {strides = array<i32>} : memref<4x200x64xf32, #tpu.memory_space<vmem>>, vector<1x1x16xf32>,
        %scan3A_569 = arith.constant 3 : i32
        %scan3A_570 = arith.addi %scan3A_362, %scan3A_569 : i32
        %mul3A_571 = arith.constant 1 : i32
        %mul3A_572 = arith.muli %scan3A_570, %mul3A_571 : i32
        %add3A_573 = arith.constant 0 : i32
        %add3A_574 = arith.addi %add3A_573, %mul3A_572 : i32
        %get3A_575 = arith.constant 2 : i32
        %get3A_576 = arith.index_cast %get3A_575 : i32 to index
        %get3A_577 = arith.index_cast %add3A_574 : i32 to index
        %get3A_578 = arith.constant 0 : index
        %get3A_579 = tpu.vector_load %arg6[%get3A_576, %get3A_577, %get3A_578] {strides = array<i32>} : memref<4x200x64xf32, #tpu.memory_space<vmem>>, vector<1x1x16xf32>,
        %get3A_580 = vector.shape_cast %get3A_579 : vector<1x1x16xf32> to vector<16xf32>
        %mul3A_581 = arith.constant 8.000000e+00 : f32
        %mul3A_582 = vector.broadcast %mul3A_581 : f32 to vector<16xf32>
        %mul3A_583 = arith.mulf %get3A_580, %mul3A_582 : vector<16xf32>
        %swap3A_584 = arith.constant 2 : i32
        %swap3A_585 = arith.index_cast %swap3A_584 : i32 to index
        %swap3A_586 = arith.index_cast %add3A_574 : i32 to index
        %swap3A_587 = arith.constant 0 : index
        %swap3A_588 = tpu.vector_load %arg6[%swap3A_585, %swap3A_586, %swap3A_587] {strides = array<i32>} : memref<4x200x64xf32, #tpu.memory_space<vmem>>, vector<1x1x16xf32>,
        %swap3A_589 = vector.shape_cast %swap3A_588 : vector<1x1x16xf32> to vector<16xf32>
        %swap3A_590 = vector.shape_cast %mul3A_583 : vector<16xf32> to vector<1x1x16xf32>
        tpu.vector_store %arg6[%swap3A_585, %swap3A_586, %swap3A_587], %swap3A_590 {strides = array<i32>} : memref<4x200x64xf32, #tpu.memory_space<vmem>>, vector<1x1x16xf32>,
        %get3A_591 = arith.constant 2 : i32
        %get3A_592 = arith.index_cast %get3A_591 : i32 to index
        %get3A_593 = arith.index_cast %add3A_574 : i32 to index
        %get3A_594 = arith.constant 16 : index
        %get3A_595 = tpu.vector_load %arg6[%get3A_592, %get3A_593, %get3A_594] {strides = array<i32>} : memref<4x200x64xf32, #tpu.memory_space<vmem>>, vector<1x1x16xf32>,
        %get3A_596 = vector.shape_cast %get3A_595 : vector<1x1x16xf32> to vector<16xf32>
        %mul3A_597 = arith.constant 8.000000e+00 : f32
        %mul3A_598 = vector.broadcast %mul3A_597 : f32 to vector<16xf32>
        %mul3A_599 = arith.mulf %get3A_596, %mul3A_598 : vector<16xf32>
        %swap3A_600 = arith.constant 2 : i32
        %swap3A_601 = arith.index_cast %swap3A_600 : i32 to index
        %swap3A_602 = arith.index_cast %add3A_574 : i32 to index
        %swap3A_603 = arith.constant 16 : index
        %swap3A_604 = tpu.vector_load %arg6[%swap3A_601, %swap3A_602, %swap3A_603] {strides = array<i32>} : memref<4x200x64xf32, #tpu.memory_space<vmem>>, vector<1x1x16xf32>,
        %swap3A_605 = vector.shape_cast %swap3A_604 : vector<1x1x16xf32> to vector<16xf32>
        %swap3A_606 = vector.shape_cast %mul3A_599 : vector<16xf32> to vector<1x1x16xf32>
        tpu.vector_store %arg6[%swap3A_601, %swap3A_602, %swap3A_603], %swap3A_606 {strides = array<i32>} : memref<4x200x64xf32, #tpu.memory_space<vmem>>, vector<1x1x16xf32>,
        %get3A_607 = arith.constant 2 : i32
        %get3A_608 = arith.index_cast %get3A_607 : i32 to index
        %get3A_609 = arith.index_cast %add3A_574 : i32 to index
        %get3A_610 = arith.constant 32 : index
        %get3A_611 = tpu.vector_load %arg6[%get3A_608, %get3A_609, %get3A_610] {strides = array<i32>} : memref<4x200x64xf32, #tpu.memory_space<vmem>>, vector<1x1x16xf32>,
        %get3A_612 = vector.shape_cast %get3A_611 : vector<1x1x16xf32> to vector<16xf32>
        %mul3A_613 = arith.constant 8.000000e+00 : f32
        %mul3A_614 = vector.broadcast %mul3A_613 : f32 to vector<16xf32>
        %mul3A_615 = arith.mulf %get3A_612, %mul3A_614 : vector<16xf32>
        %swap3A_616 = arith.constant 2 : i32
        %swap3A_617 = arith.index_cast %swap3A_616 : i32 to index
        %swap3A_618 = arith.index_cast %add3A_574 : i32 to index
        %swap3A_619 = arith.constant 32 : index
        %swap3A_620 = tpu.vector_load %arg6[%swap3A_617, %swap3A_618, %swap3A_619] {strides = array<i32>} : memref<4x200x64xf32, #tpu.memory_space<vmem>>, vector<1x1x16xf32>,
        %swap3A_621 = vector.shape_cast %swap3A_620 : vector<1x1x16xf32> to vector<16xf32>
        %swap3A_622 = vector.shape_cast %mul3A_615 : vector<16xf32> to vector<1x1x16xf32>
        tpu.vector_store %arg6[%swap3A_617, %swap3A_618, %swap3A_619], %swap3A_622 {strides = array<i32>} : memref<4x200x64xf32, #tpu.memory_space<vmem>>, vector<1x1x16xf32>,
        %get3A_623 = arith.constant 2 : i32
        %get3A_624 = arith.index_cast %get3A_623 : i32 to index
        %get3A_625 = arith.index_cast %add3A_574 : i32 to index
        %get3A_626 = arith.constant 48 : index
        %get3A_627 = tpu.vector_load %arg6[%get3A_624, %get3A_625, %get3A_626] {strides = array<i32>} : memref<4x200x64xf32, #tpu.memory_space<vmem>>, vector<1x1x16xf32>,
        %get3A_628 = vector.shape_cast %get3A_627 : vector<1x1x16xf32> to vector<16xf32>
        %mul3A_629 = arith.constant 8.000000e+00 : f32
        %mul3A_630 = vector.broadcast %mul3A_629 : f32 to vector<16xf32>
        %mul3A_631 = arith.mulf %get3A_628, %mul3A_630 : vector<16xf32>
        %swap3A_632 = arith.constant 2 : i32
        %swap3A_633 = arith.index_cast %swap3A_632 : i32 to index
        %swap3A_634 = arith.index_cast %add3A_574 : i32 to index
        %swap3A_635 = arith.constant 48 : index
        %swap3A_636 = tpu.vector_load %arg6[%swap3A_633, %swap3A_634, %swap3A_635] {strides = array<i32>} : memref<4x200x64xf32, #tpu.memory_space<vmem>>, vector<1x1x16xf32>,
        %swap3A_637 = vector.shape_cast %swap3A_636 : vector<1x1x16xf32> to vector<16xf32>
        %swap3A_638 = vector.shape_cast %mul3A_631 : vector<16xf32> to vector<1x1x16xf32>
        tpu.vector_store %arg6[%swap3A_633, %swap3A_634, %swap3A_635], %swap3A_638 {strides = array<i32>} : memref<4x200x64xf32, #tpu.memory_space<vmem>>, vector<1x1x16xf32>,
        %scan3A_639 = arith.constant 4 : i32
        %scan3A_640 = arith.addi %scan3A_362, %scan3A_639 : i32
        %mul3A_641 = arith.constant 1 : i32
        %mul3A_642 = arith.muli %scan3A_640, %mul3A_641 : i32
        %add3A_643 = arith.constant 0 : i32
        %add3A_644 = arith.addi %add3A_643, %mul3A_642 : i32
        %get3A_645 = arith.constant 2 : i32
        %get3A_646 = arith.index_cast %get3A_645 : i32 to index
        %get3A_647 = arith.index_cast %add3A_644 : i32 to index
        %get3A_648 = arith.constant 0 : index
        %get3A_649 = tpu.vector_load %arg6[%get3A_646, %get3A_647, %get3A_648] {strides = array<i32>} : memref<4x200x64xf32, #tpu.memory_space<vmem>>, vector<1x1x16xf32>,
        %get3A_650 = vector.shape_cast %get3A_649 : vector<1x1x16xf32> to vector<16xf32>
        %mul3A_651 = arith.constant 8.000000e+00 : f32
        %mul3A_652 = vector.broadcast %mul3A_651 : f32 to vector<16xf32>
        %mul3A_653 = arith.mulf %get3A_650, %mul3A_652 : vector<16xf32>
        %swap3A_654 = arith.constant 2 : i32
        %swap3A_655 = arith.index_cast %swap3A_654 : i32 to index
        %swap3A_656 = arith.index_cast %add3A_644 : i32 to index
        %swap3A_657 = arith.constant 0 : index
        %swap3A_658 = tpu.vector_load %arg6[%swap3A_655, %swap3A_656, %swap3A_657] {strides = array<i32>} : memref<4x200x64xf32, #tpu.memory_space<vmem>>, vector<1x1x16xf32>,
        %swap3A_659 = vector.shape_cast %swap3A_658 : vector<1x1x16xf32> to vector<16xf32>
        %swap3A_660 = vector.shape_cast %mul3A_653 : vector<16xf32> to vector<1x1x16xf32>
        tpu.vector_store %arg6[%swap3A_655, %swap3A_656, %swap3A_657], %swap3A_660 {strides = array<i32>} : memref<4x200x64xf32, #tpu.memory_space<vmem>>, vector<1x1x16xf32>,
        %get3A_661 = arith.constant 2 : i32
        %get3A_662 = arith.index_cast %get3A_661 : i32 to index
        %get3A_663 = arith.index_cast %add3A_644 : i32 to index
        %get3A_664 = arith.constant 16 : index
        %get3A_665 = tpu.vector_load %arg6[%get3A_662, %get3A_663, %get3A_664] {strides = array<i32>} : memref<4x200x64xf32, #tpu.memory_space<vmem>>, vector<1x1x16xf32>,
        %get3A_666 = vector.shape_cast %get3A_665 : vector<1x1x16xf32> to vector<16xf32>
        %mul3A_667 = arith.constant 8.000000e+00 : f32
        %mul3A_668 = vector.broadcast %mul3A_667 : f32 to vector<16xf32>
        %mul3A_669 = arith.mulf %get3A_666, %mul3A_668 : vector<16xf32>
        %swap3A_670 = arith.constant 2 : i32
        %swap3A_671 = arith.index_cast %swap3A_670 : i32 to index
        %swap3A_672 = arith.index_cast %add3A_644 : i32 to index
        %swap3A_673 = arith.constant 16 : index
        %swap3A_674 = tpu.vector_load %arg6[%swap3A_671, %swap3A_672, %swap3A_673] {strides = array<i32>} : memref<4x200x64xf32, #tpu.memory_space<vmem>>, vector<1x1x16xf32>,
        %swap3A_675 = vector.shape_cast %swap3A_674 : vector<1x1x16xf32> to vector<16xf32>
        %swap3A_676 = vector.shape_cast %mul3A_669 : vector<16xf32> to vector<1x1x16xf32>
        tpu.vector_store %arg6[%swap3A_671, %swap3A_672, %swap3A_673], %swap3A_676 {strides = array<i32>} : memref<4x200x64xf32, #tpu.memory_space<vmem>>, vector<1x1x16xf32>,
        %get3A_677 = arith.constant 2 : i32
        %get3A_678 = arith.index_cast %get3A_677 : i32 to index
        %get3A_679 = arith.index_cast %add3A_644 : i32 to index
        %get3A_680 = arith.constant 32 : index
        %get3A_681 = tpu.vector_load %arg6[%get3A_678, %get3A_679, %get3A_680] {strides = array<i32>} : memref<4x200x64xf32, #tpu.memory_space<vmem>>, vector<1x1x16xf32>,
        %get3A_682 = vector.shape_cast %get3A_681 : vector<1x1x16xf32> to vector<16xf32>
        %mul3A_683 = arith.constant 8.000000e+00 : f32
        %mul3A_684 = vector.broadcast %mul3A_683 : f32 to vector<16xf32>
        %mul3A_685 = arith.mulf %get3A_682, %mul3A_684 : vector<16xf32>
        %swap3A_686 = arith.constant 2 : i32
        %swap3A_687 = arith.index_cast %swap3A_686 : i32 to index
        %swap3A_688 = arith.index_cast %add3A_644 : i32 to index
        %swap3A_689 = arith.constant 32 : index
        %swap3A_690 = tpu.vector_load %arg6[%swap3A_687, %swap3A_688, %swap3A_689] {strides = array<i32>} : memref<4x200x64xf32, #tpu.memory_space<vmem>>, vector<1x1x16xf32>,
        %swap3A_691 = vector.shape_cast %swap3A_690 : vector<1x1x16xf32> to vector<16xf32>
        %swap3A_692 = vector.shape_cast %mul3A_685 : vector<16xf32> to vector<1x1x16xf32>
        tpu.vector_store %arg6[%swap3A_687, %swap3A_688, %swap3A_689], %swap3A_692 {strides = array<i32>} : memref<4x200x64xf32, #tpu.memory_space<vmem>>, vector<1x1x16xf32>,
        %get3A_693 = arith.constant 2 : i32
        %get3A_694 = arith.index_cast %get3A_693 : i32 to index
        %get3A_695 = arith.index_cast %add3A_644 : i32 to index
        %get3A_696 = arith.constant 48 : index
        %get3A_697 = tpu.vector_load %arg6[%get3A_694, %get3A_695, %get3A_696] {strides = array<i32>} : memref<4x200x64xf32, #tpu.memory_space<vmem>>, vector<1x1x16xf32>,
        %get3A_698 = vector.shape_cast %get3A_697 : vector<1x1x16xf32> to vector<16xf32>
        %mul3A_699 = arith.constant 8.000000e+00 : f32
        %mul3A_700 = vector.broadcast %mul3A_699 : f32 to vector<16xf32>
        %mul3A_701 = arith.mulf %get3A_698, %mul3A_700 : vector<16xf32>
        %swap3A_702 = arith.constant 2 : i32
        %swap3A_703 = arith.index_cast %swap3A_702 : i32 to index
        %swap3A_704 = arith.index_cast %add3A_644 : i32 to index
        %swap3A_705 = arith.constant 48 : index
        %swap3A_706 = tpu.vector_load %arg6[%swap3A_703, %swap3A_704, %swap3A_705] {strides = array<i32>} : memref<4x200x64xf32, #tpu.memory_space<vmem>>, vector<1x1x16xf32>,
        %swap3A_707 = vector.shape_cast %swap3A_706 : vector<1x1x16xf32> to vector<16xf32>
        %swap3A_708 = vector.shape_cast %mul3A_701 : vector<16xf32> to vector<1x1x16xf32>
        tpu.vector_store %arg6[%swap3A_703, %swap3A_704, %swap3A_705], %swap3A_708 {strides = array<i32>} : memref<4x200x64xf32, #tpu.memory_space<vmem>>, vector<1x1x16xf32>,
        %scan3A_709 = arith.constant 5 : i32
        %scan3A_710 = arith.addi %scan3A_362, %scan3A_709 : i32
        %mul3A_711 = arith.constant 1 : i32
        %mul3A_712 = arith.muli %scan3A_710, %mul3A_711 : i32
        %add3A_713 = arith.constant 0 : i32
        %add3A_714 = arith.addi %add3A_713, %mul3A_712 : i32
        %get3A_715 = arith.constant 2 : i32
        %get3A_716 = arith.index_cast %get3A_715 : i32 to index
        %get3A_717 = arith.index_cast %add3A_714 : i32 to index
        %get3A_718 = arith.constant 0 : index
        %get3A_719 = tpu.vector_load %arg6[%get3A_716, %get3A_717, %get3A_718] {strides = array<i32>} : memref<4x200x64xf32, #tpu.memory_space<vmem>>, vector<1x1x16xf32>,
        %get3A_720 = vector.shape_cast %get3A_719 : vector<1x1x16xf32> to vector<16xf32>
        %mul3A_721 = arith.constant 8.000000e+00 : f32
        %mul3A_722 = vector.broadcast %mul3A_721 : f32 to vector<16xf32>
        %mul3A_723 = arith.mulf %get3A_720, %mul3A_722 : vector<16xf32>
        %swap3A_724 = arith.constant 2 : i32
        %swap3A_725 = arith.index_cast %swap3A_724 : i32 to index
        %swap3A_726 = arith.index_cast %add3A_714 : i32 to index
        %swap3A_727 = arith.constant 0 : index
        %swap3A_728 = tpu.vector_load %arg6[%swap3A_725, %swap3A_726, %swap3A_727] {strides = array<i32>} : memref<4x200x64xf32, #tpu.memory_space<vmem>>, vector<1x1x16xf32>,
        %swap3A_729 = vector.shape_cast %swap3A_728 : vector<1x1x16xf32> to vector<16xf32>
        %swap3A_730 = vector.shape_cast %mul3A_723 : vector<16xf32> to vector<1x1x16xf32>
        tpu.vector_store %arg6[%swap3A_725, %swap3A_726, %swap3A_727], %swap3A_730 {strides = array<i32>} : memref<4x200x64xf32, #tpu.memory_space<vmem>>, vector<1x1x16xf32>,
        %get3A_731 = arith.constant 2 : i32
        %get3A_732 = arith.index_cast %get3A_731 : i32 to index
        %get3A_733 = arith.index_cast %add3A_714 : i32 to index
        %get3A_734 = arith.constant 16 : index
        %get3A_735 = tpu.vector_load %arg6[%get3A_732, %get3A_733, %get3A_734] {strides = array<i32>} : memref<4x200x64xf32, #tpu.memory_space<vmem>>, vector<1x1x16xf32>,
        %get3A_736 = vector.shape_cast %get3A_735 : vector<1x1x16xf32> to vector<16xf32>
        %mul3A_737 = arith.constant 8.000000e+00 : f32
        %mul3A_738 = vector.broadcast %mul3A_737 : f32 to vector<16xf32>
        %mul3A_739 = arith.mulf %get3A_736, %mul3A_738 : vector<16xf32>
        %swap3A_740 = arith.constant 2 : i32
        %swap3A_741 = arith.index_cast %swap3A_740 : i32 to index
        %swap3A_742 = arith.index_cast %add3A_714 : i32 to index
        %swap3A_743 = arith.constant 16 : index
        %swap3A_744 = tpu.vector_load %arg6[%swap3A_741, %swap3A_742, %swap3A_743] {strides = array<i32>} : memref<4x200x64xf32, #tpu.memory_space<vmem>>, vector<1x1x16xf32>,
        %swap3A_745 = vector.shape_cast %swap3A_744 : vector<1x1x16xf32> to vector<16xf32>
        %swap3A_746 = vector.shape_cast %mul3A_739 : vector<16xf32> to vector<1x1x16xf32>
        tpu.vector_store %arg6[%swap3A_741, %swap3A_742, %swap3A_743], %swap3A_746 {strides = array<i32>} : memref<4x200x64xf32, #tpu.memory_space<vmem>>, vector<1x1x16xf32>,
        %get3A_747 = arith.constant 2 : i32
        %get3A_748 = arith.index_cast %get3A_747 : i32 to index
        %get3A_749 = arith.index_cast %add3A_714 : i32 to index
        %get3A_750 = arith.constant 32 : index
        %get3A_751 = tpu.vector_load %arg6[%get3A_748, %get3A_749, %get3A_750] {strides = array<i32>} : memref<4x200x64xf32, #tpu.memory_space<vmem>>, vector<1x1x16xf32>,
        %get3A_752 = vector.shape_cast %get3A_751 : vector<1x1x16xf32> to vector<16xf32>
        %mul3A_753 = arith.constant 8.000000e+00 : f32
        %mul3A_754 = vector.broadcast %mul3A_753 : f32 to vector<16xf32>
        %mul3A_755 = arith.mulf %get3A_752, %mul3A_754 : vector<16xf32>
        %swap3A_756 = arith.constant 2 : i32
        %swap3A_757 = arith.index_cast %swap3A_756 : i32 to index
        %swap3A_758 = arith.index_cast %add3A_714 : i32 to index
        %swap3A_759 = arith.constant 32 : index
        %swap3A_760 = tpu.vector_load %arg6[%swap3A_757, %swap3A_758, %swap3A_759] {strides = array<i32>} : memref<4x200x64xf32, #tpu.memory_space<vmem>>, vector<1x1x16xf32>,
        %swap3A_761 = vector.shape_cast %swap3A_760 : vector<1x1x16xf32> to vector<16xf32>
        %swap3A_762 = vector.shape_cast %mul3A_755 : vector<16xf32> to vector<1x1x16xf32>
        tpu.vector_store %arg6[%swap3A_757, %swap3A_758, %swap3A_759], %swap3A_762 {strides = array<i32>} : memref<4x200x64xf32, #tpu.memory_space<vmem>>, vector<1x1x16xf32>,
        %get3A_763 = arith.constant 2 : i32
        %get3A_764 = arith.index_cast %get3A_763 : i32 to index
        %get3A_765 = arith.index_cast %add3A_714 : i32 to index
        %get3A_766 = arith.constant 48 : index
        %get3A_767 = tpu.vector_load %arg6[%get3A_764, %get3A_765, %get3A_766] {strides = array<i32>} : memref<4x200x64xf32, #tpu.memory_space<vmem>>, vector<1x1x16xf32>,
        %get3A_768 = vector.shape_cast %get3A_767 : vector<1x1x16xf32> to vector<16xf32>
        %mul3A_769 = arith.constant 8.000000e+00 : f32
        %mul3A_770 = vector.broadcast %mul3A_769 : f32 to vector<16xf32>
        %mul3A_771 = arith.mulf %get3A_768, %mul3A_770 : vector<16xf32>
        %swap3A_772 = arith.constant 2 : i32
        %swap3A_773 = arith.index_cast %swap3A_772 : i32 to index
        %swap3A_774 = arith.index_cast %add3A_714 : i32 to index
        %swap3A_775 = arith.constant 48 : index
        %swap3A_776 = tpu.vector_load %arg6[%swap3A_773, %swap3A_774, %swap3A_775] {strides = array<i32>} : memref<4x200x64xf32, #tpu.memory_space<vmem>>, vector<1x1x16xf32>,
        %swap3A_777 = vector.shape_cast %swap3A_776 : vector<1x1x16xf32> to vector<16xf32>
        %swap3A_778 = vector.shape_cast %mul3A_771 : vector<16xf32> to vector<1x1x16xf32>
        tpu.vector_store %arg6[%swap3A_773, %swap3A_774, %swap3A_775], %swap3A_778 {strides = array<i32>} : memref<4x200x64xf32, #tpu.memory_space<vmem>>, vector<1x1x16xf32>,
        %scan3A_779 = arith.constant 6 : i32
        %scan3A_780 = arith.addi %scan3A_362, %scan3A_779 : i32
        %mul3A_781 = arith.constant 1 : i32
        %mul3A_782 = arith.muli %scan3A_780, %mul3A_781 : i32
        %add3A_783 = arith.constant 0 : i32
        %add3A_784 = arith.addi %add3A_783, %mul3A_782 : i32
        %get3A_785 = arith.constant 2 : i32
        %get3A_786 = arith.index_cast %get3A_785 : i32 to index
        %get3A_787 = arith.index_cast %add3A_784 : i32 to index
        %get3A_788 = arith.constant 0 : index
        %get3A_789 = tpu.vector_load %arg6[%get3A_786, %get3A_787, %get3A_788] {strides = array<i32>} : memref<4x200x64xf32, #tpu.memory_space<vmem>>, vector<1x1x16xf32>,
        %get3A_790 = vector.shape_cast %get3A_789 : vector<1x1x16xf32> to vector<16xf32>
        %mul3A_791 = arith.constant 8.000000e+00 : f32
        %mul3A_792 = vector.broadcast %mul3A_791 : f32 to vector<16xf32>
        %mul3A_793 = arith.mulf %get3A_790, %mul3A_792 : vector<16xf32>
        %swap3A_794 = arith.constant 2 : i32
        %swap3A_795 = arith.index_cast %swap3A_794 : i32 to index
        %swap3A_796 = arith.index_cast %add3A_784 : i32 to index
        %swap3A_797 = arith.constant 0 : index
        %swap3A_798 = tpu.vector_load %arg6[%swap3A_795, %swap3A_796, %swap3A_797] {strides = array<i32>} : memref<4x200x64xf32, #tpu.memory_space<vmem>>, vector<1x1x16xf32>,
        %swap3A_799 = vector.shape_cast %swap3A_798 : vector<1x1x16xf32> to vector<16xf32>
        %swap3A_800 = vector.shape_cast %mul3A_793 : vector<16xf32> to vector<1x1x16xf32>
        tpu.vector_store %arg6[%swap3A_795, %swap3A_796, %swap3A_797], %swap3A_800 {strides = array<i32>} : memref<4x200x64xf32, #tpu.memory_space<vmem>>, vector<1x1x16xf32>,
        %get3A_801 = arith.constant 2 : i32
        %get3A_802 = arith.index_cast %get3A_801 : i32 to index
        %get3A_803 = arith.index_cast %add3A_784 : i32 to index
        %get3A_804 = arith.constant 16 : index
        %get3A_805 = tpu.vector_load %arg6[%get3A_802, %get3A_803, %get3A_804] {strides = array<i32>} : memref<4x200x64xf32, #tpu.memory_space<vmem>>, vector<1x1x16xf32>,
        %get3A_806 = vector.shape_cast %get3A_805 : vector<1x1x16xf32> to vector<16xf32>
        %mul3A_807 = arith.constant 8.000000e+00 : f32
        %mul3A_808 = vector.broadcast %mul3A_807 : f32 to vector<16xf32>
        %mul3A_809 = arith.mulf %get3A_806, %mul3A_808 : vector<16xf32>
        %swap3A_810 = arith.constant 2 : i32
        %swap3A_811 = arith.index_cast %swap3A_810 : i32 to index
        %swap3A_812 = arith.index_cast %add3A_784 : i32 to index
        %swap3A_813 = arith.constant 16 : index
        %swap3A_814 = tpu.vector_load %arg6[%swap3A_811, %swap3A_812, %swap3A_813] {strides = array<i32>} : memref<4x200x64xf32, #tpu.memory_space<vmem>>, vector<1x1x16xf32>,
        %swap3A_815 = vector.shape_cast %swap3A_814 : vector<1x1x16xf32> to vector<16xf32>
        %swap3A_816 = vector.shape_cast %mul3A_809 : vector<16xf32> to vector<1x1x16xf32>
        tpu.vector_store %arg6[%swap3A_811, %swap3A_812, %swap3A_813], %swap3A_816 {strides = array<i32>} : memref<4x200x64xf32, #tpu.memory_space<vmem>>, vector<1x1x16xf32>,
        %get3A_817 = arith.constant 2 : i32
        %get3A_818 = arith.index_cast %get3A_817 : i32 to index
        %get3A_819 = arith.index_cast %add3A_784 : i32 to index
        %get3A_820 = arith.constant 32 : index
        %get3A_821 = tpu.vector_load %arg6[%get3A_818, %get3A_819, %get3A_820] {strides = array<i32>} : memref<4x200x64xf32, #tpu.memory_space<vmem>>, vector<1x1x16xf32>,
        %get3A_822 = vector.shape_cast %get3A_821 : vector<1x1x16xf32> to vector<16xf32>
        %mul3A_823 = arith.constant 8.000000e+00 : f32
        %mul3A_824 = vector.broadcast %mul3A_823 : f32 to vector<16xf32>
        %mul3A_825 = arith.mulf %get3A_822, %mul3A_824 : vector<16xf32>
        %swap3A_826 = arith.constant 2 : i32
        %swap3A_827 = arith.index_cast %swap3A_826 : i32 to index
        %swap3A_828 = arith.index_cast %add3A_784 : i32 to index
        %swap3A_829 = arith.constant 32 : index
        %swap3A_830 = tpu.vector_load %arg6[%swap3A_827, %swap3A_828, %swap3A_829] {strides = array<i32>} : memref<4x200x64xf32, #tpu.memory_space<vmem>>, vector<1x1x16xf32>,
        %swap3A_831 = vector.shape_cast %swap3A_830 : vector<1x1x16xf32> to vector<16xf32>
        %swap3A_832 = vector.shape_cast %mul3A_825 : vector<16xf32> to vector<1x1x16xf32>
        tpu.vector_store %arg6[%swap3A_827, %swap3A_828, %swap3A_829], %swap3A_832 {strides = array<i32>} : memref<4x200x64xf32, #tpu.memory_space<vmem>>, vector<1x1x16xf32>,
        %get3A_833 = arith.constant 2 : i32
        %get3A_834 = arith.index_cast %get3A_833 : i32 to index
        %get3A_835 = arith.index_cast %add3A_784 : i32 to index
        %get3A_836 = arith.constant 48 : index
        %get3A_837 = tpu.vector_load %arg6[%get3A_834, %get3A_835, %get3A_836] {strides = array<i32>} : memref<4x200x64xf32, #tpu.memory_space<vmem>>, vector<1x1x16xf32>,
        %get3A_838 = vector.shape_cast %get3A_837 : vector<1x1x16xf32> to vector<16xf32>
        %mul3A_839 = arith.constant 8.000000e+00 : f32
        %mul3A_840 = vector.broadcast %mul3A_839 : f32 to vector<16xf32>
        %mul3A_841 = arith.mulf %get3A_838, %mul3A_840 : vector<16xf32>
        %swap3A_842 = arith.constant 2 : i32
        %swap3A_843 = arith.index_cast %swap3A_842 : i32 to index
        %swap3A_844 = arith.index_cast %add3A_784 : i32 to index
        %swap3A_845 = arith.constant 48 : index
        %swap3A_846 = tpu.vector_load %arg6[%swap3A_843, %swap3A_844, %swap3A_845] {strides = array<i32>} : memref<4x200x64xf32, #tpu.memory_space<vmem>>, vector<1x1x16xf32>,
        %swap3A_847 = vector.shape_cast %swap3A_846 : vector<1x1x16xf32> to vector<16xf32>
        %swap3A_848 = vector.shape_cast %mul3A_841 : vector<16xf32> to vector<1x1x16xf32>
        tpu.vector_store %arg6[%swap3A_843, %swap3A_844, %swap3A_845], %swap3A_848 {strides = array<i32>} : memref<4x200x64xf32, #tpu.memory_space<vmem>>, vector<1x1x16xf32>,
        %scan3A_849 = arith.constant 7 : i32
        %scan3A_850 = arith.addi %scan3A_362, %scan3A_849 : i32
        %mul3A_851 = arith.constant 1 : i32
        %mul3A_852 = arith.muli %scan3A_850, %mul3A_851 : i32
        %add3A_853 = arith.constant 0 : i32
        %add3A_854 = arith.addi %add3A_853, %mul3A_852 : i32
        %get3A_855 = arith.constant 2 : i32
        %get3A_856 = arith.index_cast %get3A_855 : i32 to index
        %get3A_857 = arith.index_cast %add3A_854 : i32 to index
        %get3A_858 = arith.constant 0 : index
        %get3A_859 = tpu.vector_load %arg6[%get3A_856, %get3A_857, %get3A_858] {strides = array<i32>} : memref<4x200x64xf32, #tpu.memory_space<vmem>>, vector<1x1x16xf32>,
        %get3A_860 = vector.shape_cast %get3A_859 : vector<1x1x16xf32> to vector<16xf32>
        %mul3A_861 = arith.constant 8.000000e+00 : f32
        %mul3A_862 = vector.broadcast %mul3A_861 : f32 to vector<16xf32>
        %mul3A_863 = arith.mulf %get3A_860, %mul3A_862 : vector<16xf32>
        %swap3A_864 = arith.constant 2 : i32
        %swap3A_865 = arith.index_cast %swap3A_864 : i32 to index
        %swap3A_866 = arith.index_cast %add3A_854 : i32 to index
        %swap3A_867 = arith.constant 0 : index
        %swap3A_868 = tpu.vector_load %arg6[%swap3A_865, %swap3A_866, %swap3A_867] {strides = array<i32>} : memref<4x200x64xf32, #tpu.memory_space<vmem>>, vector<1x1x16xf32>,
        %swap3A_869 = vector.shape_cast %swap3A_868 : vector<1x1x16xf32> to vector<16xf32>
        %swap3A_870 = vector.shape_cast %mul3A_863 : vector<16xf32> to vector<1x1x16xf32>
        tpu.vector_store %arg6[%swap3A_865, %swap3A_866, %swap3A_867], %swap3A_870 {strides = array<i32>} : memref<4x200x64xf32, #tpu.memory_space<vmem>>, vector<1x1x16xf32>,
        %get3A_871 = arith.constant 2 : i32
        %get3A_872 = arith.index_cast %get3A_871 : i32 to index
        %get3A_873 = arith.index_cast %add3A_854 : i32 to index
        %get3A_874 = arith.constant 16 : index
        %get3A_875 = tpu.vector_load %arg6[%get3A_872, %get3A_873, %get3A_874] {strides = array<i32>} : memref<4x200x64xf32, #tpu.memory_space<vmem>>, vector<1x1x16xf32>,
        %get3A_876 = vector.shape_cast %get3A_875 : vector<1x1x16xf32> to vector<16xf32>
        %mul3A_877 = arith.constant 8.000000e+00 : f32
        %mul3A_878 = vector.broadcast %mul3A_877 : f32 to vector<16xf32>
        %mul3A_879 = arith.mulf %get3A_876, %mul3A_878 : vector<16xf32>
        %swap3A_880 = arith.constant 2 : i32
        %swap3A_881 = arith.index_cast %swap3A_880 : i32 to index
        %swap3A_882 = arith.index_cast %add3A_854 : i32 to index
        %swap3A_883 = arith.constant 16 : index
        %swap3A_884 = tpu.vector_load %arg6[%swap3A_881, %swap3A_882, %swap3A_883] {strides = array<i32>} : memref<4x200x64xf32, #tpu.memory_space<vmem>>, vector<1x1x16xf32>,
        %swap3A_885 = vector.shape_cast %swap3A_884 : vector<1x1x16xf32> to vector<16xf32>
        %swap3A_886 = vector.shape_cast %mul3A_879 : vector<16xf32> to vector<1x1x16xf32>
        tpu.vector_store %arg6[%swap3A_881, %swap3A_882, %swap3A_883], %swap3A_886 {strides = array<i32>} : memref<4x200x64xf32, #tpu.memory_space<vmem>>, vector<1x1x16xf32>,
        %get3A_887 = arith.constant 2 : i32
        %get3A_888 = arith.index_cast %get3A_887 : i32 to index
        %get3A_889 = arith.index_cast %add3A_854 : i32 to index
        %get3A_890 = arith.constant 32 : index
        %get3A_891 = tpu.vector_load %arg6[%get3A_888, %get3A_889, %get3A_890] {strides = array<i32>} : memref<4x200x64xf32, #tpu.memory_space<vmem>>, vector<1x1x16xf32>,
        %get3A_892 = vector.shape_cast %get3A_891 : vector<1x1x16xf32> to vector<16xf32>
        %mul3A_893 = arith.constant 8.000000e+00 : f32
        %mul3A_894 = vector.broadcast %mul3A_893 : f32 to vector<16xf32>
        %mul3A_895 = arith.mulf %get3A_892, %mul3A_894 : vector<16xf32>
        %swap3A_896 = arith.constant 2 : i32
        %swap3A_897 = arith.index_cast %swap3A_896 : i32 to index
        %swap3A_898 = arith.index_cast %add3A_854 : i32 to index
        %swap3A_899 = arith.constant 32 : index
        %swap3A_900 = tpu.vector_load %arg6[%swap3A_897, %swap3A_898, %swap3A_899] {strides = array<i32>} : memref<4x200x64xf32, #tpu.memory_space<vmem>>, vector<1x1x16xf32>,
        %swap3A_901 = vector.shape_cast %swap3A_900 : vector<1x1x16xf32> to vector<16xf32>
        %swap3A_902 = vector.shape_cast %mul3A_895 : vector<16xf32> to vector<1x1x16xf32>
        tpu.vector_store %arg6[%swap3A_897, %swap3A_898, %swap3A_899], %swap3A_902 {strides = array<i32>} : memref<4x200x64xf32, #tpu.memory_space<vmem>>, vector<1x1x16xf32>,
        %get3A_903 = arith.constant 2 : i32
        %get3A_904 = arith.index_cast %get3A_903 : i32 to index
        %get3A_905 = arith.index_cast %add3A_854 : i32 to index
        %get3A_906 = arith.constant 48 : index
        %get3A_907 = tpu.vector_load %arg6[%get3A_904, %get3A_905, %get3A_906] {strides = array<i32>} : memref<4x200x64xf32, #tpu.memory_space<vmem>>, vector<1x1x16xf32>,
        %get3A_908 = vector.shape_cast %get3A_907 : vector<1x1x16xf32> to vector<16xf32>
        %mul3A_909 = arith.constant 8.000000e+00 : f32
        %mul3A_910 = vector.broadcast %mul3A_909 : f32 to vector<16xf32>
        %mul3A_911 = arith.mulf %get3A_908, %mul3A_910 : vector<16xf32>
        %swap3A_912 = arith.constant 2 : i32
        %swap3A_913 = arith.index_cast %swap3A_912 : i32 to index
        %swap3A_914 = arith.index_cast %add3A_854 : i32 to index
        %swap3A_915 = arith.constant 48 : index
        %swap3A_916 = tpu.vector_load %arg6[%swap3A_913, %swap3A_914, %swap3A_915] {strides = array<i32>} : memref<4x200x64xf32, #tpu.memory_space<vmem>>, vector<1x1x16xf32>,
        %swap3A_917 = vector.shape_cast %swap3A_916 : vector<1x1x16xf32> to vector<16xf32>
        %swap3A_918 = vector.shape_cast %mul3A_911 : vector<16xf32> to vector<1x1x16xf32>
        tpu.vector_store %arg6[%swap3A_913, %swap3A_914, %swap3A_915], %swap3A_918 {strides = array<i32>} : memref<4x200x64xf32, #tpu.memory_space<vmem>>, vector<1x1x16xf32>,
      }
      %scan3A_282 = arith.constant 200 : i32
      %add3A_283 = arith.addi %mul3A_2, %add3A_255 : i32
      %dma_start3A_284 = arith.constant 2 : i32
      %dma_start3A_285 = arith.constant 0 : i32
      %dma_start3A_286 = arith.constant 0 : i32
      %dma_start3A_287 = tpu.memref_slice %arg6[%dma_start3A_284, %dma_start3A_285, %dma_start3A_286] : memref<4x200x64xf32, #tpu.memory_space<vmem>> -> memref<1x200x64xf32, #tpu.memory_space<vmem>>
      %dma_start3A_288 = tpu.memref_squeeze %dma_start3A_287 : memref<1x200x64xf32, #tpu.memory_space<vmem>> -> memref<200x64xf32, #tpu.memory_space<vmem>>
      %dma_start3A_289 = arith.constant 0 : i32
      %dma_start3A_290 = arith.constant 0 : i32
      %dma_start3A_291 = tpu.memref_slice %arg4[%add3A_283, %dma_start3A_289, %dma_start3A_290] : memref<1024x200x64xf32, #tpu.memory_space<hbm>> -> memref<1x200x64xf32, #tpu.memory_space<hbm>>
      %dma_start3A_292 = tpu.memref_squeeze %dma_start3A_291 : memref<1x200x64xf32, #tpu.memory_space<hbm>> -> memref<200x64xf32, #tpu.memory_space<hbm>>
      %dma_start3A_293 = arith.constant 0 : i32
      %dma_start3A_294 = arith.constant 0 : i32
      %dma_start3A_295 = tpu.memref_slice %arg4[%add3A_283, %dma_start3A_293, %dma_start3A_294] : memref<1024x200x64xf32, #tpu.memory_space<hbm>> -> memref<1x200x64xf32, #tpu.memory_space<hbm>>
      %dma_start3A_296 = tpu.memref_squeeze %dma_start3A_295 : memref<1x200x64xf32, #tpu.memory_space<hbm>> -> memref<200x64xf32, #tpu.memory_space<hbm>>
      %dma_start3A_297 = arith.constant 0 : i32
      %dma_start3A_298 = arith.constant 0 : i32
      %dma_start3A_299 = tpu.memref_slice %arg6[%dma_start3A_284, %dma_start3A_297, %dma_start3A_298] : memref<4x200x64xf32, #tpu.memory_space<vmem>> -> memref<1x200x64xf32, #tpu.memory_space<vmem>>
      %dma_start3A_300 = tpu.memref_squeeze %dma_start3A_299 : memref<1x200x64xf32, #tpu.memory_space<vmem>> -> memref<200x64xf32, #tpu.memory_space<vmem>>
      tpu.enqueue_dma source(%dma_start3A_300 : memref<200x64xf32, #tpu.memory_space<vmem>>) target(%dma_start3A_296 : memref<200x64xf32, #tpu.memory_space<hbm>>) target_semaphore(%arg13 : memref<!tpu.dma_semaphore, #tpu.memory_space<semaphore_mem>>)
      %add3A_301 = arith.constant 2 : i32
      %add3A_302 = arith.addi %add3A_255, %add3A_301 : i32
      %lt3A_303 = arith.constant 32 : i32
      %lt3A_304 = arith.cmpi slt, %add3A_302, %lt3A_303 : i32
      %convert_element_type3A_305 = arith.extui %lt3A_304 : i1 to i32
      %cond3A_306 = arith.constant 0 : i32
      %cond3A_307 = arith.cmpi ne, %convert_element_type3A_305, %cond3A_306 : i32
      scf.if %cond3A_307 {
        %ge3A = arith.constant 4 : i32
        %ge3A_362 = arith.cmpi sge, %add3A_302, %ge3A : i32
        %convert_element_type3A_363 = arith.extui %ge3A_362 : i1 to i32
        %cond3A_364 = arith.constant 0 : i32
        %cond3A_365 = arith.cmpi ne, %convert_element_type3A_363, %cond3A_364 : i32
        scf.if %cond3A_365 {
          %add3A_388 = arith.addi %mul3A_2, %add3A_302 : i32
          %sub3A_389 = arith.constant 4 : i32
          %sub3A_390 = arith.subi %add3A_388, %sub3A_389 : i32
          %dma_wait3A_391 = arith.constant 0 : i32
          %dma_wait3A_392 = arith.constant 0 : i32
          %dma_wait3A_393 = arith.constant 0 : i32
          %dma_wait3A_394 = tpu.memref_slice %arg6[%dma_wait3A_391, %dma_wait3A_392, %dma_wait3A_393] : memref<4x200x64xf32, #tpu.memory_space<vmem>> -> memref<1x200x64xf32, #tpu.memory_space<vmem>>
          %dma_wait3A_395 = tpu.memref_squeeze %dma_wait3A_394 : memref<1x200x64xf32, #tpu.memory_space<vmem>> -> memref<200x64xf32, #tpu.memory_space<vmem>>
          %dma_wait3A_396 = arith.constant 0 : i32
          %dma_wait3A_397 = arith.constant 0 : i32
          %dma_wait3A_398 = tpu.memref_slice %arg4[%sub3A_390, %dma_wait3A_396, %dma_wait3A_397] : memref<1024x200x64xf32, #tpu.memory_space<hbm>> -> memref<1x200x64xf32, #tpu.memory_space<hbm>>
          %dma_wait3A_399 = tpu.memref_squeeze %dma_wait3A_398 : memref<1x200x64xf32, #tpu.memory_space<hbm>> -> memref<200x64xf32, #tpu.memory_space<hbm>>
          %dma_wait3A_400 = arith.constant 0 : i32
          %dma_wait3A_401 = arith.constant 0 : i32
          %dma_wait3A_402 = tpu.memref_slice %arg4[%sub3A_390, %dma_wait3A_400, %dma_wait3A_401] : memref<1024x200x64xf32, #tpu.memory_space<hbm>> -> memref<1x200x64xf32, #tpu.memory_space<hbm>>
          %dma_wait3A_403 = tpu.memref_squeeze %dma_wait3A_402 : memref<1x200x64xf32, #tpu.memory_space<hbm>> -> memref<200x64xf32, #tpu.memory_space<hbm>>
          %dma_wait3A_404 = arith.constant 0 : i32
          %dma_wait3A_405 = arith.constant 0 : i32
          %dma_wait3A_406 = tpu.memref_slice %arg6[%dma_wait3A_391, %dma_wait3A_404, %dma_wait3A_405] : memref<4x200x64xf32, #tpu.memory_space<vmem>> -> memref<1x200x64xf32, #tpu.memory_space<vmem>>
          %dma_wait3A_407 = tpu.memref_squeeze %dma_wait3A_406 : memref<1x200x64xf32, #tpu.memory_space<vmem>> -> memref<200x64xf32, #tpu.memory_space<vmem>>
          tpu.wait_dma2 semaphore(%arg11 : memref<!tpu.dma_semaphore, #tpu.memory_space<semaphore_mem>>) src(%dma_wait3A_407 : memref<200x64xf32, #tpu.memory_space<vmem>>) dst(%dma_wait3A_403 : memref<200x64xf32, #tpu.memory_space<hbm>>)
        } else {
        }
        %dma_start3A_366 = arith.constant 0 : i32
        %dma_start3A_367 = arith.constant 0 : i32
        %dma_start3A_368 = arith.constant 0 : i32
        %dma_start3A_369 = tpu.memref_slice %arg6[%dma_start3A_366, %dma_start3A_367, %dma_start3A_368] : memref<4x200x64xf32, #tpu.memory_space<vmem>> -> memref<1x128x64xf32, #tpu.memory_space<vmem>>
        %dma_start3A_370 = tpu.memref_squeeze %dma_start3A_369 : memref<1x128x64xf32, #tpu.memory_space<vmem>> -> memref<128x64xf32, #tpu.memory_space<vmem>>
        %dma_start3A_371 = arith.constant 0 : i32
        %dma_start3A_372 = tpu.memref_slice %arg5[%add3A_302, %dma_start3A_371] : memref<32x200xi32, #tpu.memory_space<vmem>> -> memref<1x128xi32, #tpu.memory_space<vmem>>
        %dma_start3A_373 = tpu.memref_squeeze %dma_start3A_372 : memref<1x128xi32, #tpu.memory_space<vmem>> -> memref<128xi32, #tpu.memory_space<vmem>>
        %dma_start3A_374 = arith.constant 0 : i32
        %dma_start3A_375 = arith.constant 0 : i32
        %dma_start3A_376 = tpu.memref_slice %arg3[%dma_start3A_374, %dma_start3A_375] : memref<1000000x64xf32, #tpu.memory_space<hbm>> -> memref<1000000x64xf32, #tpu.memory_space<hbm>>
        tpu.enqueue_indirect_dma source(%dma_start3A_376 : memref<1000000x64xf32, #tpu.memory_space<hbm>>) target(%dma_start3A_370 : memref<128x64xf32, #tpu.memory_space<vmem>>) offsets(%dma_start3A_373 : memref<128xi32, #tpu.memory_space<vmem>>) semaphore(%arg7 : memref<!tpu.dma_semaphore, #tpu.memory_space<semaphore_mem>>)
        %dma_start3A_377 = arith.constant 0 : i32
        %dma_start3A_378 = arith.constant 128 : i32
        %dma_start3A_379 = arith.constant 0 : i32
        %dma_start3A_380 = tpu.memref_slice %arg6[%dma_start3A_377, %dma_start3A_378, %dma_start3A_379] : memref<4x200x64xf32, #tpu.memory_space<vmem>> -> memref<1x72x64xf32, #tpu.memory_space<vmem>>
        %dma_start3A_381 = tpu.memref_squeeze %dma_start3A_380 : memref<1x72x64xf32, #tpu.memory_space<vmem>> -> memref<72x64xf32, #tpu.memory_space<vmem>>
        %dma_start3A_382 = arith.constant 128 : i32
        %dma_start3A_383 = tpu.memref_slice %arg5[%add3A_302, %dma_start3A_382] : memref<32x200xi32, #tpu.memory_space<vmem>> -> memref<1x72xi32, #tpu.memory_space<vmem>>
        %dma_start3A_384 = tpu.memref_squeeze %dma_start3A_383 : memref<1x72xi32, #tpu.memory_space<vmem>> -> memref<72xi32, #tpu.memory_space<vmem>>
        %dma_start3A_385 = arith.constant 0 : i32
        %dma_start3A_386 = arith.constant 0 : i32
        %dma_start3A_387 = tpu.memref_slice %arg3[%dma_start3A_385, %dma_start3A_386] : memref<1000000x64xf32, #tpu.memory_space<hbm>> -> memref<1000000x64xf32, #tpu.memory_space<hbm>>
        tpu.enqueue_indirect_dma source(%dma_start3A_387 : memref<1000000x64xf32, #tpu.memory_space<hbm>>) target(%dma_start3A_381 : memref<72x64xf32, #tpu.memory_space<vmem>>) offsets(%dma_start3A_384 : memref<72xi32, #tpu.memory_space<vmem>>) semaphore(%arg7 : memref<!tpu.dma_semaphore, #tpu.memory_space<semaphore_mem>>)
      } else {
      }
      %add3A_308 = arith.constant 3 : i32
      %add3A_309 = arith.addi %add3A_148, %add3A_308 : i32
      %dma_wait3A_310 = arith.constant 3 : i32
      %dma_wait3A_311 = arith.constant 0 : i32
      %dma_wait3A_312 = arith.constant 0 : i32
      %dma_wait3A_313 = tpu.memref_slice %arg6[%dma_wait3A_310, %dma_wait3A_311, %dma_wait3A_312] : memref<4x200x64xf32, #tpu.memory_space<vmem>> -> memref<1x128x64xf32, #tpu.memory_space<vmem>>
      %dma_wait3A_314 = tpu.memref_squeeze %dma_wait3A_313 : memref<1x128x64xf32, #tpu.memory_space<vmem>> -> memref<128x64xf32, #tpu.memory_space<vmem>>
      %dma_wait3A_315 = arith.constant 0 : i32
      %dma_wait3A_316 = tpu.memref_slice %arg5[%add3A_309, %dma_wait3A_315] : memref<32x200xi32, #tpu.memory_space<vmem>> -> memref<1x128xi32, #tpu.memory_space<vmem>>
      %dma_wait3A_317 = tpu.memref_squeeze %dma_wait3A_316 : memref<1x128xi32, #tpu.memory_space<vmem>> -> memref<128xi32, #tpu.memory_space<vmem>>
      %dma_wait3A_318 = arith.constant 0 : i32
      %dma_wait3A_319 = arith.constant 0 : i32
      %dma_wait3A_320 = tpu.memref_slice %arg3[%dma_wait3A_318, %dma_wait3A_319] : memref<1000000x64xf32, #tpu.memory_space<hbm>> -> memref<1000000x64xf32, #tpu.memory_space<hbm>>
      tpu.wait_indirect_dma semaphore(%arg10 : memref<!tpu.dma_semaphore, #tpu.memory_space<semaphore_mem>>) src(%dma_wait3A_320 : memref<1000000x64xf32, #tpu.memory_space<hbm>>) dst(%dma_wait3A_314 : memref<128x64xf32, #tpu.memory_space<vmem>>)
      %dma_wait3A_321 = arith.constant 3 : i32
      %dma_wait3A_322 = arith.constant 128 : i32
      %dma_wait3A_323 = arith.constant 0 : i32
      %dma_wait3A_324 = tpu.memref_slice %arg6[%dma_wait3A_321, %dma_wait3A_322, %dma_wait3A_323] : memref<4x200x64xf32, #tpu.memory_space<vmem>> -> memref<1x72x64xf32, #tpu.memory_space<vmem>>
      %dma_wait3A_325 = tpu.memref_squeeze %dma_wait3A_324 : memref<1x72x64xf32, #tpu.memory_space<vmem>> -> memref<72x64xf32, #tpu.memory_space<vmem>>
      %dma_wait3A_326 = arith.constant 128 : i32
      %dma_wait3A_327 = tpu.memref_slice %arg5[%add3A_309, %dma_wait3A_326] : memref<32x200xi32, #tpu.memory_space<vmem>> -> memref<1x72xi32, #tpu.memory_space<vmem>>
      %dma_wait3A_328 = tpu.memref_squeeze %dma_wait3A_327 : memref<1x72xi32, #tpu.memory_space<vmem>> -> memref<72xi32, #tpu.memory_space<vmem>>
      %dma_wait3A_329 = arith.constant 0 : i32
      %dma_wait3A_330 = arith.constant 0 : i32
      %dma_wait3A_331 = tpu.memref_slice %arg3[%dma_wait3A_329, %dma_wait3A_330] : memref<1000000x64xf32, #tpu.memory_space<hbm>> -> memref<1000000x64xf32, #tpu.memory_space<hbm>>
      tpu.wait_indirect_dma semaphore(%arg10 : memref<!tpu.dma_semaphore, #tpu.memory_space<semaphore_mem>>) src(%dma_wait3A_331 : memref<1000000x64xf32, #tpu.memory_space<hbm>>) dst(%dma_wait3A_325 : memref<72x64xf32, #tpu.memory_space<vmem>>)
      %scan3A_332 = arith.constant 0 : i32
      %scan3A_333 = arith.constant 200 : i32
      %scan3A_334 = arith.addi %scan3A_332, %scan3A_333 : i32
      %scan3A_335 = arith.constant 8 : i32
      scf.for %scan3A_362 = %scan3A_332 to %scan3A_334 step %scan3A_335  : i32 {
        %mul3A_363 = arith.constant 1 : i32
        %mul3A_364 = arith.muli %scan3A_362, %mul3A_363 : i32
        %add3A_365 = arith.constant 0 : i32
        %add3A_366 = arith.addi %add3A_365, %mul3A_364 : i32
        %get3A = arith.constant 3 : i32
        %get3A_367 = arith.index_cast %get3A : i32 to index
        %get3A_368 = arith.index_cast %add3A_366 : i32 to index
        %get3A_369 = arith.constant 0 : index
        %get3A_370 = tpu.vector_load %arg6[%get3A_367, %get3A_368, %get3A_369] {strides = array<i32>} : memref<4x200x64xf32, #tpu.memory_space<vmem>>, vector<1x1x16xf32>,
        %get3A_371 = vector.shape_cast %get3A_370 : vector<1x1x16xf32> to vector<16xf32>
        %mul3A_372 = arith.constant 8.000000e+00 : f32
        %mul3A_373 = vector.broadcast %mul3A_372 : f32 to vector<16xf32>
        %mul3A_374 = arith.mulf %get3A_371, %mul3A_373 : vector<16xf32>
        %swap3A = arith.constant 3 : i32
        %swap3A_375 = arith.index_cast %swap3A : i32 to index
        %swap3A_376 = arith.index_cast %add3A_366 : i32 to index
        %swap3A_377 = arith.constant 0 : index
        %swap3A_378 = tpu.vector_load %arg6[%swap3A_375, %swap3A_376, %swap3A_377] {strides = array<i32>} : memref<4x200x64xf32, #tpu.memory_space<vmem>>, vector<1x1x16xf32>,
        %swap3A_379 = vector.shape_cast %swap3A_378 : vector<1x1x16xf32> to vector<16xf32>
        %swap3A_380 = vector.shape_cast %mul3A_374 : vector<16xf32> to vector<1x1x16xf32>
        tpu.vector_store %arg6[%swap3A_375, %swap3A_376, %swap3A_377], %swap3A_380 {strides = array<i32>} : memref<4x200x64xf32, #tpu.memory_space<vmem>>, vector<1x1x16xf32>,
        %get3A_381 = arith.constant 3 : i32
        %get3A_382 = arith.index_cast %get3A_381 : i32 to index
        %get3A_383 = arith.index_cast %add3A_366 : i32 to index
        %get3A_384 = arith.constant 16 : index
        %get3A_385 = tpu.vector_load %arg6[%get3A_382, %get3A_383, %get3A_384] {strides = array<i32>} : memref<4x200x64xf32, #tpu.memory_space<vmem>>, vector<1x1x16xf32>,
        %get3A_386 = vector.shape_cast %get3A_385 : vector<1x1x16xf32> to vector<16xf32>
        %mul3A_387 = arith.constant 8.000000e+00 : f32
        %mul3A_388 = vector.broadcast %mul3A_387 : f32 to vector<16xf32>
        %mul3A_389 = arith.mulf %get3A_386, %mul3A_388 : vector<16xf32>
        %swap3A_390 = arith.constant 3 : i32
        %swap3A_391 = arith.index_cast %swap3A_390 : i32 to index
        %swap3A_392 = arith.index_cast %add3A_366 : i32 to index
        %swap3A_393 = arith.constant 16 : index
        %swap3A_394 = tpu.vector_load %arg6[%swap3A_391, %swap3A_392, %swap3A_393] {strides = array<i32>} : memref<4x200x64xf32, #tpu.memory_space<vmem>>, vector<1x1x16xf32>,
        %swap3A_395 = vector.shape_cast %swap3A_394 : vector<1x1x16xf32> to vector<16xf32>
        %swap3A_396 = vector.shape_cast %mul3A_389 : vector<16xf32> to vector<1x1x16xf32>
        tpu.vector_store %arg6[%swap3A_391, %swap3A_392, %swap3A_393], %swap3A_396 {strides = array<i32>} : memref<4x200x64xf32, #tpu.memory_space<vmem>>, vector<1x1x16xf32>,
        %get3A_397 = arith.constant 3 : i32
        %get3A_398 = arith.index_cast %get3A_397 : i32 to index
        %get3A_399 = arith.index_cast %add3A_366 : i32 to index
        %get3A_400 = arith.constant 32 : index
        %get3A_401 = tpu.vector_load %arg6[%get3A_398, %get3A_399, %get3A_400] {strides = array<i32>} : memref<4x200x64xf32, #tpu.memory_space<vmem>>, vector<1x1x16xf32>,
        %get3A_402 = vector.shape_cast %get3A_401 : vector<1x1x16xf32> to vector<16xf32>
        %mul3A_403 = arith.constant 8.000000e+00 : f32
        %mul3A_404 = vector.broadcast %mul3A_403 : f32 to vector<16xf32>
        %mul3A_405 = arith.mulf %get3A_402, %mul3A_404 : vector<16xf32>
        %swap3A_406 = arith.constant 3 : i32
        %swap3A_407 = arith.index_cast %swap3A_406 : i32 to index
        %swap3A_408 = arith.index_cast %add3A_366 : i32 to index
        %swap3A_409 = arith.constant 32 : index
        %swap3A_410 = tpu.vector_load %arg6[%swap3A_407, %swap3A_408, %swap3A_409] {strides = array<i32>} : memref<4x200x64xf32, #tpu.memory_space<vmem>>, vector<1x1x16xf32>,
        %swap3A_411 = vector.shape_cast %swap3A_410 : vector<1x1x16xf32> to vector<16xf32>
        %swap3A_412 = vector.shape_cast %mul3A_405 : vector<16xf32> to vector<1x1x16xf32>
        tpu.vector_store %arg6[%swap3A_407, %swap3A_408, %swap3A_409], %swap3A_412 {strides = array<i32>} : memref<4x200x64xf32, #tpu.memory_space<vmem>>, vector<1x1x16xf32>,
        %get3A_413 = arith.constant 3 : i32
        %get3A_414 = arith.index_cast %get3A_413 : i32 to index
        %get3A_415 = arith.index_cast %add3A_366 : i32 to index
        %get3A_416 = arith.constant 48 : index
        %get3A_417 = tpu.vector_load %arg6[%get3A_414, %get3A_415, %get3A_416] {strides = array<i32>} : memref<4x200x64xf32, #tpu.memory_space<vmem>>, vector<1x1x16xf32>,
        %get3A_418 = vector.shape_cast %get3A_417 : vector<1x1x16xf32> to vector<16xf32>
        %mul3A_419 = arith.constant 8.000000e+00 : f32
        %mul3A_420 = vector.broadcast %mul3A_419 : f32 to vector<16xf32>
        %mul3A_421 = arith.mulf %get3A_418, %mul3A_420 : vector<16xf32>
        %swap3A_422 = arith.constant 3 : i32
        %swap3A_423 = arith.index_cast %swap3A_422 : i32 to index
        %swap3A_424 = arith.index_cast %add3A_366 : i32 to index
        %swap3A_425 = arith.constant 48 : index
        %swap3A_426 = tpu.vector_load %arg6[%swap3A_423, %swap3A_424, %swap3A_425] {strides = array<i32>} : memref<4x200x64xf32, #tpu.memory_space<vmem>>, vector<1x1x16xf32>,
        %swap3A_427 = vector.shape_cast %swap3A_426 : vector<1x1x16xf32> to vector<16xf32>
        %swap3A_428 = vector.shape_cast %mul3A_421 : vector<16xf32> to vector<1x1x16xf32>
        tpu.vector_store %arg6[%swap3A_423, %swap3A_424, %swap3A_425], %swap3A_428 {strides = array<i32>} : memref<4x200x64xf32, #tpu.memory_space<vmem>>, vector<1x1x16xf32>,
        %scan3A_429 = arith.constant 1 : i32
        %scan3A_430 = arith.addi %scan3A_362, %scan3A_429 : i32
        %mul3A_431 = arith.constant 1 : i32
        %mul3A_432 = arith.muli %scan3A_430, %mul3A_431 : i32
        %add3A_433 = arith.constant 0 : i32
        %add3A_434 = arith.addi %add3A_433, %mul3A_432 : i32
        %get3A_435 = arith.constant 3 : i32
        %get3A_436 = arith.index_cast %get3A_435 : i32 to index
        %get3A_437 = arith.index_cast %add3A_434 : i32 to index
        %get3A_438 = arith.constant 0 : index
        %get3A_439 = tpu.vector_load %arg6[%get3A_436, %get3A_437, %get3A_438] {strides = array<i32>} : memref<4x200x64xf32, #tpu.memory_space<vmem>>, vector<1x1x16xf32>,
        %get3A_440 = vector.shape_cast %get3A_439 : vector<1x1x16xf32> to vector<16xf32>
        %mul3A_441 = arith.constant 8.000000e+00 : f32
        %mul3A_442 = vector.broadcast %mul3A_441 : f32 to vector<16xf32>
        %mul3A_443 = arith.mulf %get3A_440, %mul3A_442 : vector<16xf32>
        %swap3A_444 = arith.constant 3 : i32
        %swap3A_445 = arith.index_cast %swap3A_444 : i32 to index
        %swap3A_446 = arith.index_cast %add3A_434 : i32 to index
        %swap3A_447 = arith.constant 0 : index
        %swap3A_448 = tpu.vector_load %arg6[%swap3A_445, %swap3A_446, %swap3A_447] {strides = array<i32>} : memref<4x200x64xf32, #tpu.memory_space<vmem>>, vector<1x1x16xf32>,
        %swap3A_449 = vector.shape_cast %swap3A_448 : vector<1x1x16xf32> to vector<16xf32>
        %swap3A_450 = vector.shape_cast %mul3A_443 : vector<16xf32> to vector<1x1x16xf32>
        tpu.vector_store %arg6[%swap3A_445, %swap3A_446, %swap3A_447], %swap3A_450 {strides = array<i32>} : memref<4x200x64xf32, #tpu.memory_space<vmem>>, vector<1x1x16xf32>,
        %get3A_451 = arith.constant 3 : i32
        %get3A_452 = arith.index_cast %get3A_451 : i32 to index
        %get3A_453 = arith.index_cast %add3A_434 : i32 to index
        %get3A_454 = arith.constant 16 : index
        %get3A_455 = tpu.vector_load %arg6[%get3A_452, %get3A_453, %get3A_454] {strides = array<i32>} : memref<4x200x64xf32, #tpu.memory_space<vmem>>, vector<1x1x16xf32>,
        %get3A_456 = vector.shape_cast %get3A_455 : vector<1x1x16xf32> to vector<16xf32>
        %mul3A_457 = arith.constant 8.000000e+00 : f32
        %mul3A_458 = vector.broadcast %mul3A_457 : f32 to vector<16xf32>
        %mul3A_459 = arith.mulf %get3A_456, %mul3A_458 : vector<16xf32>
        %swap3A_460 = arith.constant 3 : i32
        %swap3A_461 = arith.index_cast %swap3A_460 : i32 to index
        %swap3A_462 = arith.index_cast %add3A_434 : i32 to index
        %swap3A_463 = arith.constant 16 : index
        %swap3A_464 = tpu.vector_load %arg6[%swap3A_461, %swap3A_462, %swap3A_463] {strides = array<i32>} : memref<4x200x64xf32, #tpu.memory_space<vmem>>, vector<1x1x16xf32>,
        %swap3A_465 = vector.shape_cast %swap3A_464 : vector<1x1x16xf32> to vector<16xf32>
        %swap3A_466 = vector.shape_cast %mul3A_459 : vector<16xf32> to vector<1x1x16xf32>
        tpu.vector_store %arg6[%swap3A_461, %swap3A_462, %swap3A_463], %swap3A_466 {strides = array<i32>} : memref<4x200x64xf32, #tpu.memory_space<vmem>>, vector<1x1x16xf32>,
        %get3A_467 = arith.constant 3 : i32
        %get3A_468 = arith.index_cast %get3A_467 : i32 to index
        %get3A_469 = arith.index_cast %add3A_434 : i32 to index
        %get3A_470 = arith.constant 32 : index
        %get3A_471 = tpu.vector_load %arg6[%get3A_468, %get3A_469, %get3A_470] {strides = array<i32>} : memref<4x200x64xf32, #tpu.memory_space<vmem>>, vector<1x1x16xf32>,
        %get3A_472 = vector.shape_cast %get3A_471 : vector<1x1x16xf32> to vector<16xf32>
        %mul3A_473 = arith.constant 8.000000e+00 : f32
        %mul3A_474 = vector.broadcast %mul3A_473 : f32 to vector<16xf32>
        %mul3A_475 = arith.mulf %get3A_472, %mul3A_474 : vector<16xf32>
        %swap3A_476 = arith.constant 3 : i32
        %swap3A_477 = arith.index_cast %swap3A_476 : i32 to index
        %swap3A_478 = arith.index_cast %add3A_434 : i32 to index
        %swap3A_479 = arith.constant 32 : index
        %swap3A_480 = tpu.vector_load %arg6[%swap3A_477, %swap3A_478, %swap3A_479] {strides = array<i32>} : memref<4x200x64xf32, #tpu.memory_space<vmem>>, vector<1x1x16xf32>,
        %swap3A_481 = vector.shape_cast %swap3A_480 : vector<1x1x16xf32> to vector<16xf32>
        %swap3A_482 = vector.shape_cast %mul3A_475 : vector<16xf32> to vector<1x1x16xf32>
        tpu.vector_store %arg6[%swap3A_477, %swap3A_478, %swap3A_479], %swap3A_482 {strides = array<i32>} : memref<4x200x64xf32, #tpu.memory_space<vmem>>, vector<1x1x16xf32>,
        %get3A_483 = arith.constant 3 : i32
        %get3A_484 = arith.index_cast %get3A_483 : i32 to index
        %get3A_485 = arith.index_cast %add3A_434 : i32 to index
        %get3A_486 = arith.constant 48 : index
        %get3A_487 = tpu.vector_load %arg6[%get3A_484, %get3A_485, %get3A_486] {strides = array<i32>} : memref<4x200x64xf32, #tpu.memory_space<vmem>>, vector<1x1x16xf32>,
        %get3A_488 = vector.shape_cast %get3A_487 : vector<1x1x16xf32> to vector<16xf32>
        %mul3A_489 = arith.constant 8.000000e+00 : f32
        %mul3A_490 = vector.broadcast %mul3A_489 : f32 to vector<16xf32>
        %mul3A_491 = arith.mulf %get3A_488, %mul3A_490 : vector<16xf32>
        %swap3A_492 = arith.constant 3 : i32
        %swap3A_493 = arith.index_cast %swap3A_492 : i32 to index
        %swap3A_494 = arith.index_cast %add3A_434 : i32 to index
        %swap3A_495 = arith.constant 48 : index
        %swap3A_496 = tpu.vector_load %arg6[%swap3A_493, %swap3A_494, %swap3A_495] {strides = array<i32>} : memref<4x200x64xf32, #tpu.memory_space<vmem>>, vector<1x1x16xf32>,
        %swap3A_497 = vector.shape_cast %swap3A_496 : vector<1x1x16xf32> to vector<16xf32>
        %swap3A_498 = vector.shape_cast %mul3A_491 : vector<16xf32> to vector<1x1x16xf32>
        tpu.vector_store %arg6[%swap3A_493, %swap3A_494, %swap3A_495], %swap3A_498 {strides = array<i32>} : memref<4x200x64xf32, #tpu.memory_space<vmem>>, vector<1x1x16xf32>,
        %scan3A_499 = arith.constant 2 : i32
        %scan3A_500 = arith.addi %scan3A_362, %scan3A_499 : i32
        %mul3A_501 = arith.constant 1 : i32
        %mul3A_502 = arith.muli %scan3A_500, %mul3A_501 : i32
        %add3A_503 = arith.constant 0 : i32
        %add3A_504 = arith.addi %add3A_503, %mul3A_502 : i32
        %get3A_505 = arith.constant 3 : i32
        %get3A_506 = arith.index_cast %get3A_505 : i32 to index
        %get3A_507 = arith.index_cast %add3A_504 : i32 to index
        %get3A_508 = arith.constant 0 : index
        %get3A_509 = tpu.vector_load %arg6[%get3A_506, %get3A_507, %get3A_508] {strides = array<i32>} : memref<4x200x64xf32, #tpu.memory_space<vmem>>, vector<1x1x16xf32>,
        %get3A_510 = vector.shape_cast %get3A_509 : vector<1x1x16xf32> to vector<16xf32>
        %mul3A_511 = arith.constant 8.000000e+00 : f32
        %mul3A_512 = vector.broadcast %mul3A_511 : f32 to vector<16xf32>
        %mul3A_513 = arith.mulf %get3A_510, %mul3A_512 : vector<16xf32>
        %swap3A_514 = arith.constant 3 : i32
        %swap3A_515 = arith.index_cast %swap3A_514 : i32 to index
        %swap3A_516 = arith.index_cast %add3A_504 : i32 to index
        %swap3A_517 = arith.constant 0 : index
        %swap3A_518 = tpu.vector_load %arg6[%swap3A_515, %swap3A_516, %swap3A_517] {strides = array<i32>} : memref<4x200x64xf32, #tpu.memory_space<vmem>>, vector<1x1x16xf32>,
        %swap3A_519 = vector.shape_cast %swap3A_518 : vector<1x1x16xf32> to vector<16xf32>
        %swap3A_520 = vector.shape_cast %mul3A_513 : vector<16xf32> to vector<1x1x16xf32>
        tpu.vector_store %arg6[%swap3A_515, %swap3A_516, %swap3A_517], %swap3A_520 {strides = array<i32>} : memref<4x200x64xf32, #tpu.memory_space<vmem>>, vector<1x1x16xf32>,
        %get3A_521 = arith.constant 3 : i32
        %get3A_522 = arith.index_cast %get3A_521 : i32 to index
        %get3A_523 = arith.index_cast %add3A_504 : i32 to index
        %get3A_524 = arith.constant 16 : index
        %get3A_525 = tpu.vector_load %arg6[%get3A_522, %get3A_523, %get3A_524] {strides = array<i32>} : memref<4x200x64xf32, #tpu.memory_space<vmem>>, vector<1x1x16xf32>,
        %get3A_526 = vector.shape_cast %get3A_525 : vector<1x1x16xf32> to vector<16xf32>
        %mul3A_527 = arith.constant 8.000000e+00 : f32
        %mul3A_528 = vector.broadcast %mul3A_527 : f32 to vector<16xf32>
        %mul3A_529 = arith.mulf %get3A_526, %mul3A_528 : vector<16xf32>
        %swap3A_530 = arith.constant 3 : i32
        %swap3A_531 = arith.index_cast %swap3A_530 : i32 to index
        %swap3A_532 = arith.index_cast %add3A_504 : i32 to index
        %swap3A_533 = arith.constant 16 : index
        %swap3A_534 = tpu.vector_load %arg6[%swap3A_531, %swap3A_532, %swap3A_533] {strides = array<i32>} : memref<4x200x64xf32, #tpu.memory_space<vmem>>, vector<1x1x16xf32>,
        %swap3A_535 = vector.shape_cast %swap3A_534 : vector<1x1x16xf32> to vector<16xf32>
        %swap3A_536 = vector.shape_cast %mul3A_529 : vector<16xf32> to vector<1x1x16xf32>
        tpu.vector_store %arg6[%swap3A_531, %swap3A_532, %swap3A_533], %swap3A_536 {strides = array<i32>} : memref<4x200x64xf32, #tpu.memory_space<vmem>>, vector<1x1x16xf32>,
        %get3A_537 = arith.constant 3 : i32
        %get3A_538 = arith.index_cast %get3A_537 : i32 to index
        %get3A_539 = arith.index_cast %add3A_504 : i32 to index
        %get3A_540 = arith.constant 32 : index
        %get3A_541 = tpu.vector_load %arg6[%get3A_538, %get3A_539, %get3A_540] {strides = array<i32>} : memref<4x200x64xf32, #tpu.memory_space<vmem>>, vector<1x1x16xf32>,
        %get3A_542 = vector.shape_cast %get3A_541 : vector<1x1x16xf32> to vector<16xf32>
        %mul3A_543 = arith.constant 8.000000e+00 : f32
        %mul3A_544 = vector.broadcast %mul3A_543 : f32 to vector<16xf32>
        %mul3A_545 = arith.mulf %get3A_542, %mul3A_544 : vector<16xf32>
        %swap3A_546 = arith.constant 3 : i32
        %swap3A_547 = arith.index_cast %swap3A_546 : i32 to index
        %swap3A_548 = arith.index_cast %add3A_504 : i32 to index
        %swap3A_549 = arith.constant 32 : index
        %swap3A_550 = tpu.vector_load %arg6[%swap3A_547, %swap3A_548, %swap3A_549] {strides = array<i32>} : memref<4x200x64xf32, #tpu.memory_space<vmem>>, vector<1x1x16xf32>,
        %swap3A_551 = vector.shape_cast %swap3A_550 : vector<1x1x16xf32> to vector<16xf32>
        %swap3A_552 = vector.shape_cast %mul3A_545 : vector<16xf32> to vector<1x1x16xf32>
        tpu.vector_store %arg6[%swap3A_547, %swap3A_548, %swap3A_549], %swap3A_552 {strides = array<i32>} : memref<4x200x64xf32, #tpu.memory_space<vmem>>, vector<1x1x16xf32>,
        %get3A_553 = arith.constant 3 : i32
        %get3A_554 = arith.index_cast %get3A_553 : i32 to index
        %get3A_555 = arith.index_cast %add3A_504 : i32 to index
        %get3A_556 = arith.constant 48 : index
        %get3A_557 = tpu.vector_load %arg6[%get3A_554, %get3A_555, %get3A_556] {strides = array<i32>} : memref<4x200x64xf32, #tpu.memory_space<vmem>>, vector<1x1x16xf32>,
        %get3A_558 = vector.shape_cast %get3A_557 : vector<1x1x16xf32> to vector<16xf32>
        %mul3A_559 = arith.constant 8.000000e+00 : f32
        %mul3A_560 = vector.broadcast %mul3A_559 : f32 to vector<16xf32>
        %mul3A_561 = arith.mulf %get3A_558, %mul3A_560 : vector<16xf32>
        %swap3A_562 = arith.constant 3 : i32
        %swap3A_563 = arith.index_cast %swap3A_562 : i32 to index
        %swap3A_564 = arith.index_cast %add3A_504 : i32 to index
        %swap3A_565 = arith.constant 48 : index
        %swap3A_566 = tpu.vector_load %arg6[%swap3A_563, %swap3A_564, %swap3A_565] {strides = array<i32>} : memref<4x200x64xf32, #tpu.memory_space<vmem>>, vector<1x1x16xf32>,
        %swap3A_567 = vector.shape_cast %swap3A_566 : vector<1x1x16xf32> to vector<16xf32>
        %swap3A_568 = vector.shape_cast %mul3A_561 : vector<16xf32> to vector<1x1x16xf32>
        tpu.vector_store %arg6[%swap3A_563, %swap3A_564, %swap3A_565], %swap3A_568 {strides = array<i32>} : memref<4x200x64xf32, #tpu.memory_space<vmem>>, vector<1x1x16xf32>,
        %scan3A_569 = arith.constant 3 : i32
        %scan3A_570 = arith.addi %scan3A_362, %scan3A_569 : i32
        %mul3A_571 = arith.constant 1 : i32
        %mul3A_572 = arith.muli %scan3A_570, %mul3A_571 : i32
        %add3A_573 = arith.constant 0 : i32
        %add3A_574 = arith.addi %add3A_573, %mul3A_572 : i32
        %get3A_575 = arith.constant 3 : i32
        %get3A_576 = arith.index_cast %get3A_575 : i32 to index
        %get3A_577 = arith.index_cast %add3A_574 : i32 to index
        %get3A_578 = arith.constant 0 : index
        %get3A_579 = tpu.vector_load %arg6[%get3A_576, %get3A_577, %get3A_578] {strides = array<i32>} : memref<4x200x64xf32, #tpu.memory_space<vmem>>, vector<1x1x16xf32>,
        %get3A_580 = vector.shape_cast %get3A_579 : vector<1x1x16xf32> to vector<16xf32>
        %mul3A_581 = arith.constant 8.000000e+00 : f32
        %mul3A_582 = vector.broadcast %mul3A_581 : f32 to vector<16xf32>
        %mul3A_583 = arith.mulf %get3A_580, %mul3A_582 : vector<16xf32>
        %swap3A_584 = arith.constant 3 : i32
        %swap3A_585 = arith.index_cast %swap3A_584 : i32 to index
        %swap3A_586 = arith.index_cast %add3A_574 : i32 to index
        %swap3A_587 = arith.constant 0 : index
        %swap3A_588 = tpu.vector_load %arg6[%swap3A_585, %swap3A_586, %swap3A_587] {strides = array<i32>} : memref<4x200x64xf32, #tpu.memory_space<vmem>>, vector<1x1x16xf32>,
        %swap3A_589 = vector.shape_cast %swap3A_588 : vector<1x1x16xf32> to vector<16xf32>
        %swap3A_590 = vector.shape_cast %mul3A_583 : vector<16xf32> to vector<1x1x16xf32>
        tpu.vector_store %arg6[%swap3A_585, %swap3A_586, %swap3A_587], %swap3A_590 {strides = array<i32>} : memref<4x200x64xf32, #tpu.memory_space<vmem>>, vector<1x1x16xf32>,
        %get3A_591 = arith.constant 3 : i32
        %get3A_592 = arith.index_cast %get3A_591 : i32 to index
        %get3A_593 = arith.index_cast %add3A_574 : i32 to index
        %get3A_594 = arith.constant 16 : index
        %get3A_595 = tpu.vector_load %arg6[%get3A_592, %get3A_593, %get3A_594] {strides = array<i32>} : memref<4x200x64xf32, #tpu.memory_space<vmem>>, vector<1x1x16xf32>,
        %get3A_596 = vector.shape_cast %get3A_595 : vector<1x1x16xf32> to vector<16xf32>
        %mul3A_597 = arith.constant 8.000000e+00 : f32
        %mul3A_598 = vector.broadcast %mul3A_597 : f32 to vector<16xf32>
        %mul3A_599 = arith.mulf %get3A_596, %mul3A_598 : vector<16xf32>
        %swap3A_600 = arith.constant 3 : i32
        %swap3A_601 = arith.index_cast %swap3A_600 : i32 to index
        %swap3A_602 = arith.index_cast %add3A_574 : i32 to index
        %swap3A_603 = arith.constant 16 : index
        %swap3A_604 = tpu.vector_load %arg6[%swap3A_601, %swap3A_602, %swap3A_603] {strides = array<i32>} : memref<4x200x64xf32, #tpu.memory_space<vmem>>, vector<1x1x16xf32>,
        %swap3A_605 = vector.shape_cast %swap3A_604 : vector<1x1x16xf32> to vector<16xf32>
        %swap3A_606 = vector.shape_cast %mul3A_599 : vector<16xf32> to vector<1x1x16xf32>
        tpu.vector_store %arg6[%swap3A_601, %swap3A_602, %swap3A_603], %swap3A_606 {strides = array<i32>} : memref<4x200x64xf32, #tpu.memory_space<vmem>>, vector<1x1x16xf32>,
        %get3A_607 = arith.constant 3 : i32
        %get3A_608 = arith.index_cast %get3A_607 : i32 to index
        %get3A_609 = arith.index_cast %add3A_574 : i32 to index
        %get3A_610 = arith.constant 32 : index
        %get3A_611 = tpu.vector_load %arg6[%get3A_608, %get3A_609, %get3A_610] {strides = array<i32>} : memref<4x200x64xf32, #tpu.memory_space<vmem>>, vector<1x1x16xf32>,
        %get3A_612 = vector.shape_cast %get3A_611 : vector<1x1x16xf32> to vector<16xf32>
        %mul3A_613 = arith.constant 8.000000e+00 : f32
        %mul3A_614 = vector.broadcast %mul3A_613 : f32 to vector<16xf32>
        %mul3A_615 = arith.mulf %get3A_612, %mul3A_614 : vector<16xf32>
        %swap3A_616 = arith.constant 3 : i32
        %swap3A_617 = arith.index_cast %swap3A_616 : i32 to index
        %swap3A_618 = arith.index_cast %add3A_574 : i32 to index
        %swap3A_619 = arith.constant 32 : index
        %swap3A_620 = tpu.vector_load %arg6[%swap3A_617, %swap3A_618, %swap3A_619] {strides = array<i32>} : memref<4x200x64xf32, #tpu.memory_space<vmem>>, vector<1x1x16xf32>,
        %swap3A_621 = vector.shape_cast %swap3A_620 : vector<1x1x16xf32> to vector<16xf32>
        %swap3A_622 = vector.shape_cast %mul3A_615 : vector<16xf32> to vector<1x1x16xf32>
        tpu.vector_store %arg6[%swap3A_617, %swap3A_618, %swap3A_619], %swap3A_622 {strides = array<i32>} : memref<4x200x64xf32, #tpu.memory_space<vmem>>, vector<1x1x16xf32>,
        %get3A_623 = arith.constant 3 : i32
        %get3A_624 = arith.index_cast %get3A_623 : i32 to index
        %get3A_625 = arith.index_cast %add3A_574 : i32 to index
        %get3A_626 = arith.constant 48 : index
        %get3A_627 = tpu.vector_load %arg6[%get3A_624, %get3A_625, %get3A_626] {strides = array<i32>} : memref<4x200x64xf32, #tpu.memory_space<vmem>>, vector<1x1x16xf32>,
        %get3A_628 = vector.shape_cast %get3A_627 : vector<1x1x16xf32> to vector<16xf32>
        %mul3A_629 = arith.constant 8.000000e+00 : f32
        %mul3A_630 = vector.broadcast %mul3A_629 : f32 to vector<16xf32>
        %mul3A_631 = arith.mulf %get3A_628, %mul3A_630 : vector<16xf32>
        %swap3A_632 = arith.constant 3 : i32
        %swap3A_633 = arith.index_cast %swap3A_632 : i32 to index
        %swap3A_634 = arith.index_cast %add3A_574 : i32 to index
        %swap3A_635 = arith.constant 48 : index
        %swap3A_636 = tpu.vector_load %arg6[%swap3A_633, %swap3A_634, %swap3A_635] {strides = array<i32>} : memref<4x200x64xf32, #tpu.memory_space<vmem>>, vector<1x1x16xf32>,
        %swap3A_637 = vector.shape_cast %swap3A_636 : vector<1x1x16xf32> to vector<16xf32>
        %swap3A_638 = vector.shape_cast %mul3A_631 : vector<16xf32> to vector<1x1x16xf32>
        tpu.vector_store %arg6[%swap3A_633, %swap3A_634, %swap3A_635], %swap3A_638 {strides = array<i32>} : memref<4x200x64xf32, #tpu.memory_space<vmem>>, vector<1x1x16xf32>,
        %scan3A_639 = arith.constant 4 : i32
        %scan3A_640 = arith.addi %scan3A_362, %scan3A_639 : i32
        %mul3A_641 = arith.constant 1 : i32
        %mul3A_642 = arith.muli %scan3A_640, %mul3A_641 : i32
        %add3A_643 = arith.constant 0 : i32
        %add3A_644 = arith.addi %add3A_643, %mul3A_642 : i32
        %get3A_645 = arith.constant 3 : i32
        %get3A_646 = arith.index_cast %get3A_645 : i32 to index
        %get3A_647 = arith.index_cast %add3A_644 : i32 to index
        %get3A_648 = arith.constant 0 : index
        %get3A_649 = tpu.vector_load %arg6[%get3A_646, %get3A_647, %get3A_648] {strides = array<i32>} : memref<4x200x64xf32, #tpu.memory_space<vmem>>, vector<1x1x16xf32>,
        %get3A_650 = vector.shape_cast %get3A_649 : vector<1x1x16xf32> to vector<16xf32>
        %mul3A_651 = arith.constant 8.000000e+00 : f32
        %mul3A_652 = vector.broadcast %mul3A_651 : f32 to vector<16xf32>
        %mul3A_653 = arith.mulf %get3A_650, %mul3A_652 : vector<16xf32>
        %swap3A_654 = arith.constant 3 : i32
        %swap3A_655 = arith.index_cast %swap3A_654 : i32 to index
        %swap3A_656 = arith.index_cast %add3A_644 : i32 to index
        %swap3A_657 = arith.constant 0 : index
        %swap3A_658 = tpu.vector_load %arg6[%swap3A_655, %swap3A_656, %swap3A_657] {strides = array<i32>} : memref<4x200x64xf32, #tpu.memory_space<vmem>>, vector<1x1x16xf32>,
        %swap3A_659 = vector.shape_cast %swap3A_658 : vector<1x1x16xf32> to vector<16xf32>
        %swap3A_660 = vector.shape_cast %mul3A_653 : vector<16xf32> to vector<1x1x16xf32>
        tpu.vector_store %arg6[%swap3A_655, %swap3A_656, %swap3A_657], %swap3A_660 {strides = array<i32>} : memref<4x200x64xf32, #tpu.memory_space<vmem>>, vector<1x1x16xf32>,
        %get3A_661 = arith.constant 3 : i32
        %get3A_662 = arith.index_cast %get3A_661 : i32 to index
        %get3A_663 = arith.index_cast %add3A_644 : i32 to index
        %get3A_664 = arith.constant 16 : index
        %get3A_665 = tpu.vector_load %arg6[%get3A_662, %get3A_663, %get3A_664] {strides = array<i32>} : memref<4x200x64xf32, #tpu.memory_space<vmem>>, vector<1x1x16xf32>,
        %get3A_666 = vector.shape_cast %get3A_665 : vector<1x1x16xf32> to vector<16xf32>
        %mul3A_667 = arith.constant 8.000000e+00 : f32
        %mul3A_668 = vector.broadcast %mul3A_667 : f32 to vector<16xf32>
        %mul3A_669 = arith.mulf %get3A_666, %mul3A_668 : vector<16xf32>
        %swap3A_670 = arith.constant 3 : i32
        %swap3A_671 = arith.index_cast %swap3A_670 : i32 to index
        %swap3A_672 = arith.index_cast %add3A_644 : i32 to index
        %swap3A_673 = arith.constant 16 : index
        %swap3A_674 = tpu.vector_load %arg6[%swap3A_671, %swap3A_672, %swap3A_673] {strides = array<i32>} : memref<4x200x64xf32, #tpu.memory_space<vmem>>, vector<1x1x16xf32>,
        %swap3A_675 = vector.shape_cast %swap3A_674 : vector<1x1x16xf32> to vector<16xf32>
        %swap3A_676 = vector.shape_cast %mul3A_669 : vector<16xf32> to vector<1x1x16xf32>
        tpu.vector_store %arg6[%swap3A_671, %swap3A_672, %swap3A_673], %swap3A_676 {strides = array<i32>} : memref<4x200x64xf32, #tpu.memory_space<vmem>>, vector<1x1x16xf32>,
        %get3A_677 = arith.constant 3 : i32
        %get3A_678 = arith.index_cast %get3A_677 : i32 to index
        %get3A_679 = arith.index_cast %add3A_644 : i32 to index
        %get3A_680 = arith.constant 32 : index
        %get3A_681 = tpu.vector_load %arg6[%get3A_678, %get3A_679, %get3A_680] {strides = array<i32>} : memref<4x200x64xf32, #tpu.memory_space<vmem>>, vector<1x1x16xf32>,
        %get3A_682 = vector.shape_cast %get3A_681 : vector<1x1x16xf32> to vector<16xf32>
        %mul3A_683 = arith.constant 8.000000e+00 : f32
        %mul3A_684 = vector.broadcast %mul3A_683 : f32 to vector<16xf32>
        %mul3A_685 = arith.mulf %get3A_682, %mul3A_684 : vector<16xf32>
        %swap3A_686 = arith.constant 3 : i32
        %swap3A_687 = arith.index_cast %swap3A_686 : i32 to index
        %swap3A_688 = arith.index_cast %add3A_644 : i32 to index
        %swap3A_689 = arith.constant 32 : index
        %swap3A_690 = tpu.vector_load %arg6[%swap3A_687, %swap3A_688, %swap3A_689] {strides = array<i32>} : memref<4x200x64xf32, #tpu.memory_space<vmem>>, vector<1x1x16xf32>,
        %swap3A_691 = vector.shape_cast %swap3A_690 : vector<1x1x16xf32> to vector<16xf32>
        %swap3A_692 = vector.shape_cast %mul3A_685 : vector<16xf32> to vector<1x1x16xf32>
        tpu.vector_store %arg6[%swap3A_687, %swap3A_688, %swap3A_689], %swap3A_692 {strides = array<i32>} : memref<4x200x64xf32, #tpu.memory_space<vmem>>, vector<1x1x16xf32>,
        %get3A_693 = arith.constant 3 : i32
        %get3A_694 = arith.index_cast %get3A_693 : i32 to index
        %get3A_695 = arith.index_cast %add3A_644 : i32 to index
        %get3A_696 = arith.constant 48 : index
        %get3A_697 = tpu.vector_load %arg6[%get3A_694, %get3A_695, %get3A_696] {strides = array<i32>} : memref<4x200x64xf32, #tpu.memory_space<vmem>>, vector<1x1x16xf32>,
        %get3A_698 = vector.shape_cast %get3A_697 : vector<1x1x16xf32> to vector<16xf32>
        %mul3A_699 = arith.constant 8.000000e+00 : f32
        %mul3A_700 = vector.broadcast %mul3A_699 : f32 to vector<16xf32>
        %mul3A_701 = arith.mulf %get3A_698, %mul3A_700 : vector<16xf32>
        %swap3A_702 = arith.constant 3 : i32
        %swap3A_703 = arith.index_cast %swap3A_702 : i32 to index
        %swap3A_704 = arith.index_cast %add3A_644 : i32 to index
        %swap3A_705 = arith.constant 48 : index
        %swap3A_706 = tpu.vector_load %arg6[%swap3A_703, %swap3A_704, %swap3A_705] {strides = array<i32>} : memref<4x200x64xf32, #tpu.memory_space<vmem>>, vector<1x1x16xf32>,
        %swap3A_707 = vector.shape_cast %swap3A_706 : vector<1x1x16xf32> to vector<16xf32>
        %swap3A_708 = vector.shape_cast %mul3A_701 : vector<16xf32> to vector<1x1x16xf32>
        tpu.vector_store %arg6[%swap3A_703, %swap3A_704, %swap3A_705], %swap3A_708 {strides = array<i32>} : memref<4x200x64xf32, #tpu.memory_space<vmem>>, vector<1x1x16xf32>,
        %scan3A_709 = arith.constant 5 : i32
        %scan3A_710 = arith.addi %scan3A_362, %scan3A_709 : i32
        %mul3A_711 = arith.constant 1 : i32
        %mul3A_712 = arith.muli %scan3A_710, %mul3A_711 : i32
        %add3A_713 = arith.constant 0 : i32
        %add3A_714 = arith.addi %add3A_713, %mul3A_712 : i32
        %get3A_715 = arith.constant 3 : i32
        %get3A_716 = arith.index_cast %get3A_715 : i32 to index
        %get3A_717 = arith.index_cast %add3A_714 : i32 to index
        %get3A_718 = arith.constant 0 : index
        %get3A_719 = tpu.vector_load %arg6[%get3A_716, %get3A_717, %get3A_718] {strides = array<i32>} : memref<4x200x64xf32, #tpu.memory_space<vmem>>, vector<1x1x16xf32>,
        %get3A_720 = vector.shape_cast %get3A_719 : vector<1x1x16xf32> to vector<16xf32>
        %mul3A_721 = arith.constant 8.000000e+00 : f32
        %mul3A_722 = vector.broadcast %mul3A_721 : f32 to vector<16xf32>
        %mul3A_723 = arith.mulf %get3A_720, %mul3A_722 : vector<16xf32>
        %swap3A_724 = arith.constant 3 : i32
        %swap3A_725 = arith.index_cast %swap3A_724 : i32 to index
        %swap3A_726 = arith.index_cast %add3A_714 : i32 to index
        %swap3A_727 = arith.constant 0 : index
        %swap3A_728 = tpu.vector_load %arg6[%swap3A_725, %swap3A_726, %swap3A_727] {strides = array<i32>} : memref<4x200x64xf32, #tpu.memory_space<vmem>>, vector<1x1x16xf32>,
        %swap3A_729 = vector.shape_cast %swap3A_728 : vector<1x1x16xf32> to vector<16xf32>
        %swap3A_730 = vector.shape_cast %mul3A_723 : vector<16xf32> to vector<1x1x16xf32>
        tpu.vector_store %arg6[%swap3A_725, %swap3A_726, %swap3A_727], %swap3A_730 {strides = array<i32>} : memref<4x200x64xf32, #tpu.memory_space<vmem>>, vector<1x1x16xf32>,
        %get3A_731 = arith.constant 3 : i32
        %get3A_732 = arith.index_cast %get3A_731 : i32 to index
        %get3A_733 = arith.index_cast %add3A_714 : i32 to index
        %get3A_734 = arith.constant 16 : index
        %get3A_735 = tpu.vector_load %arg6[%get3A_732, %get3A_733, %get3A_734] {strides = array<i32>} : memref<4x200x64xf32, #tpu.memory_space<vmem>>, vector<1x1x16xf32>,
        %get3A_736 = vector.shape_cast %get3A_735 : vector<1x1x16xf32> to vector<16xf32>
        %mul3A_737 = arith.constant 8.000000e+00 : f32
        %mul3A_738 = vector.broadcast %mul3A_737 : f32 to vector<16xf32>
        %mul3A_739 = arith.mulf %get3A_736, %mul3A_738 : vector<16xf32>
        %swap3A_740 = arith.constant 3 : i32
        %swap3A_741 = arith.index_cast %swap3A_740 : i32 to index
        %swap3A_742 = arith.index_cast %add3A_714 : i32 to index
        %swap3A_743 = arith.constant 16 : index
        %swap3A_744 = tpu.vector_load %arg6[%swap3A_741, %swap3A_742, %swap3A_743] {strides = array<i32>} : memref<4x200x64xf32, #tpu.memory_space<vmem>>, vector<1x1x16xf32>,
        %swap3A_745 = vector.shape_cast %swap3A_744 : vector<1x1x16xf32> to vector<16xf32>
        %swap3A_746 = vector.shape_cast %mul3A_739 : vector<16xf32> to vector<1x1x16xf32>
        tpu.vector_store %arg6[%swap3A_741, %swap3A_742, %swap3A_743], %swap3A_746 {strides = array<i32>} : memref<4x200x64xf32, #tpu.memory_space<vmem>>, vector<1x1x16xf32>,
        %get3A_747 = arith.constant 3 : i32
        %get3A_748 = arith.index_cast %get3A_747 : i32 to index
        %get3A_749 = arith.index_cast %add3A_714 : i32 to index
        %get3A_750 = arith.constant 32 : index
        %get3A_751 = tpu.vector_load %arg6[%get3A_748, %get3A_749, %get3A_750] {strides = array<i32>} : memref<4x200x64xf32, #tpu.memory_space<vmem>>, vector<1x1x16xf32>,
        %get3A_752 = vector.shape_cast %get3A_751 : vector<1x1x16xf32> to vector<16xf32>
        %mul3A_753 = arith.constant 8.000000e+00 : f32
        %mul3A_754 = vector.broadcast %mul3A_753 : f32 to vector<16xf32>
        %mul3A_755 = arith.mulf %get3A_752, %mul3A_754 : vector<16xf32>
        %swap3A_756 = arith.constant 3 : i32
        %swap3A_757 = arith.index_cast %swap3A_756 : i32 to index
        %swap3A_758 = arith.index_cast %add3A_714 : i32 to index
        %swap3A_759 = arith.constant 32 : index
        %swap3A_760 = tpu.vector_load %arg6[%swap3A_757, %swap3A_758, %swap3A_759] {strides = array<i32>} : memref<4x200x64xf32, #tpu.memory_space<vmem>>, vector<1x1x16xf32>,
        %swap3A_761 = vector.shape_cast %swap3A_760 : vector<1x1x16xf32> to vector<16xf32>
        %swap3A_762 = vector.shape_cast %mul3A_755 : vector<16xf32> to vector<1x1x16xf32>
        tpu.vector_store %arg6[%swap3A_757, %swap3A_758, %swap3A_759], %swap3A_762 {strides = array<i32>} : memref<4x200x64xf32, #tpu.memory_space<vmem>>, vector<1x1x16xf32>,
        %get3A_763 = arith.constant 3 : i32
        %get3A_764 = arith.index_cast %get3A_763 : i32 to index
        %get3A_765 = arith.index_cast %add3A_714 : i32 to index
        %get3A_766 = arith.constant 48 : index
        %get3A_767 = tpu.vector_load %arg6[%get3A_764, %get3A_765, %get3A_766] {strides = array<i32>} : memref<4x200x64xf32, #tpu.memory_space<vmem>>, vector<1x1x16xf32>,
        %get3A_768 = vector.shape_cast %get3A_767 : vector<1x1x16xf32> to vector<16xf32>
        %mul3A_769 = arith.constant 8.000000e+00 : f32
        %mul3A_770 = vector.broadcast %mul3A_769 : f32 to vector<16xf32>
        %mul3A_771 = arith.mulf %get3A_768, %mul3A_770 : vector<16xf32>
        %swap3A_772 = arith.constant 3 : i32
        %swap3A_773 = arith.index_cast %swap3A_772 : i32 to index
        %swap3A_774 = arith.index_cast %add3A_714 : i32 to index
        %swap3A_775 = arith.constant 48 : index
        %swap3A_776 = tpu.vector_load %arg6[%swap3A_773, %swap3A_774, %swap3A_775] {strides = array<i32>} : memref<4x200x64xf32, #tpu.memory_space<vmem>>, vector<1x1x16xf32>,
        %swap3A_777 = vector.shape_cast %swap3A_776 : vector<1x1x16xf32> to vector<16xf32>
        %swap3A_778 = vector.shape_cast %mul3A_771 : vector<16xf32> to vector<1x1x16xf32>
        tpu.vector_store %arg6[%swap3A_773, %swap3A_774, %swap3A_775], %swap3A_778 {strides = array<i32>} : memref<4x200x64xf32, #tpu.memory_space<vmem>>, vector<1x1x16xf32>,
        %scan3A_779 = arith.constant 6 : i32
        %scan3A_780 = arith.addi %scan3A_362, %scan3A_779 : i32
        %mul3A_781 = arith.constant 1 : i32
        %mul3A_782 = arith.muli %scan3A_780, %mul3A_781 : i32
        %add3A_783 = arith.constant 0 : i32
        %add3A_784 = arith.addi %add3A_783, %mul3A_782 : i32
        %get3A_785 = arith.constant 3 : i32
        %get3A_786 = arith.index_cast %get3A_785 : i32 to index
        %get3A_787 = arith.index_cast %add3A_784 : i32 to index
        %get3A_788 = arith.constant 0 : index
        %get3A_789 = tpu.vector_load %arg6[%get3A_786, %get3A_787, %get3A_788] {strides = array<i32>} : memref<4x200x64xf32, #tpu.memory_space<vmem>>, vector<1x1x16xf32>,
        %get3A_790 = vector.shape_cast %get3A_789 : vector<1x1x16xf32> to vector<16xf32>
        %mul3A_791 = arith.constant 8.000000e+00 : f32
        %mul3A_792 = vector.broadcast %mul3A_791 : f32 to vector<16xf32>
        %mul3A_793 = arith.mulf %get3A_790, %mul3A_792 : vector<16xf32>
        %swap3A_794 = arith.constant 3 : i32
        %swap3A_795 = arith.index_cast %swap3A_794 : i32 to index
        %swap3A_796 = arith.index_cast %add3A_784 : i32 to index
        %swap3A_797 = arith.constant 0 : index
        %swap3A_798 = tpu.vector_load %arg6[%swap3A_795, %swap3A_796, %swap3A_797] {strides = array<i32>} : memref<4x200x64xf32, #tpu.memory_space<vmem>>, vector<1x1x16xf32>,
        %swap3A_799 = vector.shape_cast %swap3A_798 : vector<1x1x16xf32> to vector<16xf32>
        %swap3A_800 = vector.shape_cast %mul3A_793 : vector<16xf32> to vector<1x1x16xf32>
        tpu.vector_store %arg6[%swap3A_795, %swap3A_796, %swap3A_797], %swap3A_800 {strides = array<i32>} : memref<4x200x64xf32, #tpu.memory_space<vmem>>, vector<1x1x16xf32>,
        %get3A_801 = arith.constant 3 : i32
        %get3A_802 = arith.index_cast %get3A_801 : i32 to index
        %get3A_803 = arith.index_cast %add3A_784 : i32 to index
        %get3A_804 = arith.constant 16 : index
        %get3A_805 = tpu.vector_load %arg6[%get3A_802, %get3A_803, %get3A_804] {strides = array<i32>} : memref<4x200x64xf32, #tpu.memory_space<vmem>>, vector<1x1x16xf32>,
        %get3A_806 = vector.shape_cast %get3A_805 : vector<1x1x16xf32> to vector<16xf32>
        %mul3A_807 = arith.constant 8.000000e+00 : f32
        %mul3A_808 = vector.broadcast %mul3A_807 : f32 to vector<16xf32>
        %mul3A_809 = arith.mulf %get3A_806, %mul3A_808 : vector<16xf32>
        %swap3A_810 = arith.constant 3 : i32
        %swap3A_811 = arith.index_cast %swap3A_810 : i32 to index
        %swap3A_812 = arith.index_cast %add3A_784 : i32 to index
        %swap3A_813 = arith.constant 16 : index
        %swap3A_814 = tpu.vector_load %arg6[%swap3A_811, %swap3A_812, %swap3A_813] {strides = array<i32>} : memref<4x200x64xf32, #tpu.memory_space<vmem>>, vector<1x1x16xf32>,
        %swap3A_815 = vector.shape_cast %swap3A_814 : vector<1x1x16xf32> to vector<16xf32>
        %swap3A_816 = vector.shape_cast %mul3A_809 : vector<16xf32> to vector<1x1x16xf32>
        tpu.vector_store %arg6[%swap3A_811, %swap3A_812, %swap3A_813], %swap3A_816 {strides = array<i32>} : memref<4x200x64xf32, #tpu.memory_space<vmem>>, vector<1x1x16xf32>,
        %get3A_817 = arith.constant 3 : i32
        %get3A_818 = arith.index_cast %get3A_817 : i32 to index
        %get3A_819 = arith.index_cast %add3A_784 : i32 to index
        %get3A_820 = arith.constant 32 : index
        %get3A_821 = tpu.vector_load %arg6[%get3A_818, %get3A_819, %get3A_820] {strides = array<i32>} : memref<4x200x64xf32, #tpu.memory_space<vmem>>, vector<1x1x16xf32>,
        %get3A_822 = vector.shape_cast %get3A_821 : vector<1x1x16xf32> to vector<16xf32>
        %mul3A_823 = arith.constant 8.000000e+00 : f32
        %mul3A_824 = vector.broadcast %mul3A_823 : f32 to vector<16xf32>
        %mul3A_825 = arith.mulf %get3A_822, %mul3A_824 : vector<16xf32>
        %swap3A_826 = arith.constant 3 : i32
        %swap3A_827 = arith.index_cast %swap3A_826 : i32 to index
        %swap3A_828 = arith.index_cast %add3A_784 : i32 to index
        %swap3A_829 = arith.constant 32 : index
        %swap3A_830 = tpu.vector_load %arg6[%swap3A_827, %swap3A_828, %swap3A_829] {strides = array<i32>} : memref<4x200x64xf32, #tpu.memory_space<vmem>>, vector<1x1x16xf32>,
        %swap3A_831 = vector.shape_cast %swap3A_830 : vector<1x1x16xf32> to vector<16xf32>
        %swap3A_832 = vector.shape_cast %mul3A_825 : vector<16xf32> to vector<1x1x16xf32>
        tpu.vector_store %arg6[%swap3A_827, %swap3A_828, %swap3A_829], %swap3A_832 {strides = array<i32>} : memref<4x200x64xf32, #tpu.memory_space<vmem>>, vector<1x1x16xf32>,
        %get3A_833 = arith.constant 3 : i32
        %get3A_834 = arith.index_cast %get3A_833 : i32 to index
        %get3A_835 = arith.index_cast %add3A_784 : i32 to index
        %get3A_836 = arith.constant 48 : index
        %get3A_837 = tpu.vector_load %arg6[%get3A_834, %get3A_835, %get3A_836] {strides = array<i32>} : memref<4x200x64xf32, #tpu.memory_space<vmem>>, vector<1x1x16xf32>,
        %get3A_838 = vector.shape_cast %get3A_837 : vector<1x1x16xf32> to vector<16xf32>
        %mul3A_839 = arith.constant 8.000000e+00 : f32
        %mul3A_840 = vector.broadcast %mul3A_839 : f32 to vector<16xf32>
        %mul3A_841 = arith.mulf %get3A_838, %mul3A_840 : vector<16xf32>
        %swap3A_842 = arith.constant 3 : i32
        %swap3A_843 = arith.index_cast %swap3A_842 : i32 to index
        %swap3A_844 = arith.index_cast %add3A_784 : i32 to index
        %swap3A_845 = arith.constant 48 : index
        %swap3A_846 = tpu.vector_load %arg6[%swap3A_843, %swap3A_844, %swap3A_845] {strides = array<i32>} : memref<4x200x64xf32, #tpu.memory_space<vmem>>, vector<1x1x16xf32>,
        %swap3A_847 = vector.shape_cast %swap3A_846 : vector<1x1x16xf32> to vector<16xf32>
        %swap3A_848 = vector.shape_cast %mul3A_841 : vector<16xf32> to vector<1x1x16xf32>
        tpu.vector_store %arg6[%swap3A_843, %swap3A_844, %swap3A_845], %swap3A_848 {strides = array<i32>} : memref<4x200x64xf32, #tpu.memory_space<vmem>>, vector<1x1x16xf32>,
        %scan3A_849 = arith.constant 7 : i32
        %scan3A_850 = arith.addi %scan3A_362, %scan3A_849 : i32
        %mul3A_851 = arith.constant 1 : i32
        %mul3A_852 = arith.muli %scan3A_850, %mul3A_851 : i32
        %add3A_853 = arith.constant 0 : i32
        %add3A_854 = arith.addi %add3A_853, %mul3A_852 : i32
        %get3A_855 = arith.constant 3 : i32
        %get3A_856 = arith.index_cast %get3A_855 : i32 to index
        %get3A_857 = arith.index_cast %add3A_854 : i32 to index
        %get3A_858 = arith.constant 0 : index
        %get3A_859 = tpu.vector_load %arg6[%get3A_856, %get3A_857, %get3A_858] {strides = array<i32>} : memref<4x200x64xf32, #tpu.memory_space<vmem>>, vector<1x1x16xf32>,
        %get3A_860 = vector.shape_cast %get3A_859 : vector<1x1x16xf32> to vector<16xf32>
        %mul3A_861 = arith.constant 8.000000e+00 : f32
        %mul3A_862 = vector.broadcast %mul3A_861 : f32 to vector<16xf32>
        %mul3A_863 = arith.mulf %get3A_860, %mul3A_862 : vector<16xf32>
        %swap3A_864 = arith.constant 3 : i32
        %swap3A_865 = arith.index_cast %swap3A_864 : i32 to index
        %swap3A_866 = arith.index_cast %add3A_854 : i32 to index
        %swap3A_867 = arith.constant 0 : index
        %swap3A_868 = tpu.vector_load %arg6[%swap3A_865, %swap3A_866, %swap3A_867] {strides = array<i32>} : memref<4x200x64xf32, #tpu.memory_space<vmem>>, vector<1x1x16xf32>,
        %swap3A_869 = vector.shape_cast %swap3A_868 : vector<1x1x16xf32> to vector<16xf32>
        %swap3A_870 = vector.shape_cast %mul3A_863 : vector<16xf32> to vector<1x1x16xf32>
        tpu.vector_store %arg6[%swap3A_865, %swap3A_866, %swap3A_867], %swap3A_870 {strides = array<i32>} : memref<4x200x64xf32, #tpu.memory_space<vmem>>, vector<1x1x16xf32>,
        %get3A_871 = arith.constant 3 : i32
        %get3A_872 = arith.index_cast %get3A_871 : i32 to index
        %get3A_873 = arith.index_cast %add3A_854 : i32 to index
        %get3A_874 = arith.constant 16 : index
        %get3A_875 = tpu.vector_load %arg6[%get3A_872, %get3A_873, %get3A_874] {strides = array<i32>} : memref<4x200x64xf32, #tpu.memory_space<vmem>>, vector<1x1x16xf32>,
        %get3A_876 = vector.shape_cast %get3A_875 : vector<1x1x16xf32> to vector<16xf32>
        %mul3A_877 = arith.constant 8.000000e+00 : f32
        %mul3A_878 = vector.broadcast %mul3A_877 : f32 to vector<16xf32>
        %mul3A_879 = arith.mulf %get3A_876, %mul3A_878 : vector<16xf32>
        %swap3A_880 = arith.constant 3 : i32
        %swap3A_881 = arith.index_cast %swap3A_880 : i32 to index
        %swap3A_882 = arith.index_cast %add3A_854 : i32 to index
        %swap3A_883 = arith.constant 16 : index
        %swap3A_884 = tpu.vector_load %arg6[%swap3A_881, %swap3A_882, %swap3A_883] {strides = array<i32>} : memref<4x200x64xf32, #tpu.memory_space<vmem>>, vector<1x1x16xf32>,
        %swap3A_885 = vector.shape_cast %swap3A_884 : vector<1x1x16xf32> to vector<16xf32>
        %swap3A_886 = vector.shape_cast %mul3A_879 : vector<16xf32> to vector<1x1x16xf32>
        tpu.vector_store %arg6[%swap3A_881, %swap3A_882, %swap3A_883], %swap3A_886 {strides = array<i32>} : memref<4x200x64xf32, #tpu.memory_space<vmem>>, vector<1x1x16xf32>,
        %get3A_887 = arith.constant 3 : i32
        %get3A_888 = arith.index_cast %get3A_887 : i32 to index
        %get3A_889 = arith.index_cast %add3A_854 : i32 to index
        %get3A_890 = arith.constant 32 : index
        %get3A_891 = tpu.vector_load %arg6[%get3A_888, %get3A_889, %get3A_890] {strides = array<i32>} : memref<4x200x64xf32, #tpu.memory_space<vmem>>, vector<1x1x16xf32>,
        %get3A_892 = vector.shape_cast %get3A_891 : vector<1x1x16xf32> to vector<16xf32>
        %mul3A_893 = arith.constant 8.000000e+00 : f32
        %mul3A_894 = vector.broadcast %mul3A_893 : f32 to vector<16xf32>
        %mul3A_895 = arith.mulf %get3A_892, %mul3A_894 : vector<16xf32>
        %swap3A_896 = arith.constant 3 : i32
        %swap3A_897 = arith.index_cast %swap3A_896 : i32 to index
        %swap3A_898 = arith.index_cast %add3A_854 : i32 to index
        %swap3A_899 = arith.constant 32 : index
        %swap3A_900 = tpu.vector_load %arg6[%swap3A_897, %swap3A_898, %swap3A_899] {strides = array<i32>} : memref<4x200x64xf32, #tpu.memory_space<vmem>>, vector<1x1x16xf32>,
        %swap3A_901 = vector.shape_cast %swap3A_900 : vector<1x1x16xf32> to vector<16xf32>
        %swap3A_902 = vector.shape_cast %mul3A_895 : vector<16xf32> to vector<1x1x16xf32>
        tpu.vector_store %arg6[%swap3A_897, %swap3A_898, %swap3A_899], %swap3A_902 {strides = array<i32>} : memref<4x200x64xf32, #tpu.memory_space<vmem>>, vector<1x1x16xf32>,
        %get3A_903 = arith.constant 3 : i32
        %get3A_904 = arith.index_cast %get3A_903 : i32 to index
        %get3A_905 = arith.index_cast %add3A_854 : i32 to index
        %get3A_906 = arith.constant 48 : index
        %get3A_907 = tpu.vector_load %arg6[%get3A_904, %get3A_905, %get3A_906] {strides = array<i32>} : memref<4x200x64xf32, #tpu.memory_space<vmem>>, vector<1x1x16xf32>,
        %get3A_908 = vector.shape_cast %get3A_907 : vector<1x1x16xf32> to vector<16xf32>
        %mul3A_909 = arith.constant 8.000000e+00 : f32
        %mul3A_910 = vector.broadcast %mul3A_909 : f32 to vector<16xf32>
        %mul3A_911 = arith.mulf %get3A_908, %mul3A_910 : vector<16xf32>
        %swap3A_912 = arith.constant 3 : i32
        %swap3A_913 = arith.index_cast %swap3A_912 : i32 to index
        %swap3A_914 = arith.index_cast %add3A_854 : i32 to index
        %swap3A_915 = arith.constant 48 : index
        %swap3A_916 = tpu.vector_load %arg6[%swap3A_913, %swap3A_914, %swap3A_915] {strides = array<i32>} : memref<4x200x64xf32, #tpu.memory_space<vmem>>, vector<1x1x16xf32>,
        %swap3A_917 = vector.shape_cast %swap3A_916 : vector<1x1x16xf32> to vector<16xf32>
        %swap3A_918 = vector.shape_cast %mul3A_911 : vector<16xf32> to vector<1x1x16xf32>
        tpu.vector_store %arg6[%swap3A_913, %swap3A_914, %swap3A_915], %swap3A_918 {strides = array<i32>} : memref<4x200x64xf32, #tpu.memory_space<vmem>>, vector<1x1x16xf32>,
      }
      %scan3A_336 = arith.constant 200 : i32
      %add3A_337 = arith.addi %mul3A_2, %add3A_309 : i32
      %dma_start3A_338 = arith.constant 3 : i32
      %dma_start3A_339 = arith.constant 0 : i32
      %dma_start3A_340 = arith.constant 0 : i32
      %dma_start3A_341 = tpu.memref_slice %arg6[%dma_start3A_338, %dma_start3A_339, %dma_start3A_340] : memref<4x200x64xf32, #tpu.memory_space<vmem>> -> memref<1x200x64xf32, #tpu.memory_space<vmem>>
      %dma_start3A_342 = tpu.memref_squeeze %dma_start3A_341 : memref<1x200x64xf32, #tpu.memory_space<vmem>> -> memref<200x64xf32, #tpu.memory_space<vmem>>
      %dma_start3A_343 = arith.constant 0 : i32
      %dma_start3A_344 = arith.constant 0 : i32
      %dma_start3A_345 = tpu.memref_slice %arg4[%add3A_337, %dma_start3A_343, %dma_start3A_344] : memref<1024x200x64xf32, #tpu.memory_space<hbm>> -> memref<1x200x64xf32, #tpu.memory_space<hbm>>
      %dma_start3A_346 = tpu.memref_squeeze %dma_start3A_345 : memref<1x200x64xf32, #tpu.memory_space<hbm>> -> memref<200x64xf32, #tpu.memory_space<hbm>>
      %dma_start3A_347 = arith.constant 0 : i32
      %dma_start3A_348 = arith.constant 0 : i32
      %dma_start3A_349 = tpu.memref_slice %arg4[%add3A_337, %dma_start3A_347, %dma_start3A_348] : memref<1024x200x64xf32, #tpu.memory_space<hbm>> -> memref<1x200x64xf32, #tpu.memory_space<hbm>>
      %dma_start3A_350 = tpu.memref_squeeze %dma_start3A_349 : memref<1x200x64xf32, #tpu.memory_space<hbm>> -> memref<200x64xf32, #tpu.memory_space<hbm>>
      %dma_start3A_351 = arith.constant 0 : i32
      %dma_start3A_352 = arith.constant 0 : i32
      %dma_start3A_353 = tpu.memref_slice %arg6[%dma_start3A_338, %dma_start3A_351, %dma_start3A_352] : memref<4x200x64xf32, #tpu.memory_space<vmem>> -> memref<1x200x64xf32, #tpu.memory_space<vmem>>
      %dma_start3A_354 = tpu.memref_squeeze %dma_start3A_353 : memref<1x200x64xf32, #tpu.memory_space<vmem>> -> memref<200x64xf32, #tpu.memory_space<vmem>>
      tpu.enqueue_dma source(%dma_start3A_354 : memref<200x64xf32, #tpu.memory_space<vmem>>) target(%dma_start3A_350 : memref<200x64xf32, #tpu.memory_space<hbm>>) target_semaphore(%arg14 : memref<!tpu.dma_semaphore, #tpu.memory_space<semaphore_mem>>)
      %add3A_355 = arith.constant 2 : i32
      %add3A_356 = arith.addi %add3A_309, %add3A_355 : i32
      %lt3A_357 = arith.constant 32 : i32
      %lt3A_358 = arith.cmpi slt, %add3A_356, %lt3A_357 : i32
      %convert_element_type3A_359 = arith.extui %lt3A_358 : i1 to i32
      %cond3A_360 = arith.constant 0 : i32
      %cond3A_361 = arith.cmpi ne, %convert_element_type3A_359, %cond3A_360 : i32
      scf.if %cond3A_361 {
        %ge3A = arith.constant 4 : i32
        %ge3A_362 = arith.cmpi sge, %add3A_356, %ge3A : i32
        %convert_element_type3A_363 = arith.extui %ge3A_362 : i1 to i32
        %cond3A_364 = arith.constant 0 : i32
        %cond3A_365 = arith.cmpi ne, %convert_element_type3A_363, %cond3A_364 : i32
        scf.if %cond3A_365 {
          %add3A_388 = arith.addi %mul3A_2, %add3A_356 : i32
          %sub3A_389 = arith.constant 4 : i32
          %sub3A_390 = arith.subi %add3A_388, %sub3A_389 : i32
          %dma_wait3A_391 = arith.constant 1 : i32
          %dma_wait3A_392 = arith.constant 0 : i32
          %dma_wait3A_393 = arith.constant 0 : i32
          %dma_wait3A_394 = tpu.memref_slice %arg6[%dma_wait3A_391, %dma_wait3A_392, %dma_wait3A_393] : memref<4x200x64xf32, #tpu.memory_space<vmem>> -> memref<1x200x64xf32, #tpu.memory_space<vmem>>
          %dma_wait3A_395 = tpu.memref_squeeze %dma_wait3A_394 : memref<1x200x64xf32, #tpu.memory_space<vmem>> -> memref<200x64xf32, #tpu.memory_space<vmem>>
          %dma_wait3A_396 = arith.constant 0 : i32
          %dma_wait3A_397 = arith.constant 0 : i32
          %dma_wait3A_398 = tpu.memref_slice %arg4[%sub3A_390, %dma_wait3A_396, %dma_wait3A_397] : memref<1024x200x64xf32, #tpu.memory_space<hbm>> -> memref<1x200x64xf32, #tpu.memory_space<hbm>>
          %dma_wait3A_399 = tpu.memref_squeeze %dma_wait3A_398 : memref<1x200x64xf32, #tpu.memory_space<hbm>> -> memref<200x64xf32, #tpu.memory_space<hbm>>
          %dma_wait3A_400 = arith.constant 0 : i32
          %dma_wait3A_401 = arith.constant 0 : i32
          %dma_wait3A_402 = tpu.memref_slice %arg4[%sub3A_390, %dma_wait3A_400, %dma_wait3A_401] : memref<1024x200x64xf32, #tpu.memory_space<hbm>> -> memref<1x200x64xf32, #tpu.memory_space<hbm>>
          %dma_wait3A_403 = tpu.memref_squeeze %dma_wait3A_402 : memref<1x200x64xf32, #tpu.memory_space<hbm>> -> memref<200x64xf32, #tpu.memory_space<hbm>>
          %dma_wait3A_404 = arith.constant 0 : i32
          %dma_wait3A_405 = arith.constant 0 : i32
          %dma_wait3A_406 = tpu.memref_slice %arg6[%dma_wait3A_391, %dma_wait3A_404, %dma_wait3A_405] : memref<4x200x64xf32, #tpu.memory_space<vmem>> -> memref<1x200x64xf32, #tpu.memory_space<vmem>>
          %dma_wait3A_407 = tpu.memref_squeeze %dma_wait3A_406 : memref<1x200x64xf32, #tpu.memory_space<vmem>> -> memref<200x64xf32, #tpu.memory_space<vmem>>
          tpu.wait_dma2 semaphore(%arg12 : memref<!tpu.dma_semaphore, #tpu.memory_space<semaphore_mem>>) src(%dma_wait3A_407 : memref<200x64xf32, #tpu.memory_space<vmem>>) dst(%dma_wait3A_403 : memref<200x64xf32, #tpu.memory_space<hbm>>)
        } else {
        }
        %dma_start3A_366 = arith.constant 1 : i32
        %dma_start3A_367 = arith.constant 0 : i32
        %dma_start3A_368 = arith.constant 0 : i32
        %dma_start3A_369 = tpu.memref_slice %arg6[%dma_start3A_366, %dma_start3A_367, %dma_start3A_368] : memref<4x200x64xf32, #tpu.memory_space<vmem>> -> memref<1x128x64xf32, #tpu.memory_space<vmem>>
        %dma_start3A_370 = tpu.memref_squeeze %dma_start3A_369 : memref<1x128x64xf32, #tpu.memory_space<vmem>> -> memref<128x64xf32, #tpu.memory_space<vmem>>
        %dma_start3A_371 = arith.constant 0 : i32
        %dma_start3A_372 = tpu.memref_slice %arg5[%add3A_356, %dma_start3A_371] : memref<32x200xi32, #tpu.memory_space<vmem>> -> memref<1x128xi32, #tpu.memory_space<vmem>>
        %dma_start3A_373 = tpu.memref_squeeze %dma_start3A_372 : memref<1x128xi32, #tpu.memory_space<vmem>> -> memref<128xi32, #tpu.memory_space<vmem>>
        %dma_start3A_374 = arith.constant 0 : i32
        %dma_start3A_375 = arith.constant 0 : i32
        %dma_start3A_376 = tpu.memref_slice %arg3[%dma_start3A_374, %dma_start3A_375] : memref<1000000x64xf32, #tpu.memory_space<hbm>> -> memref<1000000x64xf32, #tpu.memory_space<hbm>>
        tpu.enqueue_indirect_dma source(%dma_start3A_376 : memref<1000000x64xf32, #tpu.memory_space<hbm>>) target(%dma_start3A_370 : memref<128x64xf32, #tpu.memory_space<vmem>>) offsets(%dma_start3A_373 : memref<128xi32, #tpu.memory_space<vmem>>) semaphore(%arg8 : memref<!tpu.dma_semaphore, #tpu.memory_space<semaphore_mem>>)
        %dma_start3A_377 = arith.constant 1 : i32
        %dma_start3A_378 = arith.constant 128 : i32
        %dma_start3A_379 = arith.constant 0 : i32
        %dma_start3A_380 = tpu.memref_slice %arg6[%dma_start3A_377, %dma_start3A_378, %dma_start3A_379] : memref<4x200x64xf32, #tpu.memory_space<vmem>> -> memref<1x72x64xf32, #tpu.memory_space<vmem>>
        %dma_start3A_381 = tpu.memref_squeeze %dma_start3A_380 : memref<1x72x64xf32, #tpu.memory_space<vmem>> -> memref<72x64xf32, #tpu.memory_space<vmem>>
        %dma_start3A_382 = arith.constant 128 : i32
        %dma_start3A_383 = tpu.memref_slice %arg5[%add3A_356, %dma_start3A_382] : memref<32x200xi32, #tpu.memory_space<vmem>> -> memref<1x72xi32, #tpu.memory_space<vmem>>
        %dma_start3A_384 = tpu.memref_squeeze %dma_start3A_383 : memref<1x72xi32, #tpu.memory_space<vmem>> -> memref<72xi32, #tpu.memory_space<vmem>>
        %dma_start3A_385 = arith.constant 0 : i32
        %dma_start3A_386 = arith.constant 0 : i32
        %dma_start3A_387 = tpu.memref_slice %arg3[%dma_start3A_385, %dma_start3A_386] : memref<1000000x64xf32, #tpu.memory_space<hbm>> -> memref<1000000x64xf32, #tpu.memory_space<hbm>>
        tpu.enqueue_indirect_dma source(%dma_start3A_387 : memref<1000000x64xf32, #tpu.memory_space<hbm>>) target(%dma_start3A_381 : memref<72x64xf32, #tpu.memory_space<vmem>>) offsets(%dma_start3A_384 : memref<72xi32, #tpu.memory_space<vmem>>) semaphore(%arg8 : memref<!tpu.dma_semaphore, #tpu.memory_space<semaphore_mem>>)
      } else {
      }
    }
    %scan3A_53 = arith.constant 8 : i32
    %add3A_54 = arith.constant 32 : i32
    %add3A_55 = arith.addi %mul3A_2, %add3A_54 : i32
    %sub3A = arith.constant 4 : i32
    %sub3A_56 = arith.subi %add3A_55, %sub3A : i32
    %add3A_57 = arith.constant 0 : i32
    %add3A_58 = arith.addi %sub3A_56, %add3A_57 : i32
    %dma_wait3A = arith.constant 0 : i32
    %dma_wait3A_59 = arith.constant 0 : i32
    %dma_wait3A_60 = arith.constant 0 : i32
    %dma_wait3A_61 = tpu.memref_slice %arg6[%dma_wait3A, %dma_wait3A_59, %dma_wait3A_60] : memref<4x200x64xf32, #tpu.memory_space<vmem>> -> memref<1x200x64xf32, #tpu.memory_space<vmem>>
    %dma_wait3A_62 = tpu.memref_squeeze %dma_wait3A_61 : memref<1x200x64xf32, #tpu.memory_space<vmem>> -> memref<200x64xf32, #tpu.memory_space<vmem>>
    %dma_wait3A_63 = arith.constant 0 : i32
    %dma_wait3A_64 = arith.constant 0 : i32
    %dma_wait3A_65 = tpu.memref_slice %arg4[%add3A_58, %dma_wait3A_63, %dma_wait3A_64] : memref<1024x200x64xf32, #tpu.memory_space<hbm>> -> memref<1x200x64xf32, #tpu.memory_space<hbm>>
    %dma_wait3A_66 = tpu.memref_squeeze %dma_wait3A_65 : memref<1x200x64xf32, #tpu.memory_space<hbm>> -> memref<200x64xf32, #tpu.memory_space<hbm>>
    %dma_wait3A_67 = arith.constant 0 : i32
    %dma_wait3A_68 = arith.constant 0 : i32
    %dma_wait3A_69 = tpu.memref_slice %arg4[%add3A_58, %dma_wait3A_67, %dma_wait3A_68] : memref<1024x200x64xf32, #tpu.memory_space<hbm>> -> memref<1x200x64xf32, #tpu.memory_space<hbm>>
    %dma_wait3A_70 = tpu.memref_squeeze %dma_wait3A_69 : memref<1x200x64xf32, #tpu.memory_space<hbm>> -> memref<200x64xf32, #tpu.memory_space<hbm>>
    %dma_wait3A_71 = arith.constant 0 : i32
    %dma_wait3A_72 = arith.constant 0 : i32
    %dma_wait3A_73 = tpu.memref_slice %arg6[%dma_wait3A, %dma_wait3A_71, %dma_wait3A_72] : memref<4x200x64xf32, #tpu.memory_space<vmem>> -> memref<1x200x64xf32, #tpu.memory_space<vmem>>
    %dma_wait3A_74 = tpu.memref_squeeze %dma_wait3A_73 : memref<1x200x64xf32, #tpu.memory_space<vmem>> -> memref<200x64xf32, #tpu.memory_space<vmem>>
    tpu.wait_dma2 semaphore(%arg11 : memref<!tpu.dma_semaphore, #tpu.memory_space<semaphore_mem>>) src(%dma_wait3A_74 : memref<200x64xf32, #tpu.memory_space<vmem>>) dst(%dma_wait3A_70 : memref<200x64xf32, #tpu.memory_space<hbm>>)
    %add3A_75 = arith.constant 32 : i32
    %add3A_76 = arith.addi %mul3A_2, %add3A_75 : i32
    %sub3A_77 = arith.constant 4 : i32
    %sub3A_78 = arith.subi %add3A_76, %sub3A_77 : i32
    %add3A_79 = arith.constant 1 : i32
    %add3A_80 = arith.addi %sub3A_78, %add3A_79 : i32
    %dma_wait3A_81 = arith.constant 1 : i32
    %dma_wait3A_82 = arith.constant 0 : i32
    %dma_wait3A_83 = arith.constant 0 : i32
    %dma_wait3A_84 = tpu.memref_slice %arg6[%dma_wait3A_81, %dma_wait3A_82, %dma_wait3A_83] : memref<4x200x64xf32, #tpu.memory_space<vmem>> -> memref<1x200x64xf32, #tpu.memory_space<vmem>>
    %dma_wait3A_85 = tpu.memref_squeeze %dma_wait3A_84 : memref<1x200x64xf32, #tpu.memory_space<vmem>> -> memref<200x64xf32, #tpu.memory_space<vmem>>
    %dma_wait3A_86 = arith.constant 0 : i32
    %dma_wait3A_87 = arith.constant 0 : i32
    %dma_wait3A_88 = tpu.memref_slice %arg4[%add3A_80, %dma_wait3A_86, %dma_wait3A_87] : memref<1024x200x64xf32, #tpu.memory_space<hbm>> -> memref<1x200x64xf32, #tpu.memory_space<hbm>>
    %dma_wait3A_89 = tpu.memref_squeeze %dma_wait3A_88 : memref<1x200x64xf32, #tpu.memory_space<hbm>> -> memref<200x64xf32, #tpu.memory_space<hbm>>
    %dma_wait3A_90 = arith.constant 0 : i32
    %dma_wait3A_91 = arith.constant 0 : i32
    %dma_wait3A_92 = tpu.memref_slice %arg4[%add3A_80, %dma_wait3A_90, %dma_wait3A_91] : memref<1024x200x64xf32, #tpu.memory_space<hbm>> -> memref<1x200x64xf32, #tpu.memory_space<hbm>>
    %dma_wait3A_93 = tpu.memref_squeeze %dma_wait3A_92 : memref<1x200x64xf32, #tpu.memory_space<hbm>> -> memref<200x64xf32, #tpu.memory_space<hbm>>
    %dma_wait3A_94 = arith.constant 0 : i32
    %dma_wait3A_95 = arith.constant 0 : i32
    %dma_wait3A_96 = tpu.memref_slice %arg6[%dma_wait3A_81, %dma_wait3A_94, %dma_wait3A_95] : memref<4x200x64xf32, #tpu.memory_space<vmem>> -> memref<1x200x64xf32, #tpu.memory_space<vmem>>
    %dma_wait3A_97 = tpu.memref_squeeze %dma_wait3A_96 : memref<1x200x64xf32, #tpu.memory_space<vmem>> -> memref<200x64xf32, #tpu.memory_space<vmem>>
    tpu.wait_dma2 semaphore(%arg12 : memref<!tpu.dma_semaphore, #tpu.memory_space<semaphore_mem>>) src(%dma_wait3A_97 : memref<200x64xf32, #tpu.memory_space<vmem>>) dst(%dma_wait3A_93 : memref<200x64xf32, #tpu.memory_space<hbm>>)
    %add3A_98 = arith.constant 32 : i32
    %add3A_99 = arith.addi %mul3A_2, %add3A_98 : i32
    %sub3A_100 = arith.constant 4 : i32
    %sub3A_101 = arith.subi %add3A_99, %sub3A_100 : i32
    %add3A_102 = arith.constant 2 : i32
    %add3A_103 = arith.addi %sub3A_101, %add3A_102 : i32
    %dma_wait3A_104 = arith.constant 2 : i32
    %dma_wait3A_105 = arith.constant 0 : i32
    %dma_wait3A_106 = arith.constant 0 : i32
    %dma_wait3A_107 = tpu.memref_slice %arg6[%dma_wait3A_104, %dma_wait3A_105, %dma_wait3A_106] : memref<4x200x64xf32, #tpu.memory_space<vmem>> -> memref<1x200x64xf32, #tpu.memory_space<vmem>>
    %dma_wait3A_108 = tpu.memref_squeeze %dma_wait3A_107 : memref<1x200x64xf32, #tpu.memory_space<vmem>> -> memref<200x64xf32, #tpu.memory_space<vmem>>
    %dma_wait3A_109 = arith.constant 0 : i32
    %dma_wait3A_110 = arith.constant 0 : i32
    %dma_wait3A_111 = tpu.memref_slice %arg4[%add3A_103, %dma_wait3A_109, %dma_wait3A_110] : memref<1024x200x64xf32, #tpu.memory_space<hbm>> -> memref<1x200x64xf32, #tpu.memory_space<hbm>>
    %dma_wait3A_112 = tpu.memref_squeeze %dma_wait3A_111 : memref<1x200x64xf32, #tpu.memory_space<hbm>> -> memref<200x64xf32, #tpu.memory_space<hbm>>
    %dma_wait3A_113 = arith.constant 0 : i32
    %dma_wait3A_114 = arith.constant 0 : i32
    %dma_wait3A_115 = tpu.memref_slice %arg4[%add3A_103, %dma_wait3A_113, %dma_wait3A_114] : memref<1024x200x64xf32, #tpu.memory_space<hbm>> -> memref<1x200x64xf32, #tpu.memory_space<hbm>>
    %dma_wait3A_116 = tpu.memref_squeeze %dma_wait3A_115 : memref<1x200x64xf32, #tpu.memory_space<hbm>> -> memref<200x64xf32, #tpu.memory_space<hbm>>
    %dma_wait3A_117 = arith.constant 0 : i32
    %dma_wait3A_118 = arith.constant 0 : i32
    %dma_wait3A_119 = tpu.memref_slice %arg6[%dma_wait3A_104, %dma_wait3A_117, %dma_wait3A_118] : memref<4x200x64xf32, #tpu.memory_space<vmem>> -> memref<1x200x64xf32, #tpu.memory_space<vmem>>
    %dma_wait3A_120 = tpu.memref_squeeze %dma_wait3A_119 : memref<1x200x64xf32, #tpu.memory_space<vmem>> -> memref<200x64xf32, #tpu.memory_space<vmem>>
    tpu.wait_dma2 semaphore(%arg13 : memref<!tpu.dma_semaphore, #tpu.memory_space<semaphore_mem>>) src(%dma_wait3A_120 : memref<200x64xf32, #tpu.memory_space<vmem>>) dst(%dma_wait3A_116 : memref<200x64xf32, #tpu.memory_space<hbm>>)
    %add3A_121 = arith.constant 32 : i32
    %add3A_122 = arith.addi %mul3A_2, %add3A_121 : i32
    %sub3A_123 = arith.constant 4 : i32
    %sub3A_124 = arith.subi %add3A_122, %sub3A_123 : i32
    %add3A_125 = arith.constant 3 : i32
    %add3A_126 = arith.addi %sub3A_124, %add3A_125 : i32
    %dma_wait3A_127 = arith.constant 3 : i32
    %dma_wait3A_128 = arith.constant 0 : i32
    %dma_wait3A_129 = arith.constant 0 : i32
    %dma_wait3A_130 = tpu.memref_slice %arg6[%dma_wait3A_127, %dma_wait3A_128, %dma_wait3A_129] : memref<4x200x64xf32, #tpu.memory_space<vmem>> -> memref<1x200x64xf32, #tpu.memory_space<vmem>>
    %dma_wait3A_131 = tpu.memref_squeeze %dma_wait3A_130 : memref<1x200x64xf32, #tpu.memory_space<vmem>> -> memref<200x64xf32, #tpu.memory_space<vmem>>
    %dma_wait3A_132 = arith.constant 0 : i32
    %dma_wait3A_133 = arith.constant 0 : i32
    %dma_wait3A_134 = tpu.memref_slice %arg4[%add3A_126, %dma_wait3A_132, %dma_wait3A_133] : memref<1024x200x64xf32, #tpu.memory_space<hbm>> -> memref<1x200x64xf32, #tpu.memory_space<hbm>>
    %dma_wait3A_135 = tpu.memref_squeeze %dma_wait3A_134 : memref<1x200x64xf32, #tpu.memory_space<hbm>> -> memref<200x64xf32, #tpu.memory_space<hbm>>
    %dma_wait3A_136 = arith.constant 0 : i32
    %dma_wait3A_137 = arith.constant 0 : i32
    %dma_wait3A_138 = tpu.memref_slice %arg4[%add3A_126, %dma_wait3A_136, %dma_wait3A_137] : memref<1024x200x64xf32, #tpu.memory_space<hbm>> -> memref<1x200x64xf32, #tpu.memory_space<hbm>>
    %dma_wait3A_139 = tpu.memref_squeeze %dma_wait3A_138 : memref<1x200x64xf32, #tpu.memory_space<hbm>> -> memref<200x64xf32, #tpu.memory_space<hbm>>
    %dma_wait3A_140 = arith.constant 0 : i32
    %dma_wait3A_141 = arith.constant 0 : i32
    %dma_wait3A_142 = tpu.memref_slice %arg6[%dma_wait3A_127, %dma_wait3A_140, %dma_wait3A_141] : memref<4x200x64xf32, #tpu.memory_space<vmem>> -> memref<1x200x64xf32, #tpu.memory_space<vmem>>
    %dma_wait3A_143 = tpu.memref_squeeze %dma_wait3A_142 : memref<1x200x64xf32, #tpu.memory_space<vmem>> -> memref<200x64xf32, #tpu.memory_space<vmem>>
    tpu.wait_dma2 semaphore(%arg14 : memref<!tpu.dma_semaphore, #tpu.memory_space<semaphore_mem>>) src(%dma_wait3A_143 : memref<200x64xf32, #tpu.memory_space<vmem>>) dst(%dma_wait3A_139 : memref<200x64xf32, #tpu.memory_space<hbm>>)
    return
  }
}

</mosaic_0001>

<sc_bundles>
// kernel: kernel.3.cloned.1.call-start
scs
__scs_entry_jumppad:
0x0: {  	(pc) =	sbr.rel $0x88, $3  }
0x1: {  	(tag) =	ssettag $0x0;
	lr =	simm.s32 $0x1  }
0x2: {  	[smem:$0x3F9F] =	sst lr;
	_ =	strace $0xD0000000  }
0x3: {  	_ = 	snop  }
0x4: {  	_ = 	snop  }
0x5: {  	_ = 	snop  }
0x6: {  	_ = 	snop  }
0x7: {  	_ = 	snop  }
__scs_overlays_trampoline_lowered:
0x8: {  	[smem:$0x3FAE] =	sst s0  }
0x9: {  	[smem:$0x3FAF] =	sst s1  }
0xa: {  	[smem:$0x3FB0] =	sst s2  }
0xb: {  	[smem:$0x3FB1] =	sst s3  }
0xc: {  	[smem:$0x3FB2] =	sst s4  }
0xd: {  	[smem:$0x3FB3] =	sst s5  }
0xe: {  	[smem:$0x3FB4] =	sst s6  }
0xf: {  	[smem:$0x3FB5] =	sst s7  }
0x10: {  	[smem:$0x3FB6] =	sst s8  }
0x11: {  	[smem:$0x3FB7] =	sst s9;
	s0 =	simm.s32 @!p0 $0x0  }
0x12: {  	s1 =	sld [smem:$0x3F9D];
	s0 =	simm.s32 @p0 $0x1  }
0x13: {  	[smem:$0x3FB8] =	sst s0;
	s0 =	simm.s32 @!p1 $0x0  }
0x14: {  	s2 =	sld [smem:$0x3F9C];
	s0 =	simm.s32 @p1 $0x1  }
0x15: {  	[smem:$0x3FB9] =	sst s0;
	s0 =	simm.s32 @!p2 $0x0  }
0x16: {  	s3 =	sld [smem:$0x3FDB];
	s0 =	simm.s32 @p2 $0x1  }
0x17: {  	s4 =	simm.s32 $0x1BF5;
	[smem:$0x3FBB] =	sst s0  }
0x18: {  	s0 =	sld [smem:$0x3F9E];
	_ =	swait.ge [sflag:s4], $0x0  }
0x19: {  	s7 =	sld [smem:$0x3F9F]  }
0x1a: {  	s8 =	sadd.s32 $0xFFFFE003, lr  }
0x1b: {  	s9 =	sadd.s32 $0xFFFFFEF7, lr;
	s5 =	simm.s32 $0xFFFFFFFF;
	p2 =	slt.u32 s8, $0xFFFFF086  }
0x1c: {  	p1 =	slt.u32 s9, $0xF7A;
	s5 =	simm.s32 @!p2 $0x0  }
0x1d: {  	s5 =	simm.s32 @p1 $0x1;
	p0 =	seq.s32 s7, s2  }
0x1e: {  	s7 =	smul.u32 @!p0 $0xF7A, s2;
	p2 =	seq.s32 @!p0 s5, $0x0  }
0x1f: {  	s9 =	smul.u32 $0xF7A, s1;
	s8 =	simm.s32 @!p0 $0x1BF5;
	p2 =	por !p2, p0  }
0x20: {  	[sflag:s8] =	ssyncset.s32 @!p0 $0xFFFFF086;
	s6 =	sadd.s32 @!p0 s3, s7;
	s7 =	simm.s32 @!p0 $0x108  }
0x21: {  	s3 =	sadd.s32 s3, s9;
	s6 =	sadd.s32 @!p0 $0x88, s6;
	s7 =	simm.s32 @p2 $0x1082  }
0x22: {  	[simem:s7], [sflag:s8] =	dma.local @!p0 [hbm:s6], $0xF7A  }
0x23: {  	s9 =	sor.u32 $0xD0000000, s2;
	s6 =	simm.s32 $0x108;
	_ =	swait.ge @!p0 [sflag:s8], $0x0  }
0x24: {  	s3 =	sadd.s32 $0x88, s3;
	s6 =	simm.s32 @!p1 $0x1082;
	[sflag:s4] =	ssyncset.s32 $0xFFFFF086  }
0x25: {  	[simem:s6], [sflag:s4] =	dma.local [hbm:s3], $0xF7A  }
0x26: {  	[smem:$0x3F9F] =	sst s1;
	(tag) =	ssettag s2;
	_ =	strace s9  }
0x27: {  	s1 =	sld [smem:$0x3FAF]  }
0x28: {  	s2 =	sld [smem:$0x3FB0]  }
0x29: {  	s4 =	sld [smem:$0x3FB2]  }
0x2a: {  	p0 =	seq.s32 s5, $0x0;
	s5 =	sld [smem:$0x3FB3]  }
0x2b: {  	s6 =	sld [smem:$0x3FB4]  }
0x2c: {  	s7 =	sld [smem:$0x3FB5]  }
0x2d: {  	s3 =	simm.s32 $0x108;
	s8 =	sld [smem:$0x3FB6]  }
0x2e: {  	s3 =	simm.s32 @!p0 $0x1082;
	s9 =	sld [smem:$0x3FB7]  }
0x2f: {  	lr =	sadd.s32 s0, s3;
	s0 =	sld [smem:$0x3FAE]  }
0x30: {  	s3 =	sld [smem:$0x3FB1]  }
0x31: {  	[smem:$0x3FBA] =	sst s10  }
0x32: {  	s10 =	sld [smem:$0x3FB8];
	_ =	sdelay $0x3  }
0x33: {  	p0 =	seq.s32 s10, $0x1;
	s10 =	sld [smem:$0x3FBA];
	_ =	sdelay $0x3  }
0x34: {  	[smem:$0x3FBA] =	sst s10  }
0x35: {  	s10 =	sld [smem:$0x3FB9];
	_ =	sdelay $0x3  }
0x36: {  	p1 =	seq.s32 s10, $0x1;
	s10 =	sld [smem:$0x3FBA];
	_ =	sdelay $0x3  }
0x37: {  	[smem:$0x3FBA] =	sst s10  }
0x38: {  	s10 =	sld [smem:$0x3FBB]  }
0x39: {  	_ = 	snop;
	(pc) =	sbr.ind lr, $3  }
0x3a: {  	_ = 	snop  }
0x3b: {  	_ = 	snop  }
0x3c: {  	p2 =	seq.s32 s10, $0x1;
	s10 =	sld [smem:$0x3FBA]  }
0x3d: {  	_ =	shalt  }
0x3e: {  	_ =	shalt  }
0x3f: {  	_ =	shalt  }
0x40: {  	_ =	shalt  }
0x41: {  	_ =	shalt  }
0x42: {  	_ =	shalt  }
0x43: {  	_ =	shalt  }
0x44: {  	_ =	shalt  }
0x45: {  	_ =	shalt  }
0x46: {  	_ =	shalt  }
0x47: {  	_ =	shalt  }
0x48: {  	_ =	shalt  }
0x49: {  	_ =	shalt  }
0x4a: {  	_ =	shalt  }
0x4b: {  	_ =	shalt  }
0x4c: {  	_ =	shalt  }
0x4d: {  	_ =	shalt  }
0x4e: {  	_ =	shalt  }
0x4f: {  	_ =	shalt  }
0x50: {  	_ =	shalt  }
0x51: {  	_ =	shalt  }
0x52: {  	_ =	shalt  }
0x53: {  	_ =	shalt  }
0x54: {  	_ =	shalt  }
0x55: {  	_ =	shalt  }
0x56: {  	_ =	shalt  }
0x57: {  	_ =	shalt  }
0x58: {  	_ =	shalt  }
0x59: {  	_ =	shalt  }
0x5a: {  	_ =	shalt  }
0x5b: {  	_ =	shalt  }
0x5c: {  	_ =	shalt  }
0x5d: {  	_ =	shalt  }
0x5e: {  	_ =	shalt  }
0x5f: {  	_ =	shalt  }
0x60: {  	_ =	shalt  }
0x61: {  	_ =	shalt  }
0x62: {  	_ =	shalt  }
0x63: {  	_ =	shalt  }
0x64: {  	_ =	shalt  }
0x65: {  	_ =	shalt  }
0x66: {  	_ =	shalt  }
0x67: {  	_ =	shalt  }
0x68: {  	_ =	shalt  }
0x69: {  	_ =	shalt  }
0x6a: {  	_ =	shalt  }
0x6b: {  	_ =	shalt  }
0x6c: {  	_ =	shalt  }
0x6d: {  	_ =	shalt  }
0x6e: {  	_ =	shalt  }
0x6f: {  	_ =	shalt  }
0x70: {  	_ =	shalt  }
0x71: {  	_ =	shalt  }
0x72: {  	_ =	shalt  }
0x73: {  	_ =	shalt  }
0x74: {  	_ =	shalt  }
0x75: {  	_ =	shalt  }
0x76: {  	_ =	shalt  }
0x77: {  	_ =	shalt  }
0x78: {  	_ =	shalt  }
0x79: {  	_ =	shalt  }
0x7a: {  	_ =	shalt  }
0x7b: {  	_ =	shalt  }
0x7c: {  	_ =	shalt  }
0x7d: {  	_ =	shalt  }
0x7e: {  	_ =	shalt  }
0x7f: {  	_ =	shalt  }
0x80: {  	_ =	shalt  }
0x81: {  	_ =	shalt  }
0x82: {  	_ =	shalt  }
0x83: {  	_ =	shalt  }
0x84: {  	_ =	shalt  }
0x85: {  	_ =	shalt  }
0x86: {  	_ =	shalt  }
0x87: {  	_ =	shalt  }
.Lfunc_end0:
.L_simem_size_0:
called_computation.1_lowered:
.L_overlay_start_0:
0x88: {  	s2 =	sld [smem:$0x3FD9]  }
0x89: {  	s3 =	sld [smem:$0x3FFE];
	_ =	sdelay $0x1  }
0x8a: {  	s1 =	srdreg.scid  }
0x8b: {  	s0 =	sand.u32 $0x1, s1  }
0x8c: {  	s17 =	sshll.u32 s0, $0xA;
	s2 =	sadd.s32 s3, s2  }
0x8d: {  	s2 =	sadd.s32 s2, s17  }
0x8e: {  	[smem:$0x3FC6] =	sst s2  }
0x8f: {  	_ = 	snop  }
0x90: {  	s2 =	sld [smem:$0x3FD0];
	(tm) =	ssettm $0x1  }
0x91: {  	s18 =	sld [smem:$0x3FFB];
	_ =	sdelay $0x3  }
0x92: {  	_ =	strace s18  }
0x93: {  	s3 =	sld [smem:$0x3FFC];
	_ =	sdelay $0x3  }
0x94: {  	_ =	strace s3  }
0x95: {  	s3 =	sld [smem:$0x3FFD];
	_ =	sdelay $0x3  }
0x96: {  	_ =	strace s3  }
0x97: {  	_ =	strace $0x8FFFFFFF  }
0x98: {  	s19 =	sld [smem:$0x3FDB];
	_ =	sdelay $0x1  }
0x99: {  	s4 =	simm.s32 $_scs_section_size  }
0x9a: {  	s5 =	simm.s32 $_size__tile_overlayer_lowered;
	s6 =	simm.s32 $_tile_overlayer_lowered  }
0x9b: {  	s22 =	simm.s32 $0x1BFF;
	s21 =	sshll.u32 s6, $0x1;
	s3 =	sadd.s32 s4, s19  }
0x9c: {  	s7 =	simm.s32 $0x0;
	s20 =	sshll.u32 s5, $0x1;
	s5 =	sadd.s32 s21, s3  }
0x9d: {  	[timem:s7], [sflag:s22] =	dma.local [hbm:s5], s20  }
0x9e: {  	_ =	swait.ge [sflag:s22], s20  }
0x9f: {  	s4 =	ssub.s32 $0x0, s20;
	[sflag:s22] =	ssyncset.done $0x0  }
0xa0: {  	[sflag:s22] =	ssyncadd.s32 s4;
	_ =	sdelay $0x1  }
0xa1: {  	s23 =	simm.s32 $0x1B8B  }
0xa2: {  	_ =	swait.ge [sflag:s23], $0x1  }
0xa3: {  	[sflag:s23] =	ssyncset.done $0x0  }
0xa4: {  	s25 =	simm.s32 $0x1B8E;
	s24 =	sld [smem:$0x3FFE];
	[sflag:s23] =	ssyncadd.s32 $0xFFFFFFFF  }
0xa5: {  	s26 =	simm.s32 $execute0_lowered;
	[smem:$0x3FD2] =	sst s25  }
0xa6: {  	s5 =	sshll.u32 s26, $0x1;
	_ =	strace $0x80000046;
	[dreg:$0x1] =	wrdreg $0xFFFFFFFF  }
0xa7: {  	s28 =	simm.s32 $_size_execute0_lowered;
	s3 =	sadd.s32 s3, s5;
	[dreg:$0x0] =	wrdreg $0x0  }
0xa8: {  	s5 =	sshll.u32 s28, $0x1;
	[dreg:$0x2] =	wrdreg s3  }
0xa9: {  	[dreg:$0x3] =	wrdreg s5  }
0xaa: {  	[dreg:$0x4] =	wrdreg $0xC0  }
0xab: {  	_ =	task [dreg:s7], $0x5FFFF  }
0xac: {  	[dreg:$0x1] =	wrdreg $0xFFFFFFFF  }
0xad: {  	[dreg:$0x0] =	wrdreg $0x60  }
0xae: {  	[dreg:$0x2] =	wrdreg s24  }
0xaf: {  	[dreg:$0x3] =	wrdreg s2  }
0xb0: {  	[dreg:$0x4] =	wrdreg $0x9  }
0xb1: {  	_ =	task.clear_ibuf [dreg:s7], $0x5FFFF;
	_ =	strace $0x90000046  }
0xb2: {  	s29 =	simm.s32 $0x9;
	_ =	strace $0x80000048  }
0xb3: {  	_ =	swait.ge [sflag:s29], $0x1  }
0xb4: {  	[sflag:s29] =	ssyncadd.s32 $0xFFFFFFFF  }
0xb5: {  	_ =	strace $0x90000048  }
0xb6: {  	_ =	sfence  }
0xb7: {  	s30 =	sld [smem:$0x0];
	_ =	sdelay $0x2  }
0xb8: {  	s31 =	sshll.u32 s1, $0xD;
	s1 =	sshrl.u32 s1, $0x2  }
0xb9: {  	s3 =	sand.u32 $0x4000, s31;
	s1 =	sadd.s32 s1, s30  }
0xba: {  	s0 =	sor.u32 s3, s0;
	s1 =	sshll.u32 s1, $0x11  }
0xbb: {  	s0 =	sor.u32 s1, s0  }
0xbc: {  	s0 =	sadd.s32 $0x8F2B, s0  }
0xbd: {  	[sflag:s0] =	ssyncadd.remote.s32 $0x1  }
0xbe: {  	_ =	sfence.sel $0xFFFF  }
0xbf: {  	[dreg:$0x0] =	wrdreg $0xFFFFFFFF;
	(pc) =	sbr.abs _section_cstart, $3  }
0xc0: {  	[dreg:$0x1] =	wrdreg $0xFFFFFFFF  }
0xc1: {  	_ =	task.clear_ibuf [dreg:s7], $0x2FFFF;
	_ =	strace $0x9FFFFFFF  }
0xc2: {  	(tm) =	ssettm $0x7FFFFFFF  }
0xc3: {  	_ =	shalt  }
tec
execute0_lowered:
.L_overlay_start_1:
0x0: {  	(tag) =	ssettag $0x1  }
0x1: {  	s0 =	srdreg.scid  }
0x2: {  	s1 =	rddreg [dreg:$0x0];
	s3 =	stileid.u32  }
0x3: {  	s2 =	rddreg [dreg:$0x1];
	s8 =	simm.s32 $0x9;
	s9 =	simm.s32 $0x80  }
0x4: {  	s10 =	simm.s32 $0x1900;
	s11 =	simm.s32 $0x48;
	s14 =	simm.s32 $0x4B00  }
0x5: {  	s16 =	simm.s32 $0x6B00;
	s17 =	simm.s32 $0x1;
	s18 =	simm.s32 $0x7D00  }
0x6: {  	s19 =	simm.s32 $0x9D00;
	s20 =	simm.s32 $0x2;
	s21 =	simm.s32 $0xAF00  }
0x7: {  	s22 =	simm.s32 $0xCF00;
	s23 =	simm.s32 $0x3;
	s24 =	simm.s32 $0x4  }
0x8: {  	s25 =	simm.s32 $0x5;
	s26 =	simm.s32 $0x6;
	s0 =	sand.u32 $0x1, s0  }
0x9: {  	s28 =	simm.s32 $0x7;
	s4 =	sshll.u32 s3, $0x6;
	s5 =	sshll.u32 s0, $0x5  }
.Ltmp0:
0xa: {  	s29 =	simm.s32 $0x8;
	s4 =	sor.u32 s5, s4;
	(pc) =	sbr.rel .LBB2_1-.Ltmp0, $4  }
0xb: {  	s3 =	simm.s32 $0x0;
	s0 =	ssub.s32 $0x2, s0;
	s5 =	smul.u32 $0x19, s4  }
0xc: {  	s30 =	simm.s32 $0x0;
	[smem:$0x7FF] =	sst s3;
	s6 =	sshrl.u32 s0, $0x1  }
0xd: {  	_ =	strace $0x80000047;
	s0 =	ssub.s32 s0, s6;
	s7 =	sadd.s32 s5, s1  }
0xe: {  	s5 =	sadd.s32 $0xF42E00, s1;
	s6 =	sadd.s32 $0xA00, s7;
	s7 =	smax.u32 s0, $0x1  }
.LBB2_12:
0xf: {  	_ =	swait.ge [sflag:s25], $0x3200  }
0x10: {  	[sflag:s25] =	ssyncset.done $0x0  }
0x11: {  	[sflag:s25] =	ssyncadd.s32 $0xFFFFCE00  }
0x12: {  	_ =	swait.ge [sflag:s26], $0x3200  }
0x13: {  	[sflag:s26] =	ssyncset.done $0x0  }
0x14: {  	s30 =	sadd.s32 $0x1, s30;
	[sflag:s26] =	ssyncadd.s32 $0xFFFFCE00  }
0x15: {  	p0 =	sne.s32 s30, s7;
	_ =	swait.ge [sflag:s28], $0x3200  }
.Ltmp1:
0x16: {  	[sflag:s28] =	ssyncset.done $0x0;
	(pc) =	sbr.rel @!p0 .LBB2_13-.Ltmp1, $4  }
0x17: {  	[sflag:s28] =	ssyncadd.s32 $0xFFFFCE00  }
0x18: {  	_ =	swait.ge [sflag:s29], $0x3200  }
0x19: {  	[sflag:s29] =	ssyncset.done $0x0  }
0x1a: {  	[sflag:s29] =	ssyncadd.s32 $0xFFFFCE00  }
.LBB2_1:
0x1b: {  	[tilespmem:s3], [sflag:$0x9] =	stream.linear.gather [hbm4b:s6+s3], $0x1900, $0x38;
	[tilespmem:$0xE100] =	vst v63  }
0x1c: {  	_ =	swait.ge [sflag:s8], $0x1900  }
0x1d: {  	[sflag:s8] =	ssyncset.done $0x0  }
0x1e: {  	[sflag:s8] =	ssyncadd.s32 $0xFFFFE700  }
0x1f: {  	[tilespmem:s10], [sflag:$0x1] =	stream.indirect.gather [hbm4b:s5+s9], $0x40, s3, s9, $0xb8;
	[tilespmem:$0xE100] =	vst v63  }
0x20: {  	s0 =	simm.s32 $0x3900  }
0x21: {  	[tilespmem:s0], [sflag:$0x1] =	stream.indirect.gather [hbm4b:s5+s11], $0x40, s9, s11, $0xb8;
	[tilespmem:$0xE100] =	vst v63  }
0x22: {  	s13 =	simm.s32 $0xC8  }
0x23: {  	[tilespmem:s14], [sflag:$0x2] =	stream.indirect.gather [hbm4b:s5+s9], $0x40, s13, s9, $0xb8;
	[tilespmem:$0xE100] =	vst v63  }
0x24: {  	s15 =	simm.s32 $0x148;
	s31 =	simm.s32 $0x0  }
0x25: {  	[tilespmem:s16], [sflag:$0x2] =	stream.indirect.gather [hbm4b:s5+s11], $0x40, s15, s11, $0xb8;
	[tilespmem:$0xE100] =	vst v63  }
.LBB2_2:
0x26: {  	_ =	swait.ge [sflag:s17], $0x2000  }
0x27: {  	[sflag:s17] =	ssyncset.done $0x0  }
0x28: {  	[sflag:s17] =	ssyncadd.s32 $0xFFFFE000  }
0x29: {  	_ =	swait.ge [sflag:s17], $0x1200  }
0x2a: {  	[sflag:s17] =	ssyncset.done $0x0  }
0x2b: {  	s0 =	simm.s32 $0x1A00;
	[sflag:s17] =	ssyncadd.s32 $0xFFFFEE00  }
0x2c: {  	v0 =	vld [tilespmem:s0+$0xFFFFFF00]  }
0x2d: {  	v1 =	vld [tilespmem:s0+$0xFFFFFF10]  }
0x2e: {  	v2 =	vld [tilespmem:s0+$0xFFFFFF20]  }
0x2f: {  	v3 =	vld [tilespmem:s0+$0xFFFFFF30]  }
0x30: {  	v4 =	vld [tilespmem:s0+$0xFFFFFF40]  }
0x31: {  	v5 =	vld [tilespmem:s0+$0xFFFFFF50];
	v0 =	vmul.f32 $8.000000000e+00, v0  }
0x32: {  	v6 =	vld [tilespmem:s0+$0xFFFFFF60];
	v1 =	vmul.f32 $8.000000000e+00, v1  }
0x33: {  	[tilespmem:s0+$0xFFFFFF00] =	vst v0;
	v0 =	vmul.f32 $8.000000000e+00, v2;
	v2 =	vld [tilespmem:s0+$0xFFFFFF70]  }
0x34: {  	[tilespmem:s0+$0xFFFFFF10] =	vst v1;
	v1 =	vmul.f32 $8.000000000e+00, v3;
	v3 =	vld [tilespmem:s0+$0xFFFFFF80]  }
0x35: {  	[tilespmem:s0+$0xFFFFFF20] =	vst v0;
	v0 =	vmul.f32 $8.000000000e+00, v4;
	v4 =	vld [tilespmem:s0+$0xFFFFFF90]  }
0x36: {  	[tilespmem:s0+$0xFFFFFF30] =	vst v1;
	v1 =	vmul.f32 $8.000000000e+00, v5;
	v5 =	vld [tilespmem:s0+$0xFFFFFFA0]  }
0x37: {  	[tilespmem:s0+$0xFFFFFF40] =	vst v0;
	v0 =	vmul.f32 $8.000000000e+00, v6;
	v6 =	vld [tilespmem:s0+$0xFFFFFFB0]  }
0x38: {  	[tilespmem:s0+$0xFFFFFF50] =	vst v1;
	v1 =	vmul.f32 $8.000000000e+00, v2;
	v2 =	vld [tilespmem:s0+$0xFFFFFFC0]  }
0x39: {  	[tilespmem:s0+$0xFFFFFF60] =	vst v0;
	v0 =	vmul.f32 $8.000000000e+00, v3;
	v3 =	vld [tilespmem:s0+$0xFFFFFFD0]  }
0x3a: {  	[tilespmem:s0+$0xFFFFFF70] =	vst v1;
	v1 =	vmul.f32 $8.000000000e+00, v4;
	v4 =	vld [tilespmem:s0+$0xFFFFFFE0]  }
0x3b: {  	[tilespmem:s0+$0xFFFFFF80] =	vst v0;
	v0 =	vmul.f32 $8.000000000e+00, v5;
	v5 =	vld [tilespmem:s0+$0x0]  }
0x3c: {  	[tilespmem:s0+$0xFFFFFF90] =	vst v1;
	v1 =	vmul.f32 $8.000000000e+00, v6;
	v6 =	vld [tilespmem:s0+$0x10]  }
0x3d: {  	[tilespmem:s0+$0xFFFFFFA0] =	vst v0;
	v0 =	vmul.f32 $8.000000000e+00, v2;
	v2 =	vld [tilespmem:s0+$0x20]  }
0x3e: {  	[tilespmem:s0+$0xFFFFFFB0] =	vst v1;
	v1 =	vmul.f32 $8.000000000e+00, v3;
	v3 =	vld [tilespmem:s0+$0x30]  }
0x3f: {  	[tilespmem:s0+$0xFFFFFFC0] =	vst v0;
	v0 =	vmul.f32 $8.000000000e+00, v4;
	v4 =	vld [tilespmem:s0+$0x40]  }
0x40: {  	[tilespmem:s0+$0xFFFFFFD0] =	vst v1;
	v1 =	vmul.f32 $8.000000000e+00, v5;
	v5 =	vld [tilespmem:s0+$0x50]  }
0x41: {  	[tilespmem:s0+$0xFFFFFFE0] =	vst v0;
	v0 =	vmul.f32 $8.000000000e+00, v6;
	v6 =	vld [tilespmem:s0+$0x60]  }
0x42: {  	[tilespmem:s0+$0x0] =	vst v1;
	v1 =	vmul.f32 $8.000000000e+00, v2;
	v2 =	vld [tilespmem:s0+$0x70]  }
0x43: {  	[tilespmem:s0+$0x10] =	vst v0;
	v0 =	vmul.f32 $8.000000000e+00, v3;
	v3 =	vld [tilespmem:s0+$0x80]  }
0x44: {  	[tilespmem:s0+$0x20] =	vst v1;
	v1 =	vmul.f32 $8.000000000e+00, v4;
	v4 =	vld [tilespmem:s0+$0x90]  }
0x45: {  	[tilespmem:s0+$0x30] =	vst v0;
	v0 =	vmul.f32 $8.000000000e+00, v5;
	v5 =	vld [tilespmem:s0+$0xA0]  }
0x46: {  	[tilespmem:s0+$0x40] =	vst v1;
	v1 =	vmul.f32 $8.000000000e+00, v6;
	v6 =	vld [tilespmem:s0+$0xB0]  }
0x47: {  	[tilespmem:s0+$0x50] =	vst v0;
	v2 =	vmul.f32 $8.000000000e+00, v2;
	v0 =	vld [tilespmem:s0+$0xC0]  }
0x48: {  	[tilespmem:s0+$0x60] =	vst v1;
	v7 =	vmul.f32 $8.000000000e+00, v3;
	v1 =	vld [tilespmem:s0+$0xD0]  }
0x49: {  	v3 =	vld [tilespmem:s0+$0xE0];
	[tilespmem:s0+$0x70] =	vst v2;
	v8 =	vmul.f32 $8.000000000e+00, v4  }
0x4a: {  	v2 =	vld [tilespmem:s0+$0xF0];
	[tilespmem:s0+$0x80] =	vst v7;
	v5 =	vmul.f32 $8.000000000e+00, v5  }
0x4b: {  	s1 =	simm.s32 $0x0;
	s12 =	simm.s32 $0x1C00;
	v4 =	vld [tilespmem:s0+$0xFFFFFFF0];
	[tilespmem:s0+$0x90] =	vst v8;
	v6 =	vmul.f32 $8.000000000e+00, v6  }
.LBB2_3:
0x4c: {  	v7 =	vld [tilespmem:s12+$0xFFFFFF00];
	[tilespmem:s0+$0xA0] =	vst v5;
	v0 =	vmul.f32 $8.000000000e+00, v0  }
0x4d: {  	v5 =	vld [tilespmem:s12+$0xFFFFFF10];
	[tilespmem:s0+$0xB0] =	vst v6;
	v1 =	vmul.f32 $8.000000000e+00, v1  }
0x4e: {  	v6 =	vld [tilespmem:s12+$0xFFFFFF20];
	[tilespmem:s0+$0xC0] =	vst v0;
	v0 =	vmul.f32 $8.000000000e+00, v3  }
0x4f: {  	v3 =	vld [tilespmem:s12+$0xFFFFFF30];
	[tilespmem:s0+$0xD0] =	vst v1;
	v1 =	vmul.f32 $8.000000000e+00, v2  }
0x50: {  	v2 =	vld [tilespmem:s12+$0xFFFFFF40];
	v4 =	vmul.f32 $8.000000000e+00, v4;
	[tilespmem:s0+$0xE0] =	vst v0  }
0x51: {  	v0 =	vmul.f32 $8.000000000e+00, v7;
	v7 =	vld [tilespmem:s12+$0xFFFFFF50];
	[tilespmem:s0+$0xF0] =	vst v1  }
0x52: {  	v1 =	vmul.f32 $8.000000000e+00, v5;
	v5 =	vld [tilespmem:s12+$0xFFFFFF60];
	[tilespmem:s0+$0xFFFFFFF0] =	vst v4;
	s0 =	smov.u32 s12  }
0x53: {  	[tilespmem:s12+$0xFFFFFF00] =	vst v0;
	v0 =	vmul.f32 $8.000000000e+00, v6;
	v4 =	vld [tilespmem:s12+$0xFFFFFF70]  }
0x54: {  	[tilespmem:s12+$0xFFFFFF10] =	vst v1;
	v1 =	vmul.f32 $8.000000000e+00, v3;
	v3 =	vld [tilespmem:s12+$0xFFFFFF80]  }
0x55: {  	[tilespmem:s12+$0xFFFFFF20] =	vst v0;
	v0 =	vmul.f32 $8.000000000e+00, v2;
	v2 =	vld [tilespmem:s12+$0xFFFFFF90]  }
0x56: {  	[tilespmem:s12+$0xFFFFFF30] =	vst v1;
	v1 =	vmul.f32 $8.000000000e+00, v7;
	v6 =	vld [tilespmem:s12+$0xFFFFFFA0]  }
0x57: {  	[tilespmem:s12+$0xFFFFFF40] =	vst v0;
	v0 =	vmul.f32 $8.000000000e+00, v5;
	v5 =	vld [tilespmem:s12+$0xFFFFFFB0]  }
0x58: {  	[tilespmem:s12+$0xFFFFFF50] =	vst v1;
	v1 =	vmul.f32 $8.000000000e+00, v4;
	v4 =	vld [tilespmem:s12+$0xFFFFFFC0]  }
0x59: {  	[tilespmem:s12+$0xFFFFFF60] =	vst v0;
	v0 =	vmul.f32 $8.000000000e+00, v3;
	v3 =	vld [tilespmem:s12+$0xFFFFFFD0]  }
0x5a: {  	[tilespmem:s12+$0xFFFFFF70] =	vst v1;
	v1 =	vmul.f32 $8.000000000e+00, v2;
	v2 =	vld [tilespmem:s12+$0xFFFFFFE0]  }
0x5b: {  	[tilespmem:s12+$0xFFFFFF80] =	vst v0;
	v0 =	vmul.f32 $8.000000000e+00, v6;
	v6 =	vld [tilespmem:s12+$0x0]  }
0x5c: {  	[tilespmem:s12+$0xFFFFFF90] =	vst v1;
	v1 =	vmul.f32 $8.000000000e+00, v5;
	v5 =	vld [tilespmem:s12+$0x10]  }
0x5d: {  	[tilespmem:s12+$0xFFFFFFA0] =	vst v0;
	v0 =	vmul.f32 $8.000000000e+00, v4;
	v4 =	vld [tilespmem:s12+$0x20]  }
0x5e: {  	[tilespmem:s12+$0xFFFFFFB0] =	vst v1;
	v1 =	vmul.f32 $8.000000000e+00, v3;
	v3 =	vld [tilespmem:s12+$0x30]  }
0x5f: {  	[tilespmem:s12+$0xFFFFFFC0] =	vst v0;
	v0 =	vmul.f32 $8.000000000e+00, v2;
	v2 =	vld [tilespmem:s12+$0x40]  }
0x60: {  	[tilespmem:s12+$0xFFFFFFD0] =	vst v1;
	v1 =	vmul.f32 $8.000000000e+00, v6;
	v6 =	vld [tilespmem:s12+$0x50]  }
0x61: {  	[tilespmem:s12+$0xFFFFFFE0] =	vst v0;
	v0 =	vmul.f32 $8.000000000e+00, v5;
	v5 =	vld [tilespmem:s12+$0x60]  }
0x62: {  	[tilespmem:s12+$0x0] =	vst v1;
	v1 =	vmul.f32 $8.000000000e+00, v4;
	v4 =	vld [tilespmem:s12+$0x70]  }
0x63: {  	[tilespmem:s12+$0x10] =	vst v0;
	v0 =	vmul.f32 $8.000000000e+00, v3;
	v3 =	vld [tilespmem:s12+$0x80]  }
0x64: {  	[tilespmem:s12+$0x20] =	vst v1;
	v1 =	vmul.f32 $8.000000000e+00, v2;
	v2 =	vld [tilespmem:s12+$0x90]  }
0x65: {  	s1 =	sadd.s32 $0x8, s1;
	[tilespmem:s12+$0x30] =	vst v0;
	v0 =	vmul.f32 $8.000000000e+00, v6;
	v6 =	vld [tilespmem:s12+$0xA0]  }
0x66: {  	p0 =	slt.u32 s1, $0xC0;
	[tilespmem:s12+$0x40] =	vst v1;
	v1 =	vmul.f32 $8.000000000e+00, v5;
	v7 =	vld [tilespmem:s12+$0xB0]  }
.Ltmp2:
0x67: {  	[tilespmem:s12+$0x50] =	vst v0;
	v4 =	vmul.f32 $8.000000000e+00, v4;
	v0 =	vld [tilespmem:s12+$0xC0];
	(pc) =	sbr.rel @p0 .LBB2_3-.Ltmp2, $4  }
0x68: {  	[tilespmem:s12+$0x60] =	vst v1;
	v5 =	vmul.f32 $8.000000000e+00, v3;
	v1 =	vld [tilespmem:s12+$0xD0]  }
0x69: {  	[tilespmem:s12+$0x70] =	vst v4;
	v8 =	vmul.f32 $8.000000000e+00, v2;
	v3 =	vld [tilespmem:s12+$0xE0]  }
0x6a: {  	[tilespmem:s12+$0x80] =	vst v5;
	v5 =	vmul.f32 $8.000000000e+00, v6;
	v2 =	vld [tilespmem:s12+$0xF0]  }
0x6b: {  	s12 =	sadd.s32 $0x200, s12;
	v4 =	vld [tilespmem:s0+$0xFFFFFFF0];
	[tilespmem:s0+$0x90] =	vst v8;
	v6 =	vmul.f32 $8.000000000e+00, v7  }
0x6c: {  	[tilespmem:s0+$0xA0] =	vst v5;
	v0 =	vmul.f32 $8.000000000e+00, v0  }
0x6d: {  	[tilespmem:s0+$0xB0] =	vst v6;
	v1 =	vmul.f32 $8.000000000e+00, v1  }
0x6e: {  	s1 =	sshll.u32 s31, $0x2;
	[tilespmem:s0+$0xC0] =	vst v0;
	v0 =	vmul.f32 $8.000000000e+00, v3  }
0x6f: {  	s12 =	sadd.s32 s4, s1;
	[tilespmem:s0+$0xD0] =	vst v1;
	v1 =	vmul.f32 $8.000000000e+00, v2  }
0x70: {  	s12 =	smul.u32 $0x640, s12;
	v2 =	vmul.f32 $8.000000000e+00, v4;
	[tilespmem:s0+$0xE0] =	vst v0  }
0x71: {  	p0 =	seq.s32 s31, $0x0;
	[tilespmem:s0+$0xF0] =	vst v1  }
0x72: {  	s13 =	sadd.s32 s2, s12;
	s12 =	simm.s32 @!p0 $0x7;
	[tilespmem:s0+$0xFFFFFFF0] =	vst v2;
	s0 =	sor.u32 $0x2, s1  }
0x73: {  	[hbm4b:s13+s3] =	stream.linear.scatter [tilespmem:s10], [sflag:$0x5], $0x3200, $0x38;
	[tilespmem:$0xE100] =	vst v63  }
0x74: {  	s13 =	smul.u32 $0x320, s0;
	_ =	swait.ge @!p0 [sflag:s12], $0x3200  }
0x75: {  	[sflag:s12] =	ssyncset.done @!p0 $0x0  }
0x76: {  	s15 =	sshra.s32 s13, $0x2;
	[sflag:s12] =	ssyncadd.s32 @!p0 $0xFFFFCE00  }
0x77: {  	[tilespmem:s18], [sflag:$0x3] =	stream.indirect.gather [hbm4b:s5+s9], $0x40, s15, s9, $0xb8;
	[tilespmem:$0xE100] =	vst v63  }
0x78: {  	s12 =	sadd.s32 $0x80, s15  }
0x79: {  	[tilespmem:s19], [sflag:$0x3] =	stream.indirect.gather [hbm4b:s5+s11], $0x40, s12, s11, $0xb8;
	[tilespmem:$0xE100] =	vst v63  }
0x7a: {  	_ =	swait.ge [sflag:s20], $0x2000  }
0x7b: {  	[sflag:s20] =	ssyncset.done $0x0  }
0x7c: {  	[sflag:s20] =	ssyncadd.s32 $0xFFFFE000  }
0x7d: {  	_ =	swait.ge [sflag:s20], $0x1200  }
0x7e: {  	[sflag:s20] =	ssyncset.done $0x0  }
0x7f: {  	s12 =	simm.s32 $0x4CF0;
	[sflag:s20] =	ssyncadd.s32 $0xFFFFEE00  }
0x80: {  	v0 =	vld [tilespmem:s12+$0xFFFFFE10]  }
0x81: {  	v1 =	vld [tilespmem:s12+$0xFFFFFE20]  }
0x82: {  	v2 =	vld [tilespmem:s12+$0xFFFFFE30]  }
0x83: {  	v3 =	vld [tilespmem:s12+$0xFFFFFE40]  }
0x84: {  	v4 =	vld [tilespmem:s12+$0xFFFFFE50]  }
0x85: {  	v5 =	vld [tilespmem:s12+$0xFFFFFE60];
	v0 =	vmul.f32 $8.000000000e+00, v0  }
0x86: {  	v6 =	vld [tilespmem:s12+$0xFFFFFE70];
	v1 =	vmul.f32 $8.000000000e+00, v1  }
0x87: {  	[tilespmem:s12+$0xFFFFFE10] =	vst v0;
	v0 =	vmul.f32 $8.000000000e+00, v2;
	v2 =	vld [tilespmem:s12+$0xFFFFFE80]  }
0x88: {  	[tilespmem:s12+$0xFFFFFE20] =	vst v1;
	v1 =	vmul.f32 $8.000000000e+00, v3;
	v3 =	vld [tilespmem:s12+$0xFFFFFE90]  }
0x89: {  	[tilespmem:s12+$0xFFFFFE30] =	vst v0;
	v0 =	vmul.f32 $8.000000000e+00, v4;
	v4 =	vld [tilespmem:s12+$0xFFFFFEA0]  }
0x8a: {  	[tilespmem:s12+$0xFFFFFE40] =	vst v1;
	v1 =	vmul.f32 $8.000000000e+00, v5;
	v5 =	vld [tilespmem:s12+$0xFFFFFEB0]  }
0x8b: {  	[tilespmem:s12+$0xFFFFFE50] =	vst v0;
	v0 =	vmul.f32 $8.000000000e+00, v6;
	v6 =	vld [tilespmem:s12+$0xFFFFFEC0]  }
0x8c: {  	[tilespmem:s12+$0xFFFFFE60] =	vst v1;
	v1 =	vmul.f32 $8.000000000e+00, v2;
	v2 =	vld [tilespmem:s12+$0xFFFFFED0]  }
0x8d: {  	[tilespmem:s12+$0xFFFFFE70] =	vst v0;
	v0 =	vmul.f32 $8.000000000e+00, v3;
	v3 =	vld [tilespmem:s12+$0xFFFFFEE0]  }
0x8e: {  	[tilespmem:s12+$0xFFFFFE80] =	vst v1;
	v1 =	vmul.f32 $8.000000000e+00, v4;
	v4 =	vld [tilespmem:s12+$0xFFFFFEF0]  }
0x8f: {  	[tilespmem:s12+$0xFFFFFE90] =	vst v0;
	v0 =	vmul.f32 $8.000000000e+00, v5;
	v5 =	vld [tilespmem:s12+$0xFFFFFF00]  }
0x90: {  	[tilespmem:s12+$0xFFFFFEA0] =	vst v1;
	v1 =	vmul.f32 $8.000000000e+00, v6;
	v6 =	vld [tilespmem:s12+$0xFFFFFF10]  }
0x91: {  	[tilespmem:s12+$0xFFFFFEB0] =	vst v0;
	v0 =	vmul.f32 $8.000000000e+00, v2;
	v2 =	vld [tilespmem:s12+$0xFFFFFF20]  }
0x92: {  	[tilespmem:s12+$0xFFFFFEC0] =	vst v1;
	v1 =	vmul.f32 $8.000000000e+00, v3;
	v3 =	vld [tilespmem:s12+$0xFFFFFF30]  }
0x93: {  	[tilespmem:s12+$0xFFFFFED0] =	vst v0;
	v0 =	vmul.f32 $8.000000000e+00, v4;
	v4 =	vld [tilespmem:s12+$0xFFFFFF40]  }
0x94: {  	[tilespmem:s12+$0xFFFFFEE0] =	vst v1;
	v1 =	vmul.f32 $8.000000000e+00, v5;
	v5 =	vld [tilespmem:s12+$0xFFFFFF50]  }
0x95: {  	[tilespmem:s12+$0xFFFFFEF0] =	vst v0;
	v0 =	vmul.f32 $8.000000000e+00, v6;
	v6 =	vld [tilespmem:s12+$0xFFFFFF60]  }
0x96: {  	[tilespmem:s12+$0xFFFFFF00] =	vst v1;
	v1 =	vmul.f32 $8.000000000e+00, v2;
	v2 =	vld [tilespmem:s12+$0xFFFFFF70]  }
0x97: {  	[tilespmem:s12+$0xFFFFFF10] =	vst v0;
	v0 =	vmul.f32 $8.000000000e+00, v3;
	v3 =	vld [tilespmem:s12+$0xFFFFFF80]  }
0x98: {  	[tilespmem:s12+$0xFFFFFF20] =	vst v1;
	v1 =	vmul.f32 $8.000000000e+00, v4;
	v4 =	vld [tilespmem:s12+$0xFFFFFF90]  }
0x99: {  	[tilespmem:s12+$0xFFFFFF30] =	vst v0;
	v0 =	vmul.f32 $8.000000000e+00, v5;
	v5 =	vld [tilespmem:s12+$0xFFFFFFA0]  }
0x9a: {  	[tilespmem:s12+$0xFFFFFF40] =	vst v1;
	v1 =	vmul.f32 $8.000000000e+00, v6;
	v6 =	vld [tilespmem:s12+$0xFFFFFFB0]  }
0x9b: {  	[tilespmem:s12+$0xFFFFFF50] =	vst v0;
	v2 =	vmul.f32 $8.000000000e+00, v2;
	v0 =	vld [tilespmem:s12+$0xFFFFFFC0]  }
0x9c: {  	[tilespmem:s12+$0xFFFFFF60] =	vst v1;
	v7 =	vmul.f32 $8.000000000e+00, v3;
	v1 =	vld [tilespmem:s12+$0xFFFFFFD0]  }
0x9d: {  	v3 =	vld [tilespmem:s12+$0xFFFFFFE0];
	[tilespmem:s12+$0xFFFFFF70] =	vst v2;
	v4 =	vmul.f32 $8.000000000e+00, v4  }
0x9e: {  	v2 =	vld [tilespmem:s12+$0x0];
	[tilespmem:s12+$0xFFFFFF80] =	vst v7;
	v5 =	vmul.f32 $8.000000000e+00, v5  }
0x9f: {  	s13 =	simm.s32 $0x0;
	s15 =	simm.s32 $0x4EF0;
	[tilespmem:s12+$0xFFFFFF90] =	vst v4;
	v6 =	vmul.f32 $8.000000000e+00, v6;
	v4 =	vld [tilespmem:s12+$0xFFFFFFF0]  }
.LBB2_5:
0xa0: {  	v7 =	vld [tilespmem:s15+$0xFFFFFE10];
	[tilespmem:s12+$0xFFFFFFA0] =	vst v5;
	v0 =	vmul.f32 $8.000000000e+00, v0  }
0xa1: {  	v5 =	vld [tilespmem:s15+$0xFFFFFE20];
	[tilespmem:s12+$0xFFFFFFB0] =	vst v6;
	v1 =	vmul.f32 $8.000000000e+00, v1  }
0xa2: {  	v6 =	vld [tilespmem:s15+$0xFFFFFE30];
	[tilespmem:s12+$0xFFFFFFC0] =	vst v0;
	v0 =	vmul.f32 $8.000000000e+00, v3  }
0xa3: {  	v3 =	vld [tilespmem:s15+$0xFFFFFE40];
	[tilespmem:s12+$0xFFFFFFD0] =	vst v1;
	v1 =	vmul.f32 $8.000000000e+00, v2  }
0xa4: {  	v2 =	vld [tilespmem:s15+$0xFFFFFE50];
	[tilespmem:s12+$0xFFFFFFE0] =	vst v0;
	v0 =	vmul.f32 $8.000000000e+00, v4  }
0xa5: {  	v4 =	vmul.f32 $8.000000000e+00, v7;
	v7 =	vld [tilespmem:s15+$0xFFFFFE60];
	[tilespmem:s12+$0x0] =	vst v1  }
0xa6: {  	v1 =	vmul.f32 $8.000000000e+00, v5;
	v5 =	vld [tilespmem:s15+$0xFFFFFE70];
	[tilespmem:s12+$0xFFFFFFF0] =	vst v0;
	s12 =	smov.u32 s15  }
0xa7: {  	[tilespmem:s15+$0xFFFFFE10] =	vst v4;
	v0 =	vmul.f32 $8.000000000e+00, v6;
	v4 =	vld [tilespmem:s15+$0xFFFFFE80]  }
0xa8: {  	[tilespmem:s15+$0xFFFFFE20] =	vst v1;
	v1 =	vmul.f32 $8.000000000e+00, v3;
	v3 =	vld [tilespmem:s15+$0xFFFFFE90]  }
0xa9: {  	[tilespmem:s15+$0xFFFFFE30] =	vst v0;
	v0 =	vmul.f32 $8.000000000e+00, v2;
	v2 =	vld [tilespmem:s15+$0xFFFFFEA0]  }
0xaa: {  	[tilespmem:s15+$0xFFFFFE40] =	vst v1;
	v1 =	vmul.f32 $8.000000000e+00, v7;
	v6 =	vld [tilespmem:s15+$0xFFFFFEB0]  }
0xab: {  	[tilespmem:s15+$0xFFFFFE50] =	vst v0;
	v0 =	vmul.f32 $8.000000000e+00, v5;
	v5 =	vld [tilespmem:s15+$0xFFFFFEC0]  }
0xac: {  	[tilespmem:s15+$0xFFFFFE60] =	vst v1;
	v1 =	vmul.f32 $8.000000000e+00, v4;
	v4 =	vld [tilespmem:s15+$0xFFFFFED0]  }
0xad: {  	[tilespmem:s15+$0xFFFFFE70] =	vst v0;
	v0 =	vmul.f32 $8.000000000e+00, v3;
	v3 =	vld [tilespmem:s15+$0xFFFFFEE0]  }
0xae: {  	[tilespmem:s15+$0xFFFFFE80] =	vst v1;
	v1 =	vmul.f32 $8.000000000e+00, v2;
	v2 =	vld [tilespmem:s15+$0xFFFFFEF0]  }
0xaf: {  	[tilespmem:s15+$0xFFFFFE90] =	vst v0;
	v0 =	vmul.f32 $8.000000000e+00, v6;
	v6 =	vld [tilespmem:s15+$0xFFFFFF00]  }
0xb0: {  	[tilespmem:s15+$0xFFFFFEA0] =	vst v1;
	v1 =	vmul.f32 $8.000000000e+00, v5;
	v5 =	vld [tilespmem:s15+$0xFFFFFF10]  }
0xb1: {  	[tilespmem:s15+$0xFFFFFEB0] =	vst v0;
	v0 =	vmul.f32 $8.000000000e+00, v4;
	v4 =	vld [tilespmem:s15+$0xFFFFFF20]  }
0xb2: {  	[tilespmem:s15+$0xFFFFFEC0] =	vst v1;
	v1 =	vmul.f32 $8.000000000e+00, v3;
	v3 =	vld [tilespmem:s15+$0xFFFFFF30]  }
0xb3: {  	[tilespmem:s15+$0xFFFFFED0] =	vst v0;
	v0 =	vmul.f32 $8.000000000e+00, v2;
	v2 =	vld [tilespmem:s15+$0xFFFFFF40]  }
0xb4: {  	[tilespmem:s15+$0xFFFFFEE0] =	vst v1;
	v1 =	vmul.f32 $8.000000000e+00, v6;
	v6 =	vld [tilespmem:s15+$0xFFFFFF50]  }
0xb5: {  	[tilespmem:s15+$0xFFFFFEF0] =	vst v0;
	v0 =	vmul.f32 $8.000000000e+00, v5;
	v5 =	vld [tilespmem:s15+$0xFFFFFF60]  }
0xb6: {  	[tilespmem:s15+$0xFFFFFF00] =	vst v1;
	v1 =	vmul.f32 $8.000000000e+00, v4;
	v4 =	vld [tilespmem:s15+$0xFFFFFF70]  }
0xb7: {  	[tilespmem:s15+$0xFFFFFF10] =	vst v0;
	v0 =	vmul.f32 $8.000000000e+00, v3;
	v3 =	vld [tilespmem:s15+$0xFFFFFF80]  }
0xb8: {  	[tilespmem:s15+$0xFFFFFF20] =	vst v1;
	v1 =	vmul.f32 $8.000000000e+00, v2;
	v2 =	vld [tilespmem:s15+$0xFFFFFF90]  }
0xb9: {  	s13 =	sadd.s32 $0x8, s13;
	[tilespmem:s15+$0xFFFFFF30] =	vst v0;
	v0 =	vmul.f32 $8.000000000e+00, v6;
	v6 =	vld [tilespmem:s15+$0xFFFFFFA0]  }
0xba: {  	p1 =	slt.u32 s13, $0xC0;
	[tilespmem:s15+$0xFFFFFF40] =	vst v1;
	v1 =	vmul.f32 $8.000000000e+00, v5;
	v7 =	vld [tilespmem:s15+$0xFFFFFFB0]  }
.Ltmp3:
0xbb: {  	[tilespmem:s15+$0xFFFFFF50] =	vst v0;
	v4 =	vmul.f32 $8.000000000e+00, v4;
	v0 =	vld [tilespmem:s15+$0xFFFFFFC0];
	(pc) =	sbr.rel @p1 .LBB2_5-.Ltmp3, $4  }
0xbc: {  	[tilespmem:s15+$0xFFFFFF60] =	vst v1;
	v5 =	vmul.f32 $8.000000000e+00, v3;
	v1 =	vld [tilespmem:s15+$0xFFFFFFD0]  }
0xbd: {  	[tilespmem:s15+$0xFFFFFF70] =	vst v4;
	v4 =	vmul.f32 $8.000000000e+00, v2;
	v3 =	vld [tilespmem:s15+$0xFFFFFFE0]  }
0xbe: {  	[tilespmem:s15+$0xFFFFFF80] =	vst v5;
	v5 =	vmul.f32 $8.000000000e+00, v6;
	v2 =	vld [tilespmem:s15+$0x0]  }
0xbf: {  	s15 =	sadd.s32 $0x200, s15;
	[tilespmem:s12+$0xFFFFFF90] =	vst v4;
	v6 =	vmul.f32 $8.000000000e+00, v7;
	v4 =	vld [tilespmem:s12+$0xFFFFFFF0]  }
0xc0: {  	[tilespmem:s12+$0xFFFFFFA0] =	vst v5;
	v0 =	vmul.f32 $8.000000000e+00, v0  }
0xc1: {  	[tilespmem:s12+$0xFFFFFFB0] =	vst v6;
	v1 =	vmul.f32 $8.000000000e+00, v1  }
0xc2: {  	s13 =	sadd.s32 s1, s4;
	[tilespmem:s12+$0xFFFFFFC0] =	vst v0;
	v0 =	vmul.f32 $8.000000000e+00, v3  }
0xc3: {  	s13 =	smul.u32 $0x640, s13;
	[tilespmem:s12+$0xFFFFFFD0] =	vst v1;
	v1 =	vmul.f32 $8.000000000e+00, v2  }
0xc4: {  	[tilespmem:s12+$0xFFFFFFE0] =	vst v0;
	v0 =	vmul.f32 $8.000000000e+00, v4  }
0xc5: {  	s13 =	sadd.s32 s2, s13;
	[tilespmem:s12+$0x0] =	vst v1  }
0xc6: {  	s1 =	sor.u32 $0x3, s1;
	s13 =	sadd.s32 $0x640, s13;
	[tilespmem:s12+$0xFFFFFFF0] =	vst v0;
	s12 =	simm.s32 @!p0 $0x8  }
0xc7: {  	[hbm4b:s13+s3] =	stream.linear.scatter [tilespmem:s14], [sflag:$0x6], $0x3200, $0x38;
	[tilespmem:$0xE100] =	vst v63  }
0xc8: {  	s15 =	smul.u32 $0x320, s1;
	_ =	swait.ge @!p0 [sflag:s12], $0x3200  }
0xc9: {  	[sflag:s12] =	ssyncset.done @!p0 $0x0  }
0xca: {  	s15 =	sshra.s32 s15, $0x2;
	[sflag:s12] =	ssyncadd.s32 @!p0 $0xFFFFCE00  }
0xcb: {  	[tilespmem:s21], [sflag:$0x4] =	stream.indirect.gather [hbm4b:s5+s9], $0x40, s15, s9, $0xb8;
	[tilespmem:$0xE100] =	vst v63  }
0xcc: {  	s12 =	sadd.s32 $0x80, s15  }
0xcd: {  	[tilespmem:s22], [sflag:$0x4] =	stream.indirect.gather [hbm4b:s5+s11], $0x40, s12, s11, $0xb8;
	[tilespmem:$0xE100] =	vst v63  }
0xce: {  	_ =	swait.ge [sflag:s23], $0x2000  }
0xcf: {  	[sflag:s23] =	ssyncset.done $0x0  }
0xd0: {  	[sflag:s23] =	ssyncadd.s32 $0xFFFFE000  }
0xd1: {  	_ =	swait.ge [sflag:s23], $0x1200  }
0xd2: {  	[sflag:s23] =	ssyncset.done $0x0  }
0xd3: {  	s12 =	simm.s32 $0x7D00;
	[sflag:s23] =	ssyncadd.s32 $0xFFFFEE00  }
0xd4: {  	v0 =	vld [tilespmem:s12+$0x1A0]  }
0xd5: {  	v1 =	vld [tilespmem:s12+$0xA0]  }
0xd6: {  	v2 =	vld [tilespmem:s12+$0x90]  }
0xd7: {  	v3 =	vld [tilespmem:s12+$0x80]  }
0xd8: {  	v4 =	vld [tilespmem:s12+$0xB0]  }
0xd9: {  	v5 =	vld [tilespmem:s12+$0x70]  }
0xda: {  	v6 =	vld [tilespmem:s12+$0xC0]  }
0xdb: {  	v12 =	vld [tilespmem:s12+$0x60]  }
0xdc: {  	v7 =	vld [tilespmem:s12+$0xD0]  }
0xdd: {  	v8 =	vld [tilespmem:s12+$0xE0]  }
0xde: {  	v9 =	vld [tilespmem:s12+$0x1D0]  }
0xdf: {  	v10 =	vld [tilespmem:s12+$0x1E0]  }
0xe0: {  	v11 =	vld [tilespmem:s12+$0x0]  }
0xe1: {  	v13 =	vld [tilespmem:s12+$0xF0]  }
0xe2: {  	v14 =	vld [tilespmem:s12+$0x100];
	v0 =	vmul.f32 $8.000000000e+00, v0  }
0xe3: {  	v15 =	vld [tilespmem:s12+$0x110];
	v9 =	vmul.f32 $8.000000000e+00, v9  }
0xe4: {  	v16 =	vld [tilespmem:s12+$0x120];
	v17 =	vmul.f32 $8.000000000e+00, v8;
	[tilespmem:s12+$0x1A0] =	vst v0  }
0xe5: {  	v20 =	vld [tilespmem:s12+$0x10];
	v6 =	vmul.f32 $8.000000000e+00, v6;
	[tilespmem:s12+$0x1D0] =	vst v9  }
0xe6: {  	v21 =	vld [tilespmem:s12+$0x1B0];
	v0 =	vmul.f32 $8.000000000e+00, v10;
	[tilespmem:s12+$0xE0] =	vst v17  }
0xe7: {  	v10 =	vmul.f32 $8.000000000e+00, v11;
	v11 =	vld [tilespmem:s12+$0x130];
	[tilespmem:s12+$0xC0] =	vst v6  }
0xe8: {  	v9 =	vmul.f32 $8.000000000e+00, v13;
	v13 =	vld [tilespmem:s12+$0x140];
	[tilespmem:s12+$0x1E0] =	vst v0  }
0xe9: {  	[tilespmem:s12+$0x0] =	vst v10;
	v0 =	vmul.f32 $8.000000000e+00, v14;
	v10 =	vld [tilespmem:s12+$0x150]  }
0xea: {  	[tilespmem:s12+$0xF0] =	vst v9;
	v9 =	vmul.f32 $8.000000000e+00, v15;
	v14 =	vld [tilespmem:s12+$0x1F0]  }
0xeb: {  	v18 =	vld [tilespmem:s12+$0x30];
	v8 =	vmul.f32 $8.000000000e+00, v1;
	[tilespmem:s12+$0x100] =	vst v0;
	v0 =	vmul.f32 $8.000000000e+00, v16  }
0xec: {  	v19 =	vld [tilespmem:s12+$0x20];
	v1 =	vmul.f32 $8.000000000e+00, v20;
	[tilespmem:s12+$0x110] =	vst v9;
	v9 =	vmul.f32 $8.000000000e+00, v11  }
0xed: {  	v6 =	vmul.f32 $8.000000000e+00, v21;
	v15 =	vld [tilespmem:s12+$0x50];
	[tilespmem:s12+$0x120] =	vst v0;
	v0 =	vmul.f32 $8.000000000e+00, v13  }
0xee: {  	v16 =	vld [tilespmem:s12+$0x40];
	v13 =	vmul.f32 $8.000000000e+00, v7;
	[tilespmem:s12+$0x130] =	vst v9;
	v7 =	vmul.f32 $8.000000000e+00, v10  }
0xef: {  	v11 =	vld [tilespmem:s12+$0x190];
	v9 =	vmul.f32 $8.000000000e+00, v2;
	[tilespmem:s12+$0x140] =	vst v0;
	v0 =	vmul.f32 $8.000000000e+00, v14  }
0xf0: {  	[tilespmem:s12+$0x150] =	vst v7;
	v7 =	vmul.f32 $8.000000000e+00, v5;
	v5 =	vmul.f32 $8.000000000e+00, v12;
	v12 =	vld [tilespmem:s12+$0x1C0]  }
0xf1: {  	v10 =	vmul.f32 $8.000000000e+00, v3;
	v14 =	vmul.f32 $8.000000000e+00, v4;
	[tilespmem:s12+$0xD0] =	vst v13;
	v13 =	vld [tilespmem:s12+$0x180]  }
0xf2: {  	v3 =	vmul.f32 $8.000000000e+00, v15;
	v2 =	vmul.f32 $8.000000000e+00, v18;
	v15 =	vld [tilespmem:s12+$0x170];
	[tilespmem:s12+$0x1F0] =	vst v0  }
0xf3: {  	s13 =	simm.s32 $0x0;
	s15 =	simm.s32 $0x7F00;
	v4 =	vmul.f32 $8.000000000e+00, v19;
	v0 =	vmul.f32 $8.000000000e+00, v16;
	[tilespmem:s12+$0xB0] =	vst v14;
	v14 =	vld [tilespmem:s12+$0x160]  }
.LBB2_7:
0xf4: {  	v16 =	vld [tilespmem:s15+$0x1A0];
	s13 =	sadd.s32 $0x8, s13;
	[tilespmem:s12+$0xA0] =	vst v8;
	v8 =	vmul.f32 $8.000000000e+00, v11  }
0xf5: {  	v11 =	vld [tilespmem:s15+$0xA0];
	p0 =	slt.u32 s13, $0xC0;
	[tilespmem:s12+$0x90] =	vst v9;
	v9 =	vmul.f32 $8.000000000e+00, v12  }
0xf6: {  	v12 =	vld [tilespmem:s15+$0x90];
	[tilespmem:s12+$0x80] =	vst v10;
	v10 =	vmul.f32 $8.000000000e+00, v13  }
0xf7: {  	v13 =	vld [tilespmem:s15+$0x80];
	v15 =	vmul.f32 $8.000000000e+00, v15;
	[tilespmem:s12+$0x1C0] =	vst v9  }
0xf8: {  	v9 =	vld [tilespmem:s15+$0xB0];
	[tilespmem:s12+$0x70] =	vst v7;
	v7 =	vmul.f32 $8.000000000e+00, v14  }
0xf9: {  	v14 =	vld [tilespmem:s15+$0x70];
	v16 =	vmul.f32 $8.000000000e+00, v16;
	[tilespmem:s12+$0x180] =	vst v10  }
0xfa: {  	v10 =	vld [tilespmem:s15+$0xC0];
	[tilespmem:s12+$0x60] =	vst v5  }
0xfb: {  	v5 =	vld [tilespmem:s15+$0x60];
	[tilespmem:s12+$0x170] =	vst v15  }
0xfc: {  	v15 =	vld [tilespmem:s15+$0xD0];
	[tilespmem:s12+$0x50] =	vst v3  }
0xfd: {  	v3 =	vld [tilespmem:s15+$0xE0];
	[tilespmem:s12+$0x160] =	vst v7  }
0xfe: {  	v7 =	vld [tilespmem:s15+$0x1D0];
	[tilespmem:s12+$0x40] =	vst v0  }
0xff: {  	v0 =	vld [tilespmem:s15+$0x1E0];
	[tilespmem:s12+$0x30] =	vst v2  }
0x100: {  	v2 =	vld [tilespmem:s15+$0x0];
	[tilespmem:s12+$0x20] =	vst v4  }
0x101: {  	v4 =	vld [tilespmem:s15+$0xF0];
	[tilespmem:s12+$0x190] =	vst v8  }
0x102: {  	v8 =	vld [tilespmem:s15+$0x100];
	[tilespmem:s12+$0x10] =	vst v1  }
0x103: {  	v1 =	vld [tilespmem:s15+$0x110];
	v7 =	vmul.f32 $8.000000000e+00, v7;
	[tilespmem:s12+$0x1B0] =	vst v6;
	s12 =	smov.u32 s15  }
0x104: {  	v6 =	vld [tilespmem:s15+$0x120];
	[tilespmem:s15+$0x1A0] =	vst v16;
	v0 =	vmul.f32 $8.000000000e+00, v0  }
0x105: {  	v16 =	vmul.f32 $8.000000000e+00, v3;
	v2 =	vmul.f32 $8.000000000e+00, v2;
	v3 =	vld [tilespmem:s15+$0x130];
	[tilespmem:s15+$0x1D0] =	vst v7  }
0x106: {  	v15 =	vmul.f32 $8.000000000e+00, v15;
	v4 =	vmul.f32 $8.000000000e+00, v4;
	v7 =	vld [tilespmem:s15+$0x140];
	[tilespmem:s15+$0x1E0] =	vst v0  }
0x107: {  	v17 =	vmul.f32 $8.000000000e+00, v10;
	[tilespmem:s15+$0x0] =	vst v2;
	v0 =	vmul.f32 $8.000000000e+00, v8;
	v2 =	vld [tilespmem:s15+$0x150]  }
0x108: {  	v18 =	vmul.f32 $8.000000000e+00, v9;
	[tilespmem:s15+$0xF0] =	vst v4;
	v1 =	vmul.f32 $8.000000000e+00, v1;
	v4 =	vld [tilespmem:s15+$0x1F0]  }
0x109: {  	v8 =	vmul.f32 $8.000000000e+00, v11;
	v19 =	vld [tilespmem:s15+$0x50];
	[tilespmem:s15+$0x100] =	vst v0;
	v0 =	vmul.f32 $8.000000000e+00, v6  }
0x10a: {  	v9 =	vmul.f32 $8.000000000e+00, v12;
	v6 =	vld [tilespmem:s15+$0x40];
	[tilespmem:s15+$0x110] =	vst v1;
	v1 =	vmul.f32 $8.000000000e+00, v3  }
0x10b: {  	v10 =	vmul.f32 $8.000000000e+00, v13;
	v12 =	vld [tilespmem:s15+$0x30];
	[tilespmem:s15+$0x120] =	vst v0;
	v0 =	vmul.f32 $8.000000000e+00, v7  }
0x10c: {  	v7 =	vmul.f32 $8.000000000e+00, v14;
	v13 =	vld [tilespmem:s15+$0x20];
	[tilespmem:s15+$0x130] =	vst v1;
	v1 =	vmul.f32 $8.000000000e+00, v2  }
0x10d: {  	v5 =	vmul.f32 $8.000000000e+00, v5;
	v14 =	vld [tilespmem:s15+$0x10];
	[tilespmem:s15+$0x140] =	vst v0;
	v2 =	vmul.f32 $8.000000000e+00, v4  }
0x10e: {  	v3 =	vmul.f32 $8.000000000e+00, v19;
	[tilespmem:s15+$0x150] =	vst v1;
	v19 =	vld [tilespmem:s15+$0x1B0]  }
.Ltmp4:
0x10f: {  	v0 =	vmul.f32 $8.000000000e+00, v6;
	v11 =	vld [tilespmem:s15+$0x190];
	[tilespmem:s15+$0x1F0] =	vst v2;
	(pc) =	sbr.rel @p0 .LBB2_7-.Ltmp4, $4  }
0x110: {  	v2 =	vmul.f32 $8.000000000e+00, v12;
	[tilespmem:s15+$0xE0] =	vst v16;
	v12 =	vld [tilespmem:s15+$0x1C0]  }
0x111: {  	v4 =	vmul.f32 $8.000000000e+00, v13;
	[tilespmem:s15+$0xD0] =	vst v15;
	v13 =	vld [tilespmem:s15+$0x180]  }
0x112: {  	v1 =	vmul.f32 $8.000000000e+00, v14;
	[tilespmem:s15+$0xC0] =	vst v17;
	v15 =	vld [tilespmem:s15+$0x170]  }
0x113: {  	s15 =	sadd.s32 $0x200, s15;
	[tilespmem:s12+$0xB0] =	vst v18;
	v14 =	vld [tilespmem:s12+$0x160];
	v6 =	vmul.f32 $8.000000000e+00, v19  }
0x114: {  	[tilespmem:s12+$0xA0] =	vst v8  }
0x115: {  	[tilespmem:s12+$0x90] =	vst v9  }
0x116: {  	[tilespmem:s12+$0x80] =	vst v10  }
0x117: {  	[tilespmem:s12+$0x70] =	vst v7  }
0x118: {  	[tilespmem:s12+$0x60] =	vst v5  }
0x119: {  	[tilespmem:s12+$0x50] =	vst v3  }
0x11a: {  	[tilespmem:s12+$0x40] =	vst v0  }
0x11b: {  	[tilespmem:s12+$0x30] =	vst v2  }
0x11c: {  	[tilespmem:s12+$0x20] =	vst v4  }
0x11d: {  	v0 =	vmul.f32 $8.000000000e+00, v11;
	[tilespmem:s12+$0x10] =	vst v1  }
0x11e: {  	v8 =	vmul.f32 $8.000000000e+00, v12;
	[tilespmem:s12+$0x1B0] =	vst v6  }
0x11f: {  	v9 =	vmul.f32 $8.000000000e+00, v13;
	[tilespmem:s12+$0x190] =	vst v0  }
0x120: {  	s0 =	sadd.s32 s4, s0;
	[tilespmem:s12+$0x1C0] =	vst v8;
	v7 =	vmul.f32 $8.000000000e+00, v15  }
0x121: {  	s0 =	smul.u32 $0x640, s0;
	[tilespmem:s12+$0x180] =	vst v9;
	v5 =	vmul.f32 $8.000000000e+00, v14  }
0x122: {  	[tilespmem:s12+$0x170] =	vst v7  }
0x123: {  	p0 =	seq.s32 s31, $0x7;
	s0 =	sadd.s32 s2, s0;
	[tilespmem:s12+$0x160] =	vst v5  }
0x124: {  	[hbm4b:s0+s3] =	stream.linear.scatter [tilespmem:s18], [sflag:$0x7], $0x3200, $0x38;
	[tilespmem:$0xE100] =	vst v63  }
0x125: {  	s0 =	simm.s32 @!p0 $0x5  }
0x126: {  	s12 =	smul.u32 @!p0 $0xC80, s31;
	_ =	swait.ge @!p0 [sflag:s0], $0x3200  }
0x127: {  	[sflag:s0] =	ssyncset.done @!p0 $0x0  }
0x128: {  	[sflag:s0] =	ssyncadd.s32 @!p0 $0xFFFFCE00;
	s0 =	sshra.s32 @!p0 s12, $0x2  }
0x129: {  	s13 =	simm.s32 @!p0 $0x80;
	s15 =	simm.s32 @!p0 $0x1900;
	s12 =	sadd.s32 @!p0 $0x320, s0  }
0x12a: {  	[tilespmem:s15], [sflag:$0x1] =	stream.indirect.gather @!p0 [hbm4b:s5+s13], $0x40, s12, s13, $0xb8;
	[tilespmem:$0xE100] =	vst v63  }
0x12b: {  	s0 =	sadd.s32 @!p0 $0x3A0, s0;
	s12 =	simm.s32 @!p0 $0x48;
	s13 =	simm.s32 @!p0 $0x3900  }
0x12c: {  	[tilespmem:s13], [sflag:$0x1] =	stream.indirect.gather @!p0 [hbm4b:s5+s12], $0x40, s0, s12, $0xb8;
	[tilespmem:$0xE100] =	vst v63  }
0x12d: {  	_ =	swait.ge [sflag:s24], $0x2000  }
0x12e: {  	[sflag:s24] =	ssyncset.done $0x0  }
0x12f: {  	[sflag:s24] =	ssyncadd.s32 $0xFFFFE000  }
0x130: {  	_ =	swait.ge [sflag:s24], $0x1200  }
0x131: {  	[sflag:s24] =	ssyncset.done $0x0  }
0x132: {  	s0 =	simm.s32 $0xAF00;
	[sflag:s24] =	ssyncadd.s32 $0xFFFFEE00  }
0x133: {  	v0 =	vld [tilespmem:s0+$0x1A0]  }
0x134: {  	v1 =	vld [tilespmem:s0+$0xA0]  }
0x135: {  	v2 =	vld [tilespmem:s0+$0x90]  }
0x136: {  	v3 =	vld [tilespmem:s0+$0x80]  }
0x137: {  	v4 =	vld [tilespmem:s0+$0xB0]  }
0x138: {  	v5 =	vld [tilespmem:s0+$0x70]  }
0x139: {  	v6 =	vld [tilespmem:s0+$0xC0]  }
0x13a: {  	v12 =	vld [tilespmem:s0+$0x60]  }
0x13b: {  	v7 =	vld [tilespmem:s0+$0xD0]  }
0x13c: {  	v8 =	vld [tilespmem:s0+$0xE0]  }
0x13d: {  	v9 =	vld [tilespmem:s0+$0x1D0]  }
0x13e: {  	v10 =	vld [tilespmem:s0+$0x1E0]  }
0x13f: {  	v11 =	vld [tilespmem:s0+$0x0]  }
0x140: {  	v13 =	vld [tilespmem:s0+$0xF0]  }
0x141: {  	v14 =	vld [tilespmem:s0+$0x100];
	v0 =	vmul.f32 $8.000000000e+00, v0  }
0x142: {  	v15 =	vld [tilespmem:s0+$0x110];
	v9 =	vmul.f32 $8.000000000e+00, v9  }
0x143: {  	v16 =	vld [tilespmem:s0+$0x120];
	v17 =	vmul.f32 $8.000000000e+00, v8;
	[tilespmem:s0+$0x1A0] =	vst v0  }
0x144: {  	v20 =	vld [tilespmem:s0+$0x10];
	v6 =	vmul.f32 $8.000000000e+00, v6;
	[tilespmem:s0+$0x1D0] =	vst v9  }
0x145: {  	v21 =	vld [tilespmem:s0+$0x1B0];
	v0 =	vmul.f32 $8.000000000e+00, v10;
	[tilespmem:s0+$0xE0] =	vst v17  }
0x146: {  	v10 =	vmul.f32 $8.000000000e+00, v11;
	v11 =	vld [tilespmem:s0+$0x130];
	[tilespmem:s0+$0xC0] =	vst v6  }
0x147: {  	v9 =	vmul.f32 $8.000000000e+00, v13;
	v13 =	vld [tilespmem:s0+$0x140];
	[tilespmem:s0+$0x1E0] =	vst v0  }
0x148: {  	[tilespmem:s0+$0x0] =	vst v10;
	v0 =	vmul.f32 $8.000000000e+00, v14;
	v10 =	vld [tilespmem:s0+$0x150]  }
0x149: {  	[tilespmem:s0+$0xF0] =	vst v9;
	v9 =	vmul.f32 $8.000000000e+00, v15;
	v14 =	vld [tilespmem:s0+$0x1F0]  }
0x14a: {  	v18 =	vld [tilespmem:s0+$0x30];
	v8 =	vmul.f32 $8.000000000e+00, v1;
	[tilespmem:s0+$0x100] =	vst v0;
	v0 =	vmul.f32 $8.000000000e+00, v16  }
0x14b: {  	v19 =	vld [tilespmem:s0+$0x20];
	v1 =	vmul.f32 $8.000000000e+00, v20;
	[tilespmem:s0+$0x110] =	vst v9;
	v9 =	vmul.f32 $8.000000000e+00, v11  }
0x14c: {  	v6 =	vmul.f32 $8.000000000e+00, v21;
	v15 =	vld [tilespmem:s0+$0x50];
	[tilespmem:s0+$0x120] =	vst v0;
	v0 =	vmul.f32 $8.000000000e+00, v13  }
0x14d: {  	v16 =	vld [tilespmem:s0+$0x40];
	v13 =	vmul.f32 $8.000000000e+00, v7;
	[tilespmem:s0+$0x130] =	vst v9;
	v7 =	vmul.f32 $8.000000000e+00, v10  }
0x14e: {  	v11 =	vld [tilespmem:s0+$0x190];
	v9 =	vmul.f32 $8.000000000e+00, v2;
	[tilespmem:s0+$0x140] =	vst v0;
	v0 =	vmul.f32 $8.000000000e+00, v14  }
0x14f: {  	[tilespmem:s0+$0x150] =	vst v7;
	v7 =	vmul.f32 $8.000000000e+00, v5;
	v5 =	vmul.f32 $8.000000000e+00, v12;
	v12 =	vld [tilespmem:s0+$0x1C0]  }
0x150: {  	v10 =	vmul.f32 $8.000000000e+00, v3;
	v14 =	vmul.f32 $8.000000000e+00, v4;
	[tilespmem:s0+$0xD0] =	vst v13;
	v13 =	vld [tilespmem:s0+$0x180]  }
0x151: {  	v3 =	vmul.f32 $8.000000000e+00, v15;
	v2 =	vmul.f32 $8.000000000e+00, v18;
	v15 =	vld [tilespmem:s0+$0x170];
	[tilespmem:s0+$0x1F0] =	vst v0  }
0x152: {  	s12 =	simm.s32 $0x0;
	s13 =	simm.s32 $0xB100;
	v4 =	vmul.f32 $8.000000000e+00, v19;
	v0 =	vmul.f32 $8.000000000e+00, v16;
	[tilespmem:s0+$0xB0] =	vst v14;
	v14 =	vld [tilespmem:s0+$0x160]  }
.LBB2_9:
0x153: {  	v16 =	vld [tilespmem:s13+$0x1A0];
	s12 =	sadd.s32 $0x8, s12;
	[tilespmem:s0+$0xA0] =	vst v8;
	v8 =	vmul.f32 $8.000000000e+00, v11  }
0x154: {  	v11 =	vld [tilespmem:s13+$0xA0];
	p1 =	slt.u32 s12, $0xC0;
	[tilespmem:s0+$0x90] =	vst v9;
	v9 =	vmul.f32 $8.000000000e+00, v12  }
0x155: {  	v12 =	vld [tilespmem:s13+$0x90];
	[tilespmem:s0+$0x80] =	vst v10;
	v10 =	vmul.f32 $8.000000000e+00, v13  }
0x156: {  	v13 =	vld [tilespmem:s13+$0x80];
	v15 =	vmul.f32 $8.000000000e+00, v15;
	[tilespmem:s0+$0x1C0] =	vst v9  }
0x157: {  	v9 =	vld [tilespmem:s13+$0xB0];
	[tilespmem:s0+$0x70] =	vst v7;
	v7 =	vmul.f32 $8.000000000e+00, v14  }
0x158: {  	v14 =	vld [tilespmem:s13+$0x70];
	v16 =	vmul.f32 $8.000000000e+00, v16;
	[tilespmem:s0+$0x180] =	vst v10  }
0x159: {  	v10 =	vld [tilespmem:s13+$0xC0];
	[tilespmem:s0+$0x60] =	vst v5  }
0x15a: {  	v5 =	vld [tilespmem:s13+$0x60];
	[tilespmem:s0+$0x170] =	vst v15  }
0x15b: {  	v15 =	vld [tilespmem:s13+$0xD0];
	[tilespmem:s0+$0x50] =	vst v3  }
0x15c: {  	v3 =	vld [tilespmem:s13+$0xE0];
	[tilespmem:s0+$0x160] =	vst v7  }
0x15d: {  	v7 =	vld [tilespmem:s13+$0x1D0];
	[tilespmem:s0+$0x40] =	vst v0  }
0x15e: {  	v0 =	vld [tilespmem:s13+$0x1E0];
	[tilespmem:s0+$0x30] =	vst v2  }
0x15f: {  	v2 =	vld [tilespmem:s13+$0x0];
	[tilespmem:s0+$0x20] =	vst v4  }
0x160: {  	v4 =	vld [tilespmem:s13+$0xF0];
	[tilespmem:s0+$0x190] =	vst v8  }
0x161: {  	v8 =	vld [tilespmem:s13+$0x100];
	[tilespmem:s0+$0x10] =	vst v1  }
0x162: {  	v1 =	vld [tilespmem:s13+$0x110];
	v7 =	vmul.f32 $8.000000000e+00, v7;
	[tilespmem:s0+$0x1B0] =	vst v6;
	s0 =	smov.u32 s13  }
0x163: {  	v6 =	vld [tilespmem:s13+$0x120];
	[tilespmem:s13+$0x1A0] =	vst v16;
	v0 =	vmul.f32 $8.000000000e+00, v0  }
0x164: {  	v16 =	vmul.f32 $8.000000000e+00, v3;
	v2 =	vmul.f32 $8.000000000e+00, v2;
	v3 =	vld [tilespmem:s13+$0x130];
	[tilespmem:s13+$0x1D0] =	vst v7  }
0x165: {  	v15 =	vmul.f32 $8.000000000e+00, v15;
	v4 =	vmul.f32 $8.000000000e+00, v4;
	v7 =	vld [tilespmem:s13+$0x140];
	[tilespmem:s13+$0x1E0] =	vst v0  }
0x166: {  	v17 =	vmul.f32 $8.000000000e+00, v10;
	[tilespmem:s13+$0x0] =	vst v2;
	v0 =	vmul.f32 $8.000000000e+00, v8;
	v2 =	vld [tilespmem:s13+$0x150]  }
0x167: {  	v18 =	vmul.f32 $8.000000000e+00, v9;
	[tilespmem:s13+$0xF0] =	vst v4;
	v1 =	vmul.f32 $8.000000000e+00, v1;
	v4 =	vld [tilespmem:s13+$0x1F0]  }
0x168: {  	v8 =	vmul.f32 $8.000000000e+00, v11;
	v19 =	vld [tilespmem:s13+$0x50];
	[tilespmem:s13+$0x100] =	vst v0;
	v0 =	vmul.f32 $8.000000000e+00, v6  }
0x169: {  	v9 =	vmul.f32 $8.000000000e+00, v12;
	v6 =	vld [tilespmem:s13+$0x40];
	[tilespmem:s13+$0x110] =	vst v1;
	v1 =	vmul.f32 $8.000000000e+00, v3  }
0x16a: {  	v10 =	vmul.f32 $8.000000000e+00, v13;
	v12 =	vld [tilespmem:s13+$0x30];
	[tilespmem:s13+$0x120] =	vst v0;
	v0 =	vmul.f32 $8.000000000e+00, v7  }
0x16b: {  	v7 =	vmul.f32 $8.000000000e+00, v14;
	v13 =	vld [tilespmem:s13+$0x20];
	[tilespmem:s13+$0x130] =	vst v1;
	v1 =	vmul.f32 $8.000000000e+00, v2  }
0x16c: {  	v5 =	vmul.f32 $8.000000000e+00, v5;
	v14 =	vld [tilespmem:s13+$0x10];
	[tilespmem:s13+$0x140] =	vst v0;
	v2 =	vmul.f32 $8.000000000e+00, v4  }
0x16d: {  	v3 =	vmul.f32 $8.000000000e+00, v19;
	[tilespmem:s13+$0x150] =	vst v1;
	v19 =	vld [tilespmem:s13+$0x1B0]  }
.Ltmp5:
0x16e: {  	v0 =	vmul.f32 $8.000000000e+00, v6;
	v11 =	vld [tilespmem:s13+$0x190];
	[tilespmem:s13+$0x1F0] =	vst v2;
	(pc) =	sbr.rel @p1 .LBB2_9-.Ltmp5, $4  }
0x16f: {  	v2 =	vmul.f32 $8.000000000e+00, v12;
	[tilespmem:s13+$0xE0] =	vst v16;
	v12 =	vld [tilespmem:s13+$0x1C0]  }
0x170: {  	v4 =	vmul.f32 $8.000000000e+00, v13;
	[tilespmem:s13+$0xD0] =	vst v15;
	v13 =	vld [tilespmem:s13+$0x180]  }
0x171: {  	v1 =	vmul.f32 $8.000000000e+00, v14;
	[tilespmem:s13+$0xC0] =	vst v17;
	v15 =	vld [tilespmem:s13+$0x170]  }
0x172: {  	s13 =	sadd.s32 $0x200, s13;
	[tilespmem:s0+$0xB0] =	vst v18;
	v14 =	vld [tilespmem:s0+$0x160];
	v6 =	vmul.f32 $8.000000000e+00, v19  }
0x173: {  	[tilespmem:s0+$0xA0] =	vst v8  }
0x174: {  	[tilespmem:s0+$0x90] =	vst v9  }
0x175: {  	[tilespmem:s0+$0x80] =	vst v10  }
0x176: {  	[tilespmem:s0+$0x70] =	vst v7  }
0x177: {  	[tilespmem:s0+$0x60] =	vst v5  }
0x178: {  	[tilespmem:s0+$0x50] =	vst v3  }
0x179: {  	[tilespmem:s0+$0x40] =	vst v0  }
0x17a: {  	[tilespmem:s0+$0x30] =	vst v2  }
0x17b: {  	[tilespmem:s0+$0x20] =	vst v4  }
0x17c: {  	v63 =	vmul.f32 $8.000000000e+00, v11;
	[tilespmem:s0+$0x10] =	vst v1  }
0x17d: {  	v59 =	vmul.f32 $8.000000000e+00, v12;
	[tilespmem:s0+$0x1B0] =	vst v6  }
0x17e: {  	v60 =	vmul.f32 $8.000000000e+00, v13;
	[tilespmem:s0+$0x190] =	vst v63  }
.Ltmp6:
0x17f: {  	s1 =	sadd.s32 s4, s1;
	[tilespmem:s0+$0x1C0] =	vst v59;
	v61 =	vmul.f32 $8.000000000e+00, v15;
	(pc) =	sbr.rel @p0 .LBB2_12-.Ltmp6, $4  }
0x180: {  	s1 =	smul.u32 $0x640, s1;
	[tilespmem:s0+$0x180] =	vst v60;
	v62 =	vmul.f32 $8.000000000e+00, v14  }
0x181: {  	[tilespmem:s0+$0x170] =	vst v61  }
0x182: {  	s15 =	sadd.s32 s2, s1;
	[tilespmem:s0+$0x160] =	vst v62  }
0x183: {  	[hbm4b:s15+s3] =	stream.linear.scatter [tilespmem:s21], [sflag:$0x8], $0x3200, $0x38;
	[tilespmem:$0xE100] =	vst v63  }
0x184: {  	s0 =	smul.u32 $0xC80, s31  }
0x185: {  	_ =	swait.ge [sflag:s26], $0x3200  }
.Ltmp7:
0x186: {  	[sflag:s26] =	ssyncset.done $0x0;
	s0 =	sshra.s32 s0, $0x2;
	(pc) =	sbr.rel .LBB2_2-.Ltmp7, $4  }
0x187: {  	[sflag:s26] =	ssyncadd.s32 $0xFFFFCE00;
	s1 =	sadd.s32 $0x3E8, s0  }
0x188: {  	[tilespmem:s14], [sflag:$0x2] =	stream.indirect.gather [hbm4b:s5+s9], $0x40, s1, s9, $0xb8;
	[tilespmem:$0xE100] =	vst v63  }
0x189: {  	s31 =	sadd.s32 $0x1, s31;
	s0 =	sadd.s32 $0x468, s0  }
0x18a: {  	[tilespmem:s16], [sflag:$0x2] =	stream.indirect.gather [hbm4b:s5+s11], $0x40, s0, s11, $0xb8;
	[tilespmem:$0xE100] =	vst v63  }
.LBB2_13:
0x18b: {  	_ =	sfence.sel $0x180000  }
0x18c: {  	[bflag:$0x0] =	sbarrier.arrive $0xFFFF  }
0x18d: {  	_ =	strace $0x90000047  }
0x18e: {  	s0 =	stileid.u32;
	[bflag:$0x2] =	sbarrier.arrive $0xFFFF  }
0x18f: {  	p0 =	sne.s32 s0, $0x0;
	s0 =	rddreg [dreg:$0x2]  }
0x190: {  	s0 =	sadd.s32 @!p0 $0x100000, s0  }
0x191: {  	[sflag:s0] =	ssyncadd.tile.s32 @!p0 $0x1;
	_ =	shalt  }
.Lfunc_end2:
_tile_overlayer_lowered:
.L_overlay_start_2:
0x192: {  	(tag) =	ssettag $0x2  }
0x193: {  	s0 =	rddreg [dreg:$0x0];
	s2 =	stileid.u32  }
0x194: {  	s1 =	rddreg [dreg:$0x1];
	p0 =	sne.s32 s2, $0x0  }
0x195: {  	s3 =	rddreg [dreg:$0x2];
	[bflag:$0x3] =	sbarrier.arrive $0xFFFF;
	s2 =	simm.s32 @!p0 $0x1C09  }
0x196: {  	[timem:s3], [sflag:s2] =	dma.local @!p0 [hbm:s0], s1  }
0x197: {  	s0 =	simm.s32 @!p0 $0x9  }
0x198: {  	_ =	swait.ge @!p0 [sflag:s0], s1  }
0x199: {  	s1 =	ssub.s32 @!p0 $0x0, s1;
	[sflag:s0] =	ssyncset.done @!p0 $0x0  }
0x19a: {  	[sflag:s0] =	ssyncadd.s32 @!p0 s1  }
0x19b: {  	[bflag:$0x3] =	sbarrier.arrive $0xFFFF  }
0x19c: {  	_ =	shalt  }

// kernel: sparse-core-data-format-call.cloned.1.call-start
scs
called_computation_lowered:
.L_overlay_start_0:
0x0: {  	s2 =	sld [smem:$0x3FD9]  }
0x1: {  	s3 =	sld [smem:$0x3FFE];
	_ =	sdelay $0x1  }
0x2: {  	s1 =	srdreg.scid  }
0x3: {  	s0 =	sand.u32 $0x1, s1  }
0x4: {  	s18 =	sshll.u32 s0, $0xA;
	s2 =	sadd.s32 s3, s2  }
0x5: {  	s2 =	sadd.s32 s2, s18  }
0x6: {  	[smem:$0x3FC6] =	sst s2  }
0x7: {  	_ = 	snop  }
0x8: {  	s2 =	sld [smem:$0x3FD0];
	(tm) =	ssettm $0x1  }
0x9: {  	s19 =	sld [smem:$0x3FFB];
	_ =	sdelay $0x3  }
0xa: {  	_ =	strace s19  }
0xb: {  	s3 =	sld [smem:$0x3FFC];
	_ =	sdelay $0x3  }
0xc: {  	_ =	strace s3  }
0xd: {  	s3 =	sld [smem:$0x3FFD];
	_ =	sdelay $0x3  }
0xe: {  	_ =	strace s3  }
0xf: {  	_ =	strace $0x8FFFFFFF  }
0x10: {  	s20 =	sld [smem:$0x3FDB];
	_ =	sdelay $0x1  }
0x11: {  	s4 =	simm.s32 $_scs_section_size  }
0x12: {  	s5 =	simm.s32 $_size__tile_overlayer_lowered;
	s6 =	simm.s32 $_tile_overlayer_lowered  }
0x13: {  	s23 =	simm.s32 $0x1BFF;
	s22 =	sshll.u32 s6, $0x1;
	s3 =	sadd.s32 s4, s20  }
0x14: {  	s7 =	simm.s32 $0x0;
	s21 =	sshll.u32 s5, $0x1;
	s5 =	sadd.s32 s22, s3  }
0x15: {  	[timem:s7], [sflag:s23] =	dma.local [hbm:s5], s21  }
0x16: {  	_ =	swait.ge [sflag:s23], s21  }
0x17: {  	s4 =	ssub.s32 $0x0, s21;
	[sflag:s23] =	ssyncset.done $0x0  }
0x18: {  	[sflag:s23] =	ssyncadd.s32 s4;
	_ =	sdelay $0x1  }
0x19: {  	s24 =	simm.s32 $0x1B8B  }
0x1a: {  	_ =	swait.ge [sflag:s24], $0x1  }
0x1b: {  	[sflag:s24] =	ssyncset.done $0x0  }
0x1c: {  	s26 =	simm.s32 $0x1B8E;
	s25 =	sld [smem:$0x3FFE];
	[sflag:s24] =	ssyncadd.s32 $0xFFFFFFFF  }
0x1d: {  	s27 =	simm.s32 $execute0_lowered;
	[smem:$0x3FD2] =	sst s26  }
0x1e: {  	s5 =	sshll.u32 s27, $0x1;
	_ =	strace $0x80000049;
	[dreg:$0x1] =	wrdreg $0xFFFFFFFF  }
0x1f: {  	s28 =	simm.s32 $_size_execute0_lowered;
	s3 =	sadd.s32 s3, s5;
	[dreg:$0x0] =	wrdreg $0x0  }
0x20: {  	s5 =	sshll.u32 s28, $0x1;
	[dreg:$0x2] =	wrdreg s3  }
0x21: {  	[dreg:$0x3] =	wrdreg s5  }
0x22: {  	[dreg:$0x4] =	wrdreg $0xC0  }
0x23: {  	_ =	task [dreg:s7], $0x5FFFF  }
0x24: {  	[dreg:$0x1] =	wrdreg $0xFFFFFFFF  }
0x25: {  	[dreg:$0x0] =	wrdreg $0x60  }
0x26: {  	[dreg:$0x2] =	wrdreg s25  }
0x27: {  	[dreg:$0x3] =	wrdreg s2  }
0x28: {  	[dreg:$0x4] =	wrdreg $0x9  }
0x29: {  	_ =	task.clear_ibuf [dreg:s7], $0x5FFFF;
	_ =	strace $0x90000049  }
0x2a: {  	s29 =	simm.s32 $0x9;
	_ =	strace $0x8000004B  }
0x2b: {  	_ =	swait.ge [sflag:s29], $0x1  }
0x2c: {  	[sflag:s29] =	ssyncadd.s32 $0xFFFFFFFF  }
0x2d: {  	_ =	strace $0x9000004B  }
0x2e: {  	_ =	sfence  }
0x2f: {  	s30 =	sld [smem:$0x0];
	_ =	sdelay $0x2  }
0x30: {  	s31 =	sshll.u32 s1, $0xD;
	s1 =	sshrl.u32 s1, $0x2  }
0x31: {  	s3 =	sand.u32 $0x4000, s31;
	s1 =	sadd.s32 s1, s30  }
0x32: {  	s0 =	sor.u32 s3, s0;
	s1 =	sshll.u32 s1, $0x11  }
0x33: {  	s0 =	sor.u32 s1, s0  }
0x34: {  	s0 =	sadd.s32 $0x8F2B, s0  }
0x35: {  	[sflag:s0] =	ssyncadd.remote.s32 $0x1  }
0x36: {  	_ =	sfence.sel $0xFFFF  }
0x37: {  	[dreg:$0x0] =	wrdreg $0xFFFFFFFF;
	(pc) =	sbr.abs _section_cstart, $3  }
0x38: {  	[dreg:$0x1] =	wrdreg $0xFFFFFFFF  }
0x39: {  	_ =	task.clear_ibuf [dreg:s7], $0x2FFFF;
	_ =	strace $0x9FFFFFFF  }
0x3a: {  	(tm) =	ssettm $0x7FFFFFFF  }
0x3b: {  	_ =	shalt  }
tec
execute0_lowered:
.L_overlay_start_1:
0x0: {  	(tag) =	ssettag $0x1  }
0x1: {  	s0 =	stileid.u32;
	s6 =	rddreg [dreg:$0x0]  }
0x2: {  	s2 =	rddreg [dreg:$0x1];
	s5 =	srdreg.scid  }
0x3: {  	s31 =	simm.s32 $0x2;
	s13 =	simm.s32 $0x0;
	s1 =	sshll.u32 s0, $0x7  }
0x4: {  	s14 =	simm.s32 $0x0;
	s12 =	simm.s32 $0x0;
	s3 =	sand.u32 $0x380, s1  }
0x5: {  	s5 =	sshll.u32 s5, $0x4;
	s6 =	sadd.s32 $0xA00, s6;
	s4 =	ssub.s32 $0x400, s3  }
0x6: {  	s1 =	rddreg [dreg:$0x2];
	_ =	strace $0x8000004A;
	s7 =	sand.u32 $0x380, s4  }
0x7: {  	s5 =	sand.u32 $0x10, s5;
	p0 =	sne.s32 s7, $0x0;
	s7 =	simm.s32 $0x1  }
.Ltmp0:
0x8: {  	s8 =	sshrl.u32 s4, $0xA;
	s7 =	simm.s32 @!p0 $0x0;
	(pc) =	sbr.rel .LBB1_1-.Ltmp0, $4  }
0x9: {  	s9 =	sor.u32 s0, s5;
	s4 =	simm.s32 $0x1;
	s30 =	sadd.s32 s7, s8  }
0xa: {  	s11 =	smov.u32 s3;
	[sflag:s4] =	ssyncpa.u1 $0x0;
	s5 =	smul.u32 $0x32, s30  }
0xb: {  	[sflag:s31] =	ssyncpa.u1 $0x0;
	p0 =	por $0x0, $0x0;
	s7 =	sshrl.u32 s9, $0x3  }
0xc: {  	s9 =	simm.s32 $0x2000;
	s10 =	smov.u32 s7;
	s8 =	sor.u32 $0x1, s5  }
.LBB1_4:
0xd: {  	s17 =	sand.u32 $0x1F80, s14;
	s13 =	sshll.u32 s13, $0xD  }
0xe: {  	[tilespmem:s16+$0x810 ss:$0x81] =	vst.msk $0xffff, v2;
	s18 =	sshrl.u32 s14, $0x3;
	s31 =	sand.u32 $0x7, s14;
	s17 =	sadd.s32 s2, s17  }
0xf: {  	[tilespmem:s16+$0x1020 ss:$0x81] =	vst.msk $0xffff, v0;
	s18 =	sand.u32 $0xF, s18;
	s14 =	sshll.u32 s31, $0x12;
	s13 =	sadd.s32 s13, s17  }
0x10: {  	[tilespmem:s16+$0x0 ss:$0x81] =	vst.msk $0xffff, v1;
	s14 =	sor.u32 $0x400, s14;
	s13 =	sadd.s32 s18, s13  }
0x11: {  	[hbm4b:s13+s14] =	stream.strided.scatter [tilespmem:s15], [sflag:$0x2], $0x2000, s9, s14, $0x20;
	[tilespmem:$0x8080] =	vst v63  }
.LBB1_5:
0x12: {  	s15 =	sadd.s32 $0x4, s10  }
0x13: {  	s13 =	sadd.s32 $0x400, s11;
	s17 =	smov.u32 s11;
	p2 =	sgt.s32 s15, $0xC7  }
0x14: {  	s17 =	smov.u32 @p2 s13  }
0x15: {  	s15 =	smov.u32 @p2 s7;
	p2 =	sgt.s32 s17, $0x3FF  }
0x16: {  	s17 =	smov.u32 @p2 s3;
	p2 =	sne.s32 s12, s8  }
.Ltmp1:
0x17: {  	p1 =	slt.u32 s12, $0x2;
	(pc) =	sbr.rel @!p2 .LBB1_6-.Ltmp1, $4  }
0x18: {  	s16 =	simm.s32 @!p1 $0x2  }
0x19: {  	s14 =	smov.u32 s11;
	p0 =	por !p0, !p0;
	_ =	swait.ge @!p1 [sflag:s16], $0x2000  }
0x1a: {  	s13 =	smov.u32 s10;
	[sflag:s16] =	ssyncset.done @!p1 $0x0;
	s10 =	smov.u32 s15  }
0x1b: {  	s12 =	sadd.s32 $0x1, s12;
	[sflag:s16] =	ssyncadd.s32 @!p1 $0xFFFFE000;
	s11 =	smov.u32 s17  }
.LBB1_1:
0x1c: {  	p1 =	sge.u32 s12, s5  }
0x1d: {  	s15 =	sand.u32 @!p1 $0x1FFFFFF, s10  }
0x1e: {  	s16 =	smulhi.u32 @!p1 $0x147AE15, s15;
	_ =	sdelay $0x1  }
0x1f: {  	s16 =	smul.u32 @!p1 $0xC8, s16  }
0x20: {  	s17 =	sxor.u32 @!p1 $0xFFFFFFFF, s12;
	s18 =	smul.u32 @!p1 $0xC80, s11  }
0x21: {  	s31 =	sadd.s32 $0xFFFFFFFF, s12;
	s17 =	sshll.u32 @!p1 s17, $0xD;
	s15 =	ssub.s32 @!p1 s15, s16  }
0x22: {  	s16 =	sand.u32 @!p1 $0x2000, s17;
	s17 =	sadd.s32 @!p1 s6, s18;
	s15 =	sshll.u32 @!p1 s15, $0x4  }
0x23: {  	s18 =	simm.s32 @!p1 $0x6400;
	s15 =	sadd.s32 @!p1 s15, s17;
	s17 =	simm.s32 @!p1 $0x40  }
0x24: {  	[tilespmem:s16], [sflag:$0x1] =	stream.strided.gather @!p1 [hbm4b:s15+s17], $0x2000, s18, s17, $0x38;
	[tilespmem:$0x8080] =	vst v63  }
0x25: {  	p1 =	sge.u32 s31, s5  }
.Ltmp2:
0x26: {  	_ = 	snop;
	(pc) =	sbr.rel @p1 .LBB1_5-.Ltmp2, $1  }
0x27: {  	_ =	sdelay $0x3  }
0x28: {  	s15 =	simm.s32 $0x1  }
0x29: {  	_ =	swait.ge [sflag:s4], $0x2000;
	s15 =	simm.s32 @!p0 $0x0  }
0x2a: {  	[sflag:s4] =	ssyncset.done $0x0;
	s16 =	sshll.u32 s15, $0xD  }
0x2b: {  	[sflag:s4] =	ssyncadd.s32 $0xFFFFE000;
	s19 =	sor.u32 $0x20, s16  }
0x2c: {  	s15 =	smul.u32 $0x8100, s15;
	v3 =	vld [tilespmem:s19+$0x10]  }
0x2d: {  	s30 =	sand.u32 $0x1, s12;
	v2 =	vld [tilespmem:s19+$0xFFFFFFF0]  }
0x2e: {  	s16 =	smul.u32 $0x8100, s30;
	s15 =	sshrl.u32 s15, $0x2;
	v0 =	vld [tilespmem:s19+$0x0]  }
0x2f: {  	v1 =	vld [tilespmem:s19+$0xFFFFFFE0];
	s17 =	sor.u32 $0x4000, s15  }
0x30: {  	s31 =	sshrl.u32 s16, $0x2;
	s16 =	sadd.s32 $0x0, s17  }
0x31: {  	s18 =	simm.s32 $0x4;
	s19 =	sadd.s32 $0x40, s19;
	s15 =	sor.u32 $0x4000, s31;
	[tilespmem:s16+$0x1830 ss:$0x81] =	vst.msk $0xffff, v3  }
.LBB1_3:
0x32: {  	v3 =	vld [tilespmem:s19+$0x10];
	p1 =	sne.s32 s18, $0x1FC;
	[tilespmem:s16+$0x810 ss:$0x81] =	vst.msk $0xffff, v2;
	s20 =	smov.u32 s18;
	s18 =	sadd.s32 $0x4, s18  }
.Ltmp3:
0x33: {  	v2 =	vld [tilespmem:s19+$0xFFFFFFF0];
	[tilespmem:s16+$0x1020 ss:$0x81] =	vst.msk $0xffff, v0;
	(pc) =	sbr.rel @p1 .LBB1_3-.Ltmp3, $4  }
0x34: {  	v0 =	vld [tilespmem:s19+$0x0];
	[tilespmem:s16+$0x0 ss:$0x81] =	vst.msk $0xffff, v1  }
0x35: {  	s16 =	sshra.s32 s20, $0x2;
	v1 =	vld [tilespmem:s19+$0xFFFFFFE0]  }
0x36: {  	s16 =	sadd.s32 s16, s17  }
0x37: {  	s19 =	sadd.s32 $0x40, s19;
	[tilespmem:s16+$0x1830 ss:$0x81] =	vst.msk $0xffff, v3  }
.Ltmp4:
0x38: {  	_ = 	snop;
	(pc) =	sbr.rel .LBB1_4-.Ltmp4, $1  }
0x39: {  	_ =	sdelay $0x3  }
.LBB1_6:
0x3a: {  	_ =	sfence.sel $0x180000  }
0x3b: {  	s2 =	simm.s32 $0x1;
	[bflag:$0x0] =	sbarrier.arrive $0xFFFF  }
0x3c: {  	s31 =	simm.s32 $0x2;
	[sflag:s2] =	ssyncpa.u1 $0x1  }
0x3d: {  	[sflag:s31] =	ssyncpa.u1 $0x1  }
0x3e: {  	p0 =	sne.s32 s0, $0x0;
	_ =	strace $0x9000004A  }
0x3f: {  	s0 =	sadd.s32 @!p0 $0x100000, s1;
	[bflag:$0x2] =	sbarrier.arrive $0xFFFF  }
0x40: {  	[sflag:s0] =	ssyncadd.tile.s32 @!p0 $0x1;
	_ =	shalt  }
.Lfunc_end1:
_tile_overlayer_lowered:
.L_overlay_start_2:
0x41: {  	(tag) =	ssettag $0x2  }
0x42: {  	s0 =	rddreg [dreg:$0x0];
	s2 =	stileid.u32  }
0x43: {  	s1 =	rddreg [dreg:$0x1];
	p0 =	sne.s32 s2, $0x0  }
0x44: {  	s3 =	rddreg [dreg:$0x2];
	[bflag:$0x3] =	sbarrier.arrive $0xFFFF;
	s2 =	simm.s32 @!p0 $0x1C01  }
0x45: {  	[timem:s3], [sflag:s2] =	dma.local @!p0 [hbm:s0], s1  }
0x46: {  	s0 =	simm.s32 @!p0 $0x1  }
0x47: {  	_ =	swait.ge @!p0 [sflag:s0], s1  }
0x48: {  	s1 =	ssub.s32 @!p0 $0x0, s1;
	[sflag:s0] =	ssyncset.done @!p0 $0x0  }
0x49: {  	[sflag:s0] =	ssyncadd.s32 @!p0 s1  }
0x4a: {  	[bflag:$0x3] =	sbarrier.arrive $0xFFFF  }
0x4b: {  	_ =	shalt  }

</sc_bundles>
